<compile_context>
chip_gen: v7x
topology: tpu7x:2x2x1
jax: 0.10.2.dev20260603
libtpu: 0.0.44.dev20260713+nightly
codegen_flags: <defaults>
</compile_context>

<pallas_src>
import functools

import jax
import jax.numpy as jnp
from jax import lax
from jax.experimental import pallas as pl
from jax.experimental.pallas import tpu as pltpu
from jax.experimental.pallas import tpu_sc as plsc

N_TOKENS = 5
DIM = 64
LANES = 16
NUM_CORES = 2
NUM_SUBCORES = 16
NUM_WORKERS = NUM_CORES * NUM_SUBCORES


@functools.partial(jax.jit, static_argnums=(4, 5))
def _sc_embed(table, idx2d, g1f, g2f, batch, seq):
    s_emb = seq - N_TOKENS
    rows_w = batch // NUM_WORKERS
    n_chunks = idx2d.shape[0] // NUM_WORKERS
    chunk = idx2d.shape[1]
    rows_c = chunk // s_emb
    pref_rows = rows_w * N_TOKENS

    mesh = plsc.VectorSubcoreMesh(
        core_axis_name="c", subcore_axis_name="s",
        num_cores=NUM_CORES, num_subcores=NUM_SUBCORES)

    @functools.partial(
        pl.kernel,
        out_type=jax.ShapeDtypeStruct((batch * seq, DIM), jnp.float32),
        mesh=mesh,
        scratch_types=[
            pltpu.VMEM((n_chunks, chunk), jnp.int32),
            pltpu.VMEM((chunk, DIM), jnp.float32),
            pltpu.VMEM((pref_rows, DIM), jnp.float32),
            pltpu.VMEM((pref_rows, DIM), jnp.float32),
            pltpu.SemaphoreType.DMA,
        ],
        compiler_params=pltpu.CompilerParams(use_tc_tiling_on_sc=False),
    )
    def body(table_hbm, idx_hbm, g1_hbm, g2_hbm, out_hbm,
             idx_v, rows_v, g1_v, g2_v, sem):
        wid = lax.axis_index("s") * NUM_CORES + lax.axis_index("c")
        b0 = wid * rows_w

        pltpu.sync_copy(idx_hbm.at[pl.ds(wid * n_chunks, n_chunks)], idx_v)
        pltpu.sync_copy(g1_hbm.at[pl.ds(wid * pref_rows, pref_rows)], g1_v)
        pltpu.sync_copy(g2_hbm.at[pl.ds(wid * pref_rows, pref_rows)], g2_v)

        def pref_body(r, carry):
            for c in range(DIM // LANES):
                a = g1_v[r, pl.ds(c * LANES, LANES)]
                b = g2_v[r, pl.ds(c * LANES, LANES)]
                g1_v[r, pl.ds(c * LANES, LANES)] = a / (a + b)
            return carry
        lax.fori_loop(0, pref_rows, pref_body, 0)

        for r in range(rows_w):
            pltpu.sync_copy(
                g1_v.at[pl.ds(r * N_TOKENS, N_TOKENS)],
                out_hbm.at[pl.ds((b0 + r) * seq, N_TOKENS)])

        for c in range(n_chunks):
            pltpu.async_copy(table_hbm.at[idx_v.at[c]], rows_v, sem).wait()
            for r in range(rows_c):
                b = b0 + c * rows_c + r
                pltpu.sync_copy(
                    rows_v.at[pl.ds(r * s_emb, s_emb)],
                    out_hbm.at[pl.ds(b * seq + N_TOKENS, s_emb)])

    return body(table, idx2d, g1f, g2f)


def kernel(tokens, table, alpha, beta):
    batch, seq = tokens.shape
    s_emb = seq - N_TOKENS
    key = jax.random.key(42)
    ka, kb = jax.random.split(key)
    g1 = jax.random.gamma(ka, alpha, shape=(batch,) + alpha.shape)
    g2 = jax.random.gamma(kb, beta, shape=(batch,) + beta.shape)
    g1f = g1.reshape(batch * N_TOKENS, DIM)
    g2f = g2.reshape(batch * N_TOKENS, DIM)

    n_chunks = 8
    chunk = (batch // NUM_WORKERS // n_chunks) * s_emb
    idx2d = tokens[:, N_TOKENS:].reshape(NUM_WORKERS * n_chunks, chunk)

    out = _sc_embed(table, idx2d, g1f, g2f, batch, seq)
    return out.reshape(batch, seq, DIM)

# --- scband reference (transcript-rebuilt; emitter-appended) ---
"""Pipeline reference for scband-soft-single-embedding-beta-16003048145480 (READ-ONLY COPY).

The authoritative reference and input builder live on the scoring server;
editing this copy changes nothing except your own understanding.
"""

import jax, jax.numpy as jnp
import numpy as np

N_TOKENS = 5
VOCAB = 1000000
DIM = 64
BATCH = 1024
SEQ = 200


def setup_inputs(seed: int = 0) -> dict:
    key = jax.random.key(seed)
    k_tok, k_tab = jax.random.split(key)
    tokens = jax.random.randint(k_tok, (BATCH, SEQ), 0, VOCAB, dtype=jnp.int32)
    table = jax.random.normal(k_tab, (VOCAB, DIM), dtype=jnp.float32) * 0.02
    alpha = jnp.full((N_TOKENS, DIM), 5.0, dtype=jnp.float32)
    beta = jnp.full((N_TOKENS, DIM), 6.0, dtype=jnp.float32)
    return {"tokens": tokens, "table": table, "alpha": alpha, "beta": beta}


def reference(tokens, table, alpha, beta):
    # input_embedding = self.wte(tokens[:, n_tokens:])  -> embedding gather
    input_embedding = jnp.take(table, tokens[:, N_TOKENS:], axis=0)
    B = tokens.shape[0]
    # Beta(alpha, beta).rsample((B,)) via reparameterized gammas: X~Gamma(a), Y~Gamma(b), X/(X+Y)~Beta(a,b)
    key = jax.random.key(42)
    ka, kb = jax.random.split(key)
    g1 = jax.random.gamma(ka, alpha, shape=(B,) + alpha.shape)
    g2 = jax.random.gamma(kb, beta, shape=(B,) + beta.shape)
    prefix = g1 / (g1 + g2)  # [B, n_tokens, dim]
    return jnp.concatenate([prefix, input_embedding], axis=1)

if __name__ == "__main__":
    import jax
    _d = setup_inputs()
    print(jax.jit(kernel)(*tuple(_d.values())))

</pallas_src>

<mosaic_0001>
#map = affine_map<(d0, d1) -> (0, 0)>
module attributes {stable_mosaic.version = 14 : i64} {
  func.func @body(%arg0: i32, %arg1: i32, %arg2: memref<1000000x64xf32, #tpu.memory_space<hbm>>, %arg3: memref<256x780xi32, #tpu.memory_space<hbm>>, %arg4: memref<5120x64xf32, #tpu.memory_space<hbm>>, %arg5: memref<5120x64xf32, #tpu.memory_space<hbm>>, %arg6: memref<204800x64xf32, #tpu.memory_space<hbm>>, %arg7: memref<8x780xi32, #tpu.memory_space<vmem>>, %arg8: memref<780x64xf32, #tpu.memory_space<vmem>>, %arg9: memref<160x64xf32, #tpu.memory_space<vmem>>, %arg10: memref<160x64xf32, #tpu.memory_space<vmem>>, %arg11: memref<!tpu.dma_semaphore, #tpu.memory_space<semaphore_mem>>) attributes {dimension_semantics = [#tpu.dimension_semantics<core_parallel>, #tpu.dimension_semantics<subcore_parallel>], iteration_bounds = array<i64: 2, 16>, scalar_prefetch = 0 : i64, scratch_operands = 5 : i64, tpu.core_type = #tpu.core_type<sc_vector_subcore>, window_params = [{transform_indices = #map}, {transform_indices = #map}, {transform_indices = #map}, {transform_indices = #map}, {transform_indices = #map}]} {
    %mul3A = arith.constant 2 : i32
    %mul3A_0 = arith.muli %arg1, %mul3A : i32
    %add3A = arith.addi %mul3A_0, %arg0 : i32
    %mul3A_1 = arith.constant 32 : i32
    %mul3A_2 = arith.muli %add3A, %mul3A_1 : i32
    %mul3A_3 = arith.constant 8 : i32
    %mul3A_4 = arith.muli %add3A, %mul3A_3 : i32
    "tpu.region"() ({
      %run_scoped3A = tpu.sem_alloc : memref<!tpu.dma_semaphore, #tpu.memory_space<semaphore_mem>>
      %dma_start3A_508 = arith.constant 0 : i32
      %dma_start3A_509 = tpu.memref_slice %arg3[%mul3A_4, %dma_start3A_508] : memref<256x780xi32, #tpu.memory_space<hbm>> -> memref<8x780xi32, #tpu.memory_space<hbm>>
      %dma_start3A_510 = arith.constant 0 : i32
      %dma_start3A_511 = tpu.memref_slice %arg3[%mul3A_4, %dma_start3A_510] : memref<256x780xi32, #tpu.memory_space<hbm>> -> memref<8x780xi32, #tpu.memory_space<hbm>>
      tpu.enqueue_dma source(%dma_start3A_511 : memref<8x780xi32, #tpu.memory_space<hbm>>) target(%arg7 : memref<8x780xi32, #tpu.memory_space<vmem>>) target_semaphore(%run_scoped3A : memref<!tpu.dma_semaphore, #tpu.memory_space<semaphore_mem>>)
      %dma_wait3A_512 = arith.constant 0 : i32
      %dma_wait3A_513 = tpu.memref_slice %arg3[%mul3A_4, %dma_wait3A_512] : memref<256x780xi32, #tpu.memory_space<hbm>> -> memref<8x780xi32, #tpu.memory_space<hbm>>
      %dma_wait3A_514 = arith.constant 0 : i32
      %dma_wait3A_515 = tpu.memref_slice %arg3[%mul3A_4, %dma_wait3A_514] : memref<256x780xi32, #tpu.memory_space<hbm>> -> memref<8x780xi32, #tpu.memory_space<hbm>>
      tpu.wait_dma2 semaphore(%run_scoped3A : memref<!tpu.dma_semaphore, #tpu.memory_space<semaphore_mem>>) src(%dma_wait3A_515 : memref<8x780xi32, #tpu.memory_space<hbm>>) dst(%arg7 : memref<8x780xi32, #tpu.memory_space<vmem>>)
      tpu.yield
    }) : () -> ()
    %mul3A_5 = arith.constant 160 : i32
    %mul3A_6 = arith.muli %add3A, %mul3A_5 : i32
    "tpu.region"() ({
      %run_scoped3A = tpu.sem_alloc : memref<!tpu.dma_semaphore, #tpu.memory_space<semaphore_mem>>
      %dma_start3A_508 = arith.constant 0 : i32
      %dma_start3A_509 = tpu.memref_slice %arg4[%mul3A_6, %dma_start3A_508] : memref<5120x64xf32, #tpu.memory_space<hbm>> -> memref<160x64xf32, #tpu.memory_space<hbm>>
      %dma_start3A_510 = arith.constant 0 : i32
      %dma_start3A_511 = tpu.memref_slice %arg4[%mul3A_6, %dma_start3A_510] : memref<5120x64xf32, #tpu.memory_space<hbm>> -> memref<160x64xf32, #tpu.memory_space<hbm>>
      tpu.enqueue_dma source(%dma_start3A_511 : memref<160x64xf32, #tpu.memory_space<hbm>>) target(%arg9 : memref<160x64xf32, #tpu.memory_space<vmem>>) target_semaphore(%run_scoped3A : memref<!tpu.dma_semaphore, #tpu.memory_space<semaphore_mem>>)
      %dma_wait3A_512 = arith.constant 0 : i32
      %dma_wait3A_513 = tpu.memref_slice %arg4[%mul3A_6, %dma_wait3A_512] : memref<5120x64xf32, #tpu.memory_space<hbm>> -> memref<160x64xf32, #tpu.memory_space<hbm>>
      %dma_wait3A_514 = arith.constant 0 : i32
      %dma_wait3A_515 = tpu.memref_slice %arg4[%mul3A_6, %dma_wait3A_514] : memref<5120x64xf32, #tpu.memory_space<hbm>> -> memref<160x64xf32, #tpu.memory_space<hbm>>
      tpu.wait_dma2 semaphore(%run_scoped3A : memref<!tpu.dma_semaphore, #tpu.memory_space<semaphore_mem>>) src(%dma_wait3A_515 : memref<160x64xf32, #tpu.memory_space<hbm>>) dst(%arg9 : memref<160x64xf32, #tpu.memory_space<vmem>>)
      tpu.yield
    }) : () -> ()
    %mul3A_7 = arith.constant 160 : i32
    %mul3A_8 = arith.muli %add3A, %mul3A_7 : i32
    "tpu.region"() ({
      %run_scoped3A = tpu.sem_alloc : memref<!tpu.dma_semaphore, #tpu.memory_space<semaphore_mem>>
      %dma_start3A_508 = arith.constant 0 : i32
      %dma_start3A_509 = tpu.memref_slice %arg5[%mul3A_8, %dma_start3A_508] : memref<5120x64xf32, #tpu.memory_space<hbm>> -> memref<160x64xf32, #tpu.memory_space<hbm>>
      %dma_start3A_510 = arith.constant 0 : i32
      %dma_start3A_511 = tpu.memref_slice %arg5[%mul3A_8, %dma_start3A_510] : memref<5120x64xf32, #tpu.memory_space<hbm>> -> memref<160x64xf32, #tpu.memory_space<hbm>>
      tpu.enqueue_dma source(%dma_start3A_511 : memref<160x64xf32, #tpu.memory_space<hbm>>) target(%arg10 : memref<160x64xf32, #tpu.memory_space<vmem>>) target_semaphore(%run_scoped3A : memref<!tpu.dma_semaphore, #tpu.memory_space<semaphore_mem>>)
      %dma_wait3A_512 = arith.constant 0 : i32
      %dma_wait3A_513 = tpu.memref_slice %arg5[%mul3A_8, %dma_wait3A_512] : memref<5120x64xf32, #tpu.memory_space<hbm>> -> memref<160x64xf32, #tpu.memory_space<hbm>>
      %dma_wait3A_514 = arith.constant 0 : i32
      %dma_wait3A_515 = tpu.memref_slice %arg5[%mul3A_8, %dma_wait3A_514] : memref<5120x64xf32, #tpu.memory_space<hbm>> -> memref<160x64xf32, #tpu.memory_space<hbm>>
      tpu.wait_dma2 semaphore(%run_scoped3A : memref<!tpu.dma_semaphore, #tpu.memory_space<semaphore_mem>>) src(%dma_wait3A_515 : memref<160x64xf32, #tpu.memory_space<hbm>>) dst(%arg10 : memref<160x64xf32, #tpu.memory_space<vmem>>)
      tpu.yield
    }) : () -> ()
    %scan3A = arith.constant 0 : i32
    %scan3A_9 = arith.constant 0 : i32
    %scan3A_10 = arith.constant 160 : i32
    %scan3A_11 = arith.addi %scan3A_9, %scan3A_10 : i32
    %scan3A_12 = arith.constant 1 : i32
    scf.for %scan3A_508 = %scan3A_9 to %scan3A_11 step %scan3A_12  : i32 {
      %get3A = arith.index_cast %scan3A_508 : i32 to index
      %get3A_509 = arith.constant 0 : index
      %get3A_510 = tpu.vector_load %arg9[%get3A, %get3A_509] {strides = array<i32>} : memref<160x64xf32, #tpu.memory_space<vmem>>, vector<1x16xf32>,
      %get3A_511 = vector.shape_cast %get3A_510 : vector<1x16xf32> to vector<16xf32>
      %get3A_512 = arith.index_cast %scan3A_508 : i32 to index
      %get3A_513 = arith.constant 0 : index
      %get3A_514 = tpu.vector_load %arg10[%get3A_512, %get3A_513] {strides = array<i32>} : memref<160x64xf32, #tpu.memory_space<vmem>>, vector<1x16xf32>,
      %get3A_515 = vector.shape_cast %get3A_514 : vector<1x16xf32> to vector<16xf32>
      %add3A_516 = arith.addf %get3A_511, %get3A_515 : vector<16xf32>
      %div3A = arith.divf %get3A_511, %add3A_516 : vector<16xf32>
      %swap3A = arith.index_cast %scan3A_508 : i32 to index
      %swap3A_517 = arith.constant 0 : index
      %swap3A_518 = tpu.vector_load %arg9[%swap3A, %swap3A_517] {strides = array<i32>} : memref<160x64xf32, #tpu.memory_space<vmem>>, vector<1x16xf32>,
      %swap3A_519 = vector.shape_cast %swap3A_518 : vector<1x16xf32> to vector<16xf32>
      %swap3A_520 = vector.shape_cast %div3A : vector<16xf32> to vector<1x16xf32>
      tpu.vector_store %arg9[%swap3A, %swap3A_517], %swap3A_520 {strides = array<i32>} : memref<160x64xf32, #tpu.memory_space<vmem>>, vector<1x16xf32>,
      %get3A_521 = arith.index_cast %scan3A_508 : i32 to index
      %get3A_522 = arith.constant 16 : index
      %get3A_523 = tpu.vector_load %arg9[%get3A_521, %get3A_522] {strides = array<i32>} : memref<160x64xf32, #tpu.memory_space<vmem>>, vector<1x16xf32>,
      %get3A_524 = vector.shape_cast %get3A_523 : vector<1x16xf32> to vector<16xf32>
      %get3A_525 = arith.index_cast %scan3A_508 : i32 to index
      %get3A_526 = arith.constant 16 : index
      %get3A_527 = tpu.vector_load %arg10[%get3A_525, %get3A_526] {strides = array<i32>} : memref<160x64xf32, #tpu.memory_space<vmem>>, vector<1x16xf32>,
      %get3A_528 = vector.shape_cast %get3A_527 : vector<1x16xf32> to vector<16xf32>
      %add3A_529 = arith.addf %get3A_524, %get3A_528 : vector<16xf32>
      %div3A_530 = arith.divf %get3A_524, %add3A_529 : vector<16xf32>
      %swap3A_531 = arith.index_cast %scan3A_508 : i32 to index
      %swap3A_532 = arith.constant 16 : index
      %swap3A_533 = tpu.vector_load %arg9[%swap3A_531, %swap3A_532] {strides = array<i32>} : memref<160x64xf32, #tpu.memory_space<vmem>>, vector<1x16xf32>,
      %swap3A_534 = vector.shape_cast %swap3A_533 : vector<1x16xf32> to vector<16xf32>
      %swap3A_535 = vector.shape_cast %div3A_530 : vector<16xf32> to vector<1x16xf32>
      tpu.vector_store %arg9[%swap3A_531, %swap3A_532], %swap3A_535 {strides = array<i32>} : memref<160x64xf32, #tpu.memory_space<vmem>>, vector<1x16xf32>,
      %get3A_536 = arith.index_cast %scan3A_508 : i32 to index
      %get3A_537 = arith.constant 32 : index
      %get3A_538 = tpu.vector_load %arg9[%get3A_536, %get3A_537] {strides = array<i32>} : memref<160x64xf32, #tpu.memory_space<vmem>>, vector<1x16xf32>,
      %get3A_539 = vector.shape_cast %get3A_538 : vector<1x16xf32> to vector<16xf32>
      %get3A_540 = arith.index_cast %scan3A_508 : i32 to index
      %get3A_541 = arith.constant 32 : index
      %get3A_542 = tpu.vector_load %arg10[%get3A_540, %get3A_541] {strides = array<i32>} : memref<160x64xf32, #tpu.memory_space<vmem>>, vector<1x16xf32>,
      %get3A_543 = vector.shape_cast %get3A_542 : vector<1x16xf32> to vector<16xf32>
      %add3A_544 = arith.addf %get3A_539, %get3A_543 : vector<16xf32>
      %div3A_545 = arith.divf %get3A_539, %add3A_544 : vector<16xf32>
      %swap3A_546 = arith.index_cast %scan3A_508 : i32 to index
      %swap3A_547 = arith.constant 32 : index
      %swap3A_548 = tpu.vector_load %arg9[%swap3A_546, %swap3A_547] {strides = array<i32>} : memref<160x64xf32, #tpu.memory_space<vmem>>, vector<1x16xf32>,
      %swap3A_549 = vector.shape_cast %swap3A_548 : vector<1x16xf32> to vector<16xf32>
      %swap3A_550 = vector.shape_cast %div3A_545 : vector<16xf32> to vector<1x16xf32>
      tpu.vector_store %arg9[%swap3A_546, %swap3A_547], %swap3A_550 {strides = array<i32>} : memref<160x64xf32, #tpu.memory_space<vmem>>, vector<1x16xf32>,
      %get3A_551 = arith.index_cast %scan3A_508 : i32 to index
      %get3A_552 = arith.constant 48 : index
      %get3A_553 = tpu.vector_load %arg9[%get3A_551, %get3A_552] {strides = array<i32>} : memref<160x64xf32, #tpu.memory_space<vmem>>, vector<1x16xf32>,
      %get3A_554 = vector.shape_cast %get3A_553 : vector<1x16xf32> to vector<16xf32>
      %get3A_555 = arith.index_cast %scan3A_508 : i32 to index
      %get3A_556 = arith.constant 48 : index
      %get3A_557 = tpu.vector_load %arg10[%get3A_555, %get3A_556] {strides = array<i32>} : memref<160x64xf32, #tpu.memory_space<vmem>>, vector<1x16xf32>,
      %get3A_558 = vector.shape_cast %get3A_557 : vector<1x16xf32> to vector<16xf32>
      %add3A_559 = arith.addf %get3A_554, %get3A_558 : vector<16xf32>
      %div3A_560 = arith.divf %get3A_554, %add3A_559 : vector<16xf32>
      %swap3A_561 = arith.index_cast %scan3A_508 : i32 to index
      %swap3A_562 = arith.constant 48 : index
      %swap3A_563 = tpu.vector_load %arg9[%swap3A_561, %swap3A_562] {strides = array<i32>} : memref<160x64xf32, #tpu.memory_space<vmem>>, vector<1x16xf32>,
      %swap3A_564 = vector.shape_cast %swap3A_563 : vector<1x16xf32> to vector<16xf32>
      %swap3A_565 = vector.shape_cast %div3A_560 : vector<16xf32> to vector<1x16xf32>
      tpu.vector_store %arg9[%swap3A_561, %swap3A_562], %swap3A_565 {strides = array<i32>} : memref<160x64xf32, #tpu.memory_space<vmem>>, vector<1x16xf32>,
    }
    %scan3A_13 = arith.constant 160 : i32
    %add3A_14 = arith.constant 0 : i32
    %add3A_15 = arith.addi %mul3A_2, %add3A_14 : i32
    %mul3A_16 = arith.constant 200 : i32
    %mul3A_17 = arith.muli %add3A_15, %mul3A_16 : i32
    "tpu.region"() ({
      %run_scoped3A = tpu.sem_alloc : memref<!tpu.dma_semaphore, #tpu.memory_space<semaphore_mem>>
      %dma_start3A_508 = arith.constant 0 : i32
      %dma_start3A_509 = arith.constant 0 : i32
      %dma_start3A_510 = tpu.memref_slice %arg9[%dma_start3A_508, %dma_start3A_509] : memref<160x64xf32, #tpu.memory_space<vmem>> -> memref<5x64xf32, #tpu.memory_space<vmem>>
      %dma_start3A_511 = arith.constant 0 : i32
      %dma_start3A_512 = tpu.memref_slice %arg6[%mul3A_17, %dma_start3A_511] : memref<204800x64xf32, #tpu.memory_space<hbm>> -> memref<5x64xf32, #tpu.memory_space<hbm>>
      %dma_start3A_513 = arith.constant 0 : i32
      %dma_start3A_514 = tpu.memref_slice %arg6[%mul3A_17, %dma_start3A_513] : memref<204800x64xf32, #tpu.memory_space<hbm>> -> memref<5x64xf32, #tpu.memory_space<hbm>>
      %dma_start3A_515 = arith.constant 0 : i32
      %dma_start3A_516 = arith.constant 0 : i32
      %dma_start3A_517 = tpu.memref_slice %arg9[%dma_start3A_515, %dma_start3A_516] : memref<160x64xf32, #tpu.memory_space<vmem>> -> memref<5x64xf32, #tpu.memory_space<vmem>>
      tpu.enqueue_dma source(%dma_start3A_517 : memref<5x64xf32, #tpu.memory_space<vmem>>) target(%dma_start3A_514 : memref<5x64xf32, #tpu.memory_space<hbm>>) target_semaphore(%run_scoped3A : memref<!tpu.dma_semaphore, #tpu.memory_space<semaphore_mem>>)
      %dma_wait3A_518 = arith.constant 0 : i32
      %dma_wait3A_519 = arith.constant 0 : i32
      %dma_wait3A_520 = tpu.memref_slice %arg9[%dma_wait3A_518, %dma_wait3A_519] : memref<160x64xf32, #tpu.memory_space<vmem>> -> memref<5x64xf32, #tpu.memory_space<vmem>>
      %dma_wait3A_521 = arith.constant 0 : i32
      %dma_wait3A_522 = tpu.memref_slice %arg6[%mul3A_17, %dma_wait3A_521] : memref<204800x64xf32, #tpu.memory_space<hbm>> -> memref<5x64xf32, #tpu.memory_space<hbm>>
      %dma_wait3A_523 = arith.constant 0 : i32
      %dma_wait3A_524 = tpu.memref_slice %arg6[%mul3A_17, %dma_wait3A_523] : memref<204800x64xf32, #tpu.memory_space<hbm>> -> memref<5x64xf32, #tpu.memory_space<hbm>>
      %dma_wait3A_525 = arith.constant 0 : i32
      %dma_wait3A_526 = arith.constant 0 : i32
      %dma_wait3A_527 = tpu.memref_slice %arg9[%dma_wait3A_525, %dma_wait3A_526] : memref<160x64xf32, #tpu.memory_space<vmem>> -> memref<5x64xf32, #tpu.memory_space<vmem>>
      tpu.wait_dma2 semaphore(%run_scoped3A : memref<!tpu.dma_semaphore, #tpu.memory_space<semaphore_mem>>) src(%dma_wait3A_527 : memref<5x64xf32, #tpu.memory_space<vmem>>) dst(%dma_wait3A_524 : memref<5x64xf32, #tpu.memory_space<hbm>>)
      tpu.yield
    }) : () -> ()
    %add3A_18 = arith.constant 1 : i32
    %add3A_19 = arith.addi %mul3A_2, %add3A_18 : i32
    %mul3A_20 = arith.constant 200 : i32
    %mul3A_21 = arith.muli %add3A_19, %mul3A_20 : i32
    "tpu.region"() ({
      %run_scoped3A = tpu.sem_alloc : memref<!tpu.dma_semaphore, #tpu.memory_space<semaphore_mem>>
      %dma_start3A_508 = arith.constant 5 : i32
      %dma_start3A_509 = arith.constant 0 : i32
      %dma_start3A_510 = tpu.memref_slice %arg9[%dma_start3A_508, %dma_start3A_509] : memref<160x64xf32, #tpu.memory_space<vmem>> -> memref<5x64xf32, #tpu.memory_space<vmem>>
      %dma_start3A_511 = arith.constant 0 : i32
      %dma_start3A_512 = tpu.memref_slice %arg6[%mul3A_21, %dma_start3A_511] : memref<204800x64xf32, #tpu.memory_space<hbm>> -> memref<5x64xf32, #tpu.memory_space<hbm>>
      %dma_start3A_513 = arith.constant 0 : i32
      %dma_start3A_514 = tpu.memref_slice %arg6[%mul3A_21, %dma_start3A_513] : memref<204800x64xf32, #tpu.memory_space<hbm>> -> memref<5x64xf32, #tpu.memory_space<hbm>>
      %dma_start3A_515 = arith.constant 5 : i32
      %dma_start3A_516 = arith.constant 0 : i32
      %dma_start3A_517 = tpu.memref_slice %arg9[%dma_start3A_515, %dma_start3A_516] : memref<160x64xf32, #tpu.memory_space<vmem>> -> memref<5x64xf32, #tpu.memory_space<vmem>>
      tpu.enqueue_dma source(%dma_start3A_517 : memref<5x64xf32, #tpu.memory_space<vmem>>) target(%dma_start3A_514 : memref<5x64xf32, #tpu.memory_space<hbm>>) target_semaphore(%run_scoped3A : memref<!tpu.dma_semaphore, #tpu.memory_space<semaphore_mem>>)
      %dma_wait3A_518 = arith.constant 5 : i32
      %dma_wait3A_519 = arith.constant 0 : i32
      %dma_wait3A_520 = tpu.memref_slice %arg9[%dma_wait3A_518, %dma_wait3A_519] : memref<160x64xf32, #tpu.memory_space<vmem>> -> memref<5x64xf32, #tpu.memory_space<vmem>>
      %dma_wait3A_521 = arith.constant 0 : i32
      %dma_wait3A_522 = tpu.memref_slice %arg6[%mul3A_21, %dma_wait3A_521] : memref<204800x64xf32, #tpu.memory_space<hbm>> -> memref<5x64xf32, #tpu.memory_space<hbm>>
      %dma_wait3A_523 = arith.constant 0 : i32
      %dma_wait3A_524 = tpu.memref_slice %arg6[%mul3A_21, %dma_wait3A_523] : memref<204800x64xf32, #tpu.memory_space<hbm>> -> memref<5x64xf32, #tpu.memory_space<hbm>>
      %dma_wait3A_525 = arith.constant 5 : i32
      %dma_wait3A_526 = arith.constant 0 : i32
      %dma_wait3A_527 = tpu.memref_slice %arg9[%dma_wait3A_525, %dma_wait3A_526] : memref<160x64xf32, #tpu.memory_space<vmem>> -> memref<5x64xf32, #tpu.memory_space<vmem>>
      tpu.wait_dma2 semaphore(%run_scoped3A : memref<!tpu.dma_semaphore, #tpu.memory_space<semaphore_mem>>) src(%dma_wait3A_527 : memref<5x64xf32, #tpu.memory_space<vmem>>) dst(%dma_wait3A_524 : memref<5x64xf32, #tpu.memory_space<hbm>>)
      tpu.yield
    }) : () -> ()
    %add3A_22 = arith.constant 2 : i32
    %add3A_23 = arith.addi %mul3A_2, %add3A_22 : i32
    %mul3A_24 = arith.constant 200 : i32
    %mul3A_25 = arith.muli %add3A_23, %mul3A_24 : i32
    "tpu.region"() ({
      %run_scoped3A = tpu.sem_alloc : memref<!tpu.dma_semaphore, #tpu.memory_space<semaphore_mem>>
      %dma_start3A_508 = arith.constant 10 : i32
      %dma_start3A_509 = arith.constant 0 : i32
      %dma_start3A_510 = tpu.memref_slice %arg9[%dma_start3A_508, %dma_start3A_509] : memref<160x64xf32, #tpu.memory_space<vmem>> -> memref<5x64xf32, #tpu.memory_space<vmem>>
      %dma_start3A_511 = arith.constant 0 : i32
      %dma_start3A_512 = tpu.memref_slice %arg6[%mul3A_25, %dma_start3A_511] : memref<204800x64xf32, #tpu.memory_space<hbm>> -> memref<5x64xf32, #tpu.memory_space<hbm>>
      %dma_start3A_513 = arith.constant 0 : i32
      %dma_start3A_514 = tpu.memref_slice %arg6[%mul3A_25, %dma_start3A_513] : memref<204800x64xf32, #tpu.memory_space<hbm>> -> memref<5x64xf32, #tpu.memory_space<hbm>>
      %dma_start3A_515 = arith.constant 10 : i32
      %dma_start3A_516 = arith.constant 0 : i32
      %dma_start3A_517 = tpu.memref_slice %arg9[%dma_start3A_515, %dma_start3A_516] : memref<160x64xf32, #tpu.memory_space<vmem>> -> memref<5x64xf32, #tpu.memory_space<vmem>>
      tpu.enqueue_dma source(%dma_start3A_517 : memref<5x64xf32, #tpu.memory_space<vmem>>) target(%dma_start3A_514 : memref<5x64xf32, #tpu.memory_space<hbm>>) target_semaphore(%run_scoped3A : memref<!tpu.dma_semaphore, #tpu.memory_space<semaphore_mem>>)
      %dma_wait3A_518 = arith.constant 10 : i32
      %dma_wait3A_519 = arith.constant 0 : i32
      %dma_wait3A_520 = tpu.memref_slice %arg9[%dma_wait3A_518, %dma_wait3A_519] : memref<160x64xf32, #tpu.memory_space<vmem>> -> memref<5x64xf32, #tpu.memory_space<vmem>>
      %dma_wait3A_521 = arith.constant 0 : i32
      %dma_wait3A_522 = tpu.memref_slice %arg6[%mul3A_25, %dma_wait3A_521] : memref<204800x64xf32, #tpu.memory_space<hbm>> -> memref<5x64xf32, #tpu.memory_space<hbm>>
      %dma_wait3A_523 = arith.constant 0 : i32
      %dma_wait3A_524 = tpu.memref_slice %arg6[%mul3A_25, %dma_wait3A_523] : memref<204800x64xf32, #tpu.memory_space<hbm>> -> memref<5x64xf32, #tpu.memory_space<hbm>>
      %dma_wait3A_525 = arith.constant 10 : i32
      %dma_wait3A_526 = arith.constant 0 : i32
      %dma_wait3A_527 = tpu.memref_slice %arg9[%dma_wait3A_525, %dma_wait3A_526] : memref<160x64xf32, #tpu.memory_space<vmem>> -> memref<5x64xf32, #tpu.memory_space<vmem>>
      tpu.wait_dma2 semaphore(%run_scoped3A : memref<!tpu.dma_semaphore, #tpu.memory_space<semaphore_mem>>) src(%dma_wait3A_527 : memref<5x64xf32, #tpu.memory_space<vmem>>) dst(%dma_wait3A_524 : memref<5x64xf32, #tpu.memory_space<hbm>>)
      tpu.yield
    }) : () -> ()
    %add3A_26 = arith.constant 3 : i32
    %add3A_27 = arith.addi %mul3A_2, %add3A_26 : i32
    %mul3A_28 = arith.constant 200 : i32
    %mul3A_29 = arith.muli %add3A_27, %mul3A_28 : i32
    "tpu.region"() ({
      %run_scoped3A = tpu.sem_alloc : memref<!tpu.dma_semaphore, #tpu.memory_space<semaphore_mem>>
      %dma_start3A_508 = arith.constant 15 : i32
      %dma_start3A_509 = arith.constant 0 : i32
      %dma_start3A_510 = tpu.memref_slice %arg9[%dma_start3A_508, %dma_start3A_509] : memref<160x64xf32, #tpu.memory_space<vmem>> -> memref<5x64xf32, #tpu.memory_space<vmem>>
      %dma_start3A_511 = arith.constant 0 : i32
      %dma_start3A_512 = tpu.memref_slice %arg6[%mul3A_29, %dma_start3A_511] : memref<204800x64xf32, #tpu.memory_space<hbm>> -> memref<5x64xf32, #tpu.memory_space<hbm>>
      %dma_start3A_513 = arith.constant 0 : i32
      %dma_start3A_514 = tpu.memref_slice %arg6[%mul3A_29, %dma_start3A_513] : memref<204800x64xf32, #tpu.memory_space<hbm>> -> memref<5x64xf32, #tpu.memory_space<hbm>>
      %dma_start3A_515 = arith.constant 15 : i32
      %dma_start3A_516 = arith.constant 0 : i32
      %dma_start3A_517 = tpu.memref_slice %arg9[%dma_start3A_515, %dma_start3A_516] : memref<160x64xf32, #tpu.memory_space<vmem>> -> memref<5x64xf32, #tpu.memory_space<vmem>>
      tpu.enqueue_dma source(%dma_start3A_517 : memref<5x64xf32, #tpu.memory_space<vmem>>) target(%dma_start3A_514 : memref<5x64xf32, #tpu.memory_space<hbm>>) target_semaphore(%run_scoped3A : memref<!tpu.dma_semaphore, #tpu.memory_space<semaphore_mem>>)
      %dma_wait3A_518 = arith.constant 15 : i32
      %dma_wait3A_519 = arith.constant 0 : i32
      %dma_wait3A_520 = tpu.memref_slice %arg9[%dma_wait3A_518, %dma_wait3A_519] : memref<160x64xf32, #tpu.memory_space<vmem>> -> memref<5x64xf32, #tpu.memory_space<vmem>>
      %dma_wait3A_521 = arith.constant 0 : i32
      %dma_wait3A_522 = tpu.memref_slice %arg6[%mul3A_29, %dma_wait3A_521] : memref<204800x64xf32, #tpu.memory_space<hbm>> -> memref<5x64xf32, #tpu.memory_space<hbm>>
      %dma_wait3A_523 = arith.constant 0 : i32
      %dma_wait3A_524 = tpu.memref_slice %arg6[%mul3A_29, %dma_wait3A_523] : memref<204800x64xf32, #tpu.memory_space<hbm>> -> memref<5x64xf32, #tpu.memory_space<hbm>>
      %dma_wait3A_525 = arith.constant 15 : i32
      %dma_wait3A_526 = arith.constant 0 : i32
      %dma_wait3A_527 = tpu.memref_slice %arg9[%dma_wait3A_525, %dma_wait3A_526] : memref<160x64xf32, #tpu.memory_space<vmem>> -> memref<5x64xf32, #tpu.memory_space<vmem>>
      tpu.wait_dma2 semaphore(%run_scoped3A : memref<!tpu.dma_semaphore, #tpu.memory_space<semaphore_mem>>) src(%dma_wait3A_527 : memref<5x64xf32, #tpu.memory_space<vmem>>) dst(%dma_wait3A_524 : memref<5x64xf32, #tpu.memory_space<hbm>>)
      tpu.yield
    }) : () -> ()
    %add3A_30 = arith.constant 4 : i32
    %add3A_31 = arith.addi %mul3A_2, %add3A_30 : i32
    %mul3A_32 = arith.constant 200 : i32
    %mul3A_33 = arith.muli %add3A_31, %mul3A_32 : i32
    "tpu.region"() ({
      %run_scoped3A = tpu.sem_alloc : memref<!tpu.dma_semaphore, #tpu.memory_space<semaphore_mem>>
      %dma_start3A_508 = arith.constant 20 : i32
      %dma_start3A_509 = arith.constant 0 : i32
      %dma_start3A_510 = tpu.memref_slice %arg9[%dma_start3A_508, %dma_start3A_509] : memref<160x64xf32, #tpu.memory_space<vmem>> -> memref<5x64xf32, #tpu.memory_space<vmem>>
      %dma_start3A_511 = arith.constant 0 : i32
      %dma_start3A_512 = tpu.memref_slice %arg6[%mul3A_33, %dma_start3A_511] : memref<204800x64xf32, #tpu.memory_space<hbm>> -> memref<5x64xf32, #tpu.memory_space<hbm>>
      %dma_start3A_513 = arith.constant 0 : i32
      %dma_start3A_514 = tpu.memref_slice %arg6[%mul3A_33, %dma_start3A_513] : memref<204800x64xf32, #tpu.memory_space<hbm>> -> memref<5x64xf32, #tpu.memory_space<hbm>>
      %dma_start3A_515 = arith.constant 20 : i32
      %dma_start3A_516 = arith.constant 0 : i32
      %dma_start3A_517 = tpu.memref_slice %arg9[%dma_start3A_515, %dma_start3A_516] : memref<160x64xf32, #tpu.memory_space<vmem>> -> memref<5x64xf32, #tpu.memory_space<vmem>>
      tpu.enqueue_dma source(%dma_start3A_517 : memref<5x64xf32, #tpu.memory_space<vmem>>) target(%dma_start3A_514 : memref<5x64xf32, #tpu.memory_space<hbm>>) target_semaphore(%run_scoped3A : memref<!tpu.dma_semaphore, #tpu.memory_space<semaphore_mem>>)
      %dma_wait3A_518 = arith.constant 20 : i32
      %dma_wait3A_519 = arith.constant 0 : i32
      %dma_wait3A_520 = tpu.memref_slice %arg9[%dma_wait3A_518, %dma_wait3A_519] : memref<160x64xf32, #tpu.memory_space<vmem>> -> memref<5x64xf32, #tpu.memory_space<vmem>>
      %dma_wait3A_521 = arith.constant 0 : i32
      %dma_wait3A_522 = tpu.memref_slice %arg6[%mul3A_33, %dma_wait3A_521] : memref<204800x64xf32, #tpu.memory_space<hbm>> -> memref<5x64xf32, #tpu.memory_space<hbm>>
      %dma_wait3A_523 = arith.constant 0 : i32
      %dma_wait3A_524 = tpu.memref_slice %arg6[%mul3A_33, %dma_wait3A_523] : memref<204800x64xf32, #tpu.memory_space<hbm>> -> memref<5x64xf32, #tpu.memory_space<hbm>>
      %dma_wait3A_525 = arith.constant 20 : i32
      %dma_wait3A_526 = arith.constant 0 : i32
      %dma_wait3A_527 = tpu.memref_slice %arg9[%dma_wait3A_525, %dma_wait3A_526] : memref<160x64xf32, #tpu.memory_space<vmem>> -> memref<5x64xf32, #tpu.memory_space<vmem>>
      tpu.wait_dma2 semaphore(%run_scoped3A : memref<!tpu.dma_semaphore, #tpu.memory_space<semaphore_mem>>) src(%dma_wait3A_527 : memref<5x64xf32, #tpu.memory_space<vmem>>) dst(%dma_wait3A_524 : memref<5x64xf32, #tpu.memory_space<hbm>>)
      tpu.yield
    }) : () -> ()
    %add3A_34 = arith.constant 5 : i32
    %add3A_35 = arith.addi %mul3A_2, %add3A_34 : i32
    %mul3A_36 = arith.constant 200 : i32
    %mul3A_37 = arith.muli %add3A_35, %mul3A_36 : i32
    "tpu.region"() ({
      %run_scoped3A = tpu.sem_alloc : memref<!tpu.dma_semaphore, #tpu.memory_space<semaphore_mem>>
      %dma_start3A_508 = arith.constant 25 : i32
      %dma_start3A_509 = arith.constant 0 : i32
      %dma_start3A_510 = tpu.memref_slice %arg9[%dma_start3A_508, %dma_start3A_509] : memref<160x64xf32, #tpu.memory_space<vmem>> -> memref<5x64xf32, #tpu.memory_space<vmem>>
      %dma_start3A_511 = arith.constant 0 : i32
      %dma_start3A_512 = tpu.memref_slice %arg6[%mul3A_37, %dma_start3A_511] : memref<204800x64xf32, #tpu.memory_space<hbm>> -> memref<5x64xf32, #tpu.memory_space<hbm>>
      %dma_start3A_513 = arith.constant 0 : i32
      %dma_start3A_514 = tpu.memref_slice %arg6[%mul3A_37, %dma_start3A_513] : memref<204800x64xf32, #tpu.memory_space<hbm>> -> memref<5x64xf32, #tpu.memory_space<hbm>>
      %dma_start3A_515 = arith.constant 25 : i32
      %dma_start3A_516 = arith.constant 0 : i32
      %dma_start3A_517 = tpu.memref_slice %arg9[%dma_start3A_515, %dma_start3A_516] : memref<160x64xf32, #tpu.memory_space<vmem>> -> memref<5x64xf32, #tpu.memory_space<vmem>>
      tpu.enqueue_dma source(%dma_start3A_517 : memref<5x64xf32, #tpu.memory_space<vmem>>) target(%dma_start3A_514 : memref<5x64xf32, #tpu.memory_space<hbm>>) target_semaphore(%run_scoped3A : memref<!tpu.dma_semaphore, #tpu.memory_space<semaphore_mem>>)
      %dma_wait3A_518 = arith.constant 25 : i32
      %dma_wait3A_519 = arith.constant 0 : i32
      %dma_wait3A_520 = tpu.memref_slice %arg9[%dma_wait3A_518, %dma_wait3A_519] : memref<160x64xf32, #tpu.memory_space<vmem>> -> memref<5x64xf32, #tpu.memory_space<vmem>>
      %dma_wait3A_521 = arith.constant 0 : i32
      %dma_wait3A_522 = tpu.memref_slice %arg6[%mul3A_37, %dma_wait3A_521] : memref<204800x64xf32, #tpu.memory_space<hbm>> -> memref<5x64xf32, #tpu.memory_space<hbm>>
      %dma_wait3A_523 = arith.constant 0 : i32
      %dma_wait3A_524 = tpu.memref_slice %arg6[%mul3A_37, %dma_wait3A_523] : memref<204800x64xf32, #tpu.memory_space<hbm>> -> memref<5x64xf32, #tpu.memory_space<hbm>>
      %dma_wait3A_525 = arith.constant 25 : i32
      %dma_wait3A_526 = arith.constant 0 : i32
      %dma_wait3A_527 = tpu.memref_slice %arg9[%dma_wait3A_525, %dma_wait3A_526] : memref<160x64xf32, #tpu.memory_space<vmem>> -> memref<5x64xf32, #tpu.memory_space<vmem>>
      tpu.wait_dma2 semaphore(%run_scoped3A : memref<!tpu.dma_semaphore, #tpu.memory_space<semaphore_mem>>) src(%dma_wait3A_527 : memref<5x64xf32, #tpu.memory_space<vmem>>) dst(%dma_wait3A_524 : memref<5x64xf32, #tpu.memory_space<hbm>>)
      tpu.yield
    }) : () -> ()
    %add3A_38 = arith.constant 6 : i32
    %add3A_39 = arith.addi %mul3A_2, %add3A_38 : i32
    %mul3A_40 = arith.constant 200 : i32
    %mul3A_41 = arith.muli %add3A_39, %mul3A_40 : i32
    "tpu.region"() ({
      %run_scoped3A = tpu.sem_alloc : memref<!tpu.dma_semaphore, #tpu.memory_space<semaphore_mem>>
      %dma_start3A_508 = arith.constant 30 : i32
      %dma_start3A_509 = arith.constant 0 : i32
      %dma_start3A_510 = tpu.memref_slice %arg9[%dma_start3A_508, %dma_start3A_509] : memref<160x64xf32, #tpu.memory_space<vmem>> -> memref<5x64xf32, #tpu.memory_space<vmem>>
      %dma_start3A_511 = arith.constant 0 : i32
      %dma_start3A_512 = tpu.memref_slice %arg6[%mul3A_41, %dma_start3A_511] : memref<204800x64xf32, #tpu.memory_space<hbm>> -> memref<5x64xf32, #tpu.memory_space<hbm>>
      %dma_start3A_513 = arith.constant 0 : i32
      %dma_start3A_514 = tpu.memref_slice %arg6[%mul3A_41, %dma_start3A_513] : memref<204800x64xf32, #tpu.memory_space<hbm>> -> memref<5x64xf32, #tpu.memory_space<hbm>>
      %dma_start3A_515 = arith.constant 30 : i32
      %dma_start3A_516 = arith.constant 0 : i32
      %dma_start3A_517 = tpu.memref_slice %arg9[%dma_start3A_515, %dma_start3A_516] : memref<160x64xf32, #tpu.memory_space<vmem>> -> memref<5x64xf32, #tpu.memory_space<vmem>>
      tpu.enqueue_dma source(%dma_start3A_517 : memref<5x64xf32, #tpu.memory_space<vmem>>) target(%dma_start3A_514 : memref<5x64xf32, #tpu.memory_space<hbm>>) target_semaphore(%run_scoped3A : memref<!tpu.dma_semaphore, #tpu.memory_space<semaphore_mem>>)
      %dma_wait3A_518 = arith.constant 30 : i32
      %dma_wait3A_519 = arith.constant 0 : i32
      %dma_wait3A_520 = tpu.memref_slice %arg9[%dma_wait3A_518, %dma_wait3A_519] : memref<160x64xf32, #tpu.memory_space<vmem>> -> memref<5x64xf32, #tpu.memory_space<vmem>>
      %dma_wait3A_521 = arith.constant 0 : i32
      %dma_wait3A_522 = tpu.memref_slice %arg6[%mul3A_41, %dma_wait3A_521] : memref<204800x64xf32, #tpu.memory_space<hbm>> -> memref<5x64xf32, #tpu.memory_space<hbm>>
      %dma_wait3A_523 = arith.constant 0 : i32
      %dma_wait3A_524 = tpu.memref_slice %arg6[%mul3A_41, %dma_wait3A_523] : memref<204800x64xf32, #tpu.memory_space<hbm>> -> memref<5x64xf32, #tpu.memory_space<hbm>>
      %dma_wait3A_525 = arith.constant 30 : i32
      %dma_wait3A_526 = arith.constant 0 : i32
      %dma_wait3A_527 = tpu.memref_slice %arg9[%dma_wait3A_525, %dma_wait3A_526] : memref<160x64xf32, #tpu.memory_space<vmem>> -> memref<5x64xf32, #tpu.memory_space<vmem>>
      tpu.wait_dma2 semaphore(%run_scoped3A : memref<!tpu.dma_semaphore, #tpu.memory_space<semaphore_mem>>) src(%dma_wait3A_527 : memref<5x64xf32, #tpu.memory_space<vmem>>) dst(%dma_wait3A_524 : memref<5x64xf32, #tpu.memory_space<hbm>>)
      tpu.yield
    }) : () -> ()
    %add3A_42 = arith.constant 7 : i32
    %add3A_43 = arith.addi %mul3A_2, %add3A_42 : i32
    %mul3A_44 = arith.constant 200 : i32
    %mul3A_45 = arith.muli %add3A_43, %mul3A_44 : i32
    "tpu.region"() ({
      %run_scoped3A = tpu.sem_alloc : memref<!tpu.dma_semaphore, #tpu.memory_space<semaphore_mem>>
      %dma_start3A_508 = arith.constant 35 : i32
      %dma_start3A_509 = arith.constant 0 : i32
      %dma_start3A_510 = tpu.memref_slice %arg9[%dma_start3A_508, %dma_start3A_509] : memref<160x64xf32, #tpu.memory_space<vmem>> -> memref<5x64xf32, #tpu.memory_space<vmem>>
      %dma_start3A_511 = arith.constant 0 : i32
      %dma_start3A_512 = tpu.memref_slice %arg6[%mul3A_45, %dma_start3A_511] : memref<204800x64xf32, #tpu.memory_space<hbm>> -> memref<5x64xf32, #tpu.memory_space<hbm>>
      %dma_start3A_513 = arith.constant 0 : i32
      %dma_start3A_514 = tpu.memref_slice %arg6[%mul3A_45, %dma_start3A_513] : memref<204800x64xf32, #tpu.memory_space<hbm>> -> memref<5x64xf32, #tpu.memory_space<hbm>>
      %dma_start3A_515 = arith.constant 35 : i32
      %dma_start3A_516 = arith.constant 0 : i32
      %dma_start3A_517 = tpu.memref_slice %arg9[%dma_start3A_515, %dma_start3A_516] : memref<160x64xf32, #tpu.memory_space<vmem>> -> memref<5x64xf32, #tpu.memory_space<vmem>>
      tpu.enqueue_dma source(%dma_start3A_517 : memref<5x64xf32, #tpu.memory_space<vmem>>) target(%dma_start3A_514 : memref<5x64xf32, #tpu.memory_space<hbm>>) target_semaphore(%run_scoped3A : memref<!tpu.dma_semaphore, #tpu.memory_space<semaphore_mem>>)
      %dma_wait3A_518 = arith.constant 35 : i32
      %dma_wait3A_519 = arith.constant 0 : i32
      %dma_wait3A_520 = tpu.memref_slice %arg9[%dma_wait3A_518, %dma_wait3A_519] : memref<160x64xf32, #tpu.memory_space<vmem>> -> memref<5x64xf32, #tpu.memory_space<vmem>>
      %dma_wait3A_521 = arith.constant 0 : i32
      %dma_wait3A_522 = tpu.memref_slice %arg6[%mul3A_45, %dma_wait3A_521] : memref<204800x64xf32, #tpu.memory_space<hbm>> -> memref<5x64xf32, #tpu.memory_space<hbm>>
      %dma_wait3A_523 = arith.constant 0 : i32
      %dma_wait3A_524 = tpu.memref_slice %arg6[%mul3A_45, %dma_wait3A_523] : memref<204800x64xf32, #tpu.memory_space<hbm>> -> memref<5x64xf32, #tpu.memory_space<hbm>>
      %dma_wait3A_525 = arith.constant 35 : i32
      %dma_wait3A_526 = arith.constant 0 : i32
      %dma_wait3A_527 = tpu.memref_slice %arg9[%dma_wait3A_525, %dma_wait3A_526] : memref<160x64xf32, #tpu.memory_space<vmem>> -> memref<5x64xf32, #tpu.memory_space<vmem>>
      tpu.wait_dma2 semaphore(%run_scoped3A : memref<!tpu.dma_semaphore, #tpu.memory_space<semaphore_mem>>) src(%dma_wait3A_527 : memref<5x64xf32, #tpu.memory_space<vmem>>) dst(%dma_wait3A_524 : memref<5x64xf32, #tpu.memory_space<hbm>>)
      tpu.yield
    }) : () -> ()
    %add3A_46 = arith.constant 8 : i32
    %add3A_47 = arith.addi %mul3A_2, %add3A_46 : i32
    %mul3A_48 = arith.constant 200 : i32
    %mul3A_49 = arith.muli %add3A_47, %mul3A_48 : i32
    "tpu.region"() ({
      %run_scoped3A = tpu.sem_alloc : memref<!tpu.dma_semaphore, #tpu.memory_space<semaphore_mem>>
      %dma_start3A_508 = arith.constant 40 : i32
      %dma_start3A_509 = arith.constant 0 : i32
      %dma_start3A_510 = tpu.memref_slice %arg9[%dma_start3A_508, %dma_start3A_509] : memref<160x64xf32, #tpu.memory_space<vmem>> -> memref<5x64xf32, #tpu.memory_space<vmem>>
      %dma_start3A_511 = arith.constant 0 : i32
      %dma_start3A_512 = tpu.memref_slice %arg6[%mul3A_49, %dma_start3A_511] : memref<204800x64xf32, #tpu.memory_space<hbm>> -> memref<5x64xf32, #tpu.memory_space<hbm>>
      %dma_start3A_513 = arith.constant 0 : i32
      %dma_start3A_514 = tpu.memref_slice %arg6[%mul3A_49, %dma_start3A_513] : memref<204800x64xf32, #tpu.memory_space<hbm>> -> memref<5x64xf32, #tpu.memory_space<hbm>>
      %dma_start3A_515 = arith.constant 40 : i32
      %dma_start3A_516 = arith.constant 0 : i32
      %dma_start3A_517 = tpu.memref_slice %arg9[%dma_start3A_515, %dma_start3A_516] : memref<160x64xf32, #tpu.memory_space<vmem>> -> memref<5x64xf32, #tpu.memory_space<vmem>>
      tpu.enqueue_dma source(%dma_start3A_517 : memref<5x64xf32, #tpu.memory_space<vmem>>) target(%dma_start3A_514 : memref<5x64xf32, #tpu.memory_space<hbm>>) target_semaphore(%run_scoped3A : memref<!tpu.dma_semaphore, #tpu.memory_space<semaphore_mem>>)
      %dma_wait3A_518 = arith.constant 40 : i32
      %dma_wait3A_519 = arith.constant 0 : i32
      %dma_wait3A_520 = tpu.memref_slice %arg9[%dma_wait3A_518, %dma_wait3A_519] : memref<160x64xf32, #tpu.memory_space<vmem>> -> memref<5x64xf32, #tpu.memory_space<vmem>>
      %dma_wait3A_521 = arith.constant 0 : i32
      %dma_wait3A_522 = tpu.memref_slice %arg6[%mul3A_49, %dma_wait3A_521] : memref<204800x64xf32, #tpu.memory_space<hbm>> -> memref<5x64xf32, #tpu.memory_space<hbm>>
      %dma_wait3A_523 = arith.constant 0 : i32
      %dma_wait3A_524 = tpu.memref_slice %arg6[%mul3A_49, %dma_wait3A_523] : memref<204800x64xf32, #tpu.memory_space<hbm>> -> memref<5x64xf32, #tpu.memory_space<hbm>>
      %dma_wait3A_525 = arith.constant 40 : i32
      %dma_wait3A_526 = arith.constant 0 : i32
      %dma_wait3A_527 = tpu.memref_slice %arg9[%dma_wait3A_525, %dma_wait3A_526] : memref<160x64xf32, #tpu.memory_space<vmem>> -> memref<5x64xf32, #tpu.memory_space<vmem>>
      tpu.wait_dma2 semaphore(%run_scoped3A : memref<!tpu.dma_semaphore, #tpu.memory_space<semaphore_mem>>) src(%dma_wait3A_527 : memref<5x64xf32, #tpu.memory_space<vmem>>) dst(%dma_wait3A_524 : memref<5x64xf32, #tpu.memory_space<hbm>>)
      tpu.yield
    }) : () -> ()
    %add3A_50 = arith.constant 9 : i32
    %add3A_51 = arith.addi %mul3A_2, %add3A_50 : i32
    %mul3A_52 = arith.constant 200 : i32
    %mul3A_53 = arith.muli %add3A_51, %mul3A_52 : i32
    "tpu.region"() ({
      %run_scoped3A = tpu.sem_alloc : memref<!tpu.dma_semaphore, #tpu.memory_space<semaphore_mem>>
      %dma_start3A_508 = arith.constant 45 : i32
      %dma_start3A_509 = arith.constant 0 : i32
      %dma_start3A_510 = tpu.memref_slice %arg9[%dma_start3A_508, %dma_start3A_509] : memref<160x64xf32, #tpu.memory_space<vmem>> -> memref<5x64xf32, #tpu.memory_space<vmem>>
      %dma_start3A_511 = arith.constant 0 : i32
      %dma_start3A_512 = tpu.memref_slice %arg6[%mul3A_53, %dma_start3A_511] : memref<204800x64xf32, #tpu.memory_space<hbm>> -> memref<5x64xf32, #tpu.memory_space<hbm>>
      %dma_start3A_513 = arith.constant 0 : i32
      %dma_start3A_514 = tpu.memref_slice %arg6[%mul3A_53, %dma_start3A_513] : memref<204800x64xf32, #tpu.memory_space<hbm>> -> memref<5x64xf32, #tpu.memory_space<hbm>>
      %dma_start3A_515 = arith.constant 45 : i32
      %dma_start3A_516 = arith.constant 0 : i32
      %dma_start3A_517 = tpu.memref_slice %arg9[%dma_start3A_515, %dma_start3A_516] : memref<160x64xf32, #tpu.memory_space<vmem>> -> memref<5x64xf32, #tpu.memory_space<vmem>>
      tpu.enqueue_dma source(%dma_start3A_517 : memref<5x64xf32, #tpu.memory_space<vmem>>) target(%dma_start3A_514 : memref<5x64xf32, #tpu.memory_space<hbm>>) target_semaphore(%run_scoped3A : memref<!tpu.dma_semaphore, #tpu.memory_space<semaphore_mem>>)
      %dma_wait3A_518 = arith.constant 45 : i32
      %dma_wait3A_519 = arith.constant 0 : i32
      %dma_wait3A_520 = tpu.memref_slice %arg9[%dma_wait3A_518, %dma_wait3A_519] : memref<160x64xf32, #tpu.memory_space<vmem>> -> memref<5x64xf32, #tpu.memory_space<vmem>>
      %dma_wait3A_521 = arith.constant 0 : i32
      %dma_wait3A_522 = tpu.memref_slice %arg6[%mul3A_53, %dma_wait3A_521] : memref<204800x64xf32, #tpu.memory_space<hbm>> -> memref<5x64xf32, #tpu.memory_space<hbm>>
      %dma_wait3A_523 = arith.constant 0 : i32
      %dma_wait3A_524 = tpu.memref_slice %arg6[%mul3A_53, %dma_wait3A_523] : memref<204800x64xf32, #tpu.memory_space<hbm>> -> memref<5x64xf32, #tpu.memory_space<hbm>>
      %dma_wait3A_525 = arith.constant 45 : i32
      %dma_wait3A_526 = arith.constant 0 : i32
      %dma_wait3A_527 = tpu.memref_slice %arg9[%dma_wait3A_525, %dma_wait3A_526] : memref<160x64xf32, #tpu.memory_space<vmem>> -> memref<5x64xf32, #tpu.memory_space<vmem>>
      tpu.wait_dma2 semaphore(%run_scoped3A : memref<!tpu.dma_semaphore, #tpu.memory_space<semaphore_mem>>) src(%dma_wait3A_527 : memref<5x64xf32, #tpu.memory_space<vmem>>) dst(%dma_wait3A_524 : memref<5x64xf32, #tpu.memory_space<hbm>>)
      tpu.yield
    }) : () -> ()
    %add3A_54 = arith.constant 10 : i32
    %add3A_55 = arith.addi %mul3A_2, %add3A_54 : i32
    %mul3A_56 = arith.constant 200 : i32
    %mul3A_57 = arith.muli %add3A_55, %mul3A_56 : i32
    "tpu.region"() ({
      %run_scoped3A = tpu.sem_alloc : memref<!tpu.dma_semaphore, #tpu.memory_space<semaphore_mem>>
      %dma_start3A_508 = arith.constant 50 : i32
      %dma_start3A_509 = arith.constant 0 : i32
      %dma_start3A_510 = tpu.memref_slice %arg9[%dma_start3A_508, %dma_start3A_509] : memref<160x64xf32, #tpu.memory_space<vmem>> -> memref<5x64xf32, #tpu.memory_space<vmem>>
      %dma_start3A_511 = arith.constant 0 : i32
      %dma_start3A_512 = tpu.memref_slice %arg6[%mul3A_57, %dma_start3A_511] : memref<204800x64xf32, #tpu.memory_space<hbm>> -> memref<5x64xf32, #tpu.memory_space<hbm>>
      %dma_start3A_513 = arith.constant 0 : i32
      %dma_start3A_514 = tpu.memref_slice %arg6[%mul3A_57, %dma_start3A_513] : memref<204800x64xf32, #tpu.memory_space<hbm>> -> memref<5x64xf32, #tpu.memory_space<hbm>>
      %dma_start3A_515 = arith.constant 50 : i32
      %dma_start3A_516 = arith.constant 0 : i32
      %dma_start3A_517 = tpu.memref_slice %arg9[%dma_start3A_515, %dma_start3A_516] : memref<160x64xf32, #tpu.memory_space<vmem>> -> memref<5x64xf32, #tpu.memory_space<vmem>>
      tpu.enqueue_dma source(%dma_start3A_517 : memref<5x64xf32, #tpu.memory_space<vmem>>) target(%dma_start3A_514 : memref<5x64xf32, #tpu.memory_space<hbm>>) target_semaphore(%run_scoped3A : memref<!tpu.dma_semaphore, #tpu.memory_space<semaphore_mem>>)
      %dma_wait3A_518 = arith.constant 50 : i32
      %dma_wait3A_519 = arith.constant 0 : i32
      %dma_wait3A_520 = tpu.memref_slice %arg9[%dma_wait3A_518, %dma_wait3A_519] : memref<160x64xf32, #tpu.memory_space<vmem>> -> memref<5x64xf32, #tpu.memory_space<vmem>>
      %dma_wait3A_521 = arith.constant 0 : i32
      %dma_wait3A_522 = tpu.memref_slice %arg6[%mul3A_57, %dma_wait3A_521] : memref<204800x64xf32, #tpu.memory_space<hbm>> -> memref<5x64xf32, #tpu.memory_space<hbm>>
      %dma_wait3A_523 = arith.constant 0 : i32
      %dma_wait3A_524 = tpu.memref_slice %arg6[%mul3A_57, %dma_wait3A_523] : memref<204800x64xf32, #tpu.memory_space<hbm>> -> memref<5x64xf32, #tpu.memory_space<hbm>>
      %dma_wait3A_525 = arith.constant 50 : i32
      %dma_wait3A_526 = arith.constant 0 : i32
      %dma_wait3A_527 = tpu.memref_slice %arg9[%dma_wait3A_525, %dma_wait3A_526] : memref<160x64xf32, #tpu.memory_space<vmem>> -> memref<5x64xf32, #tpu.memory_space<vmem>>
      tpu.wait_dma2 semaphore(%run_scoped3A : memref<!tpu.dma_semaphore, #tpu.memory_space<semaphore_mem>>) src(%dma_wait3A_527 : memref<5x64xf32, #tpu.memory_space<vmem>>) dst(%dma_wait3A_524 : memref<5x64xf32, #tpu.memory_space<hbm>>)
      tpu.yield
    }) : () -> ()
    %add3A_58 = arith.constant 11 : i32
    %add3A_59 = arith.addi %mul3A_2, %add3A_58 : i32
    %mul3A_60 = arith.constant 200 : i32
    %mul3A_61 = arith.muli %add3A_59, %mul3A_60 : i32
    "tpu.region"() ({
      %run_scoped3A = tpu.sem_alloc : memref<!tpu.dma_semaphore, #tpu.memory_space<semaphore_mem>>
      %dma_start3A_508 = arith.constant 55 : i32
      %dma_start3A_509 = arith.constant 0 : i32
      %dma_start3A_510 = tpu.memref_slice %arg9[%dma_start3A_508, %dma_start3A_509] : memref<160x64xf32, #tpu.memory_space<vmem>> -> memref<5x64xf32, #tpu.memory_space<vmem>>
      %dma_start3A_511 = arith.constant 0 : i32
      %dma_start3A_512 = tpu.memref_slice %arg6[%mul3A_61, %dma_start3A_511] : memref<204800x64xf32, #tpu.memory_space<hbm>> -> memref<5x64xf32, #tpu.memory_space<hbm>>
      %dma_start3A_513 = arith.constant 0 : i32
      %dma_start3A_514 = tpu.memref_slice %arg6[%mul3A_61, %dma_start3A_513] : memref<204800x64xf32, #tpu.memory_space<hbm>> -> memref<5x64xf32, #tpu.memory_space<hbm>>
      %dma_start3A_515 = arith.constant 55 : i32
      %dma_start3A_516 = arith.constant 0 : i32
      %dma_start3A_517 = tpu.memref_slice %arg9[%dma_start3A_515, %dma_start3A_516] : memref<160x64xf32, #tpu.memory_space<vmem>> -> memref<5x64xf32, #tpu.memory_space<vmem>>
      tpu.enqueue_dma source(%dma_start3A_517 : memref<5x64xf32, #tpu.memory_space<vmem>>) target(%dma_start3A_514 : memref<5x64xf32, #tpu.memory_space<hbm>>) target_semaphore(%run_scoped3A : memref<!tpu.dma_semaphore, #tpu.memory_space<semaphore_mem>>)
      %dma_wait3A_518 = arith.constant 55 : i32
      %dma_wait3A_519 = arith.constant 0 : i32
      %dma_wait3A_520 = tpu.memref_slice %arg9[%dma_wait3A_518, %dma_wait3A_519] : memref<160x64xf32, #tpu.memory_space<vmem>> -> memref<5x64xf32, #tpu.memory_space<vmem>>
      %dma_wait3A_521 = arith.constant 0 : i32
      %dma_wait3A_522 = tpu.memref_slice %arg6[%mul3A_61, %dma_wait3A_521] : memref<204800x64xf32, #tpu.memory_space<hbm>> -> memref<5x64xf32, #tpu.memory_space<hbm>>
      %dma_wait3A_523 = arith.constant 0 : i32
      %dma_wait3A_524 = tpu.memref_slice %arg6[%mul3A_61, %dma_wait3A_523] : memref<204800x64xf32, #tpu.memory_space<hbm>> -> memref<5x64xf32, #tpu.memory_space<hbm>>
      %dma_wait3A_525 = arith.constant 55 : i32
      %dma_wait3A_526 = arith.constant 0 : i32
      %dma_wait3A_527 = tpu.memref_slice %arg9[%dma_wait3A_525, %dma_wait3A_526] : memref<160x64xf32, #tpu.memory_space<vmem>> -> memref<5x64xf32, #tpu.memory_space<vmem>>
      tpu.wait_dma2 semaphore(%run_scoped3A : memref<!tpu.dma_semaphore, #tpu.memory_space<semaphore_mem>>) src(%dma_wait3A_527 : memref<5x64xf32, #tpu.memory_space<vmem>>) dst(%dma_wait3A_524 : memref<5x64xf32, #tpu.memory_space<hbm>>)
      tpu.yield
    }) : () -> ()
    %add3A_62 = arith.constant 12 : i32
    %add3A_63 = arith.addi %mul3A_2, %add3A_62 : i32
    %mul3A_64 = arith.constant 200 : i32
    %mul3A_65 = arith.muli %add3A_63, %mul3A_64 : i32
    "tpu.region"() ({
      %run_scoped3A = tpu.sem_alloc : memref<!tpu.dma_semaphore, #tpu.memory_space<semaphore_mem>>
      %dma_start3A_508 = arith.constant 60 : i32
      %dma_start3A_509 = arith.constant 0 : i32
      %dma_start3A_510 = tpu.memref_slice %arg9[%dma_start3A_508, %dma_start3A_509] : memref<160x64xf32, #tpu.memory_space<vmem>> -> memref<5x64xf32, #tpu.memory_space<vmem>>
      %dma_start3A_511 = arith.constant 0 : i32
      %dma_start3A_512 = tpu.memref_slice %arg6[%mul3A_65, %dma_start3A_511] : memref<204800x64xf32, #tpu.memory_space<hbm>> -> memref<5x64xf32, #tpu.memory_space<hbm>>
      %dma_start3A_513 = arith.constant 0 : i32
      %dma_start3A_514 = tpu.memref_slice %arg6[%mul3A_65, %dma_start3A_513] : memref<204800x64xf32, #tpu.memory_space<hbm>> -> memref<5x64xf32, #tpu.memory_space<hbm>>
      %dma_start3A_515 = arith.constant 60 : i32
      %dma_start3A_516 = arith.constant 0 : i32
      %dma_start3A_517 = tpu.memref_slice %arg9[%dma_start3A_515, %dma_start3A_516] : memref<160x64xf32, #tpu.memory_space<vmem>> -> memref<5x64xf32, #tpu.memory_space<vmem>>
      tpu.enqueue_dma source(%dma_start3A_517 : memref<5x64xf32, #tpu.memory_space<vmem>>) target(%dma_start3A_514 : memref<5x64xf32, #tpu.memory_space<hbm>>) target_semaphore(%run_scoped3A : memref<!tpu.dma_semaphore, #tpu.memory_space<semaphore_mem>>)
      %dma_wait3A_518 = arith.constant 60 : i32
      %dma_wait3A_519 = arith.constant 0 : i32
      %dma_wait3A_520 = tpu.memref_slice %arg9[%dma_wait3A_518, %dma_wait3A_519] : memref<160x64xf32, #tpu.memory_space<vmem>> -> memref<5x64xf32, #tpu.memory_space<vmem>>
      %dma_wait3A_521 = arith.constant 0 : i32
      %dma_wait3A_522 = tpu.memref_slice %arg6[%mul3A_65, %dma_wait3A_521] : memref<204800x64xf32, #tpu.memory_space<hbm>> -> memref<5x64xf32, #tpu.memory_space<hbm>>
      %dma_wait3A_523 = arith.constant 0 : i32
      %dma_wait3A_524 = tpu.memref_slice %arg6[%mul3A_65, %dma_wait3A_523] : memref<204800x64xf32, #tpu.memory_space<hbm>> -> memref<5x64xf32, #tpu.memory_space<hbm>>
      %dma_wait3A_525 = arith.constant 60 : i32
      %dma_wait3A_526 = arith.constant 0 : i32
      %dma_wait3A_527 = tpu.memref_slice %arg9[%dma_wait3A_525, %dma_wait3A_526] : memref<160x64xf32, #tpu.memory_space<vmem>> -> memref<5x64xf32, #tpu.memory_space<vmem>>
      tpu.wait_dma2 semaphore(%run_scoped3A : memref<!tpu.dma_semaphore, #tpu.memory_space<semaphore_mem>>) src(%dma_wait3A_527 : memref<5x64xf32, #tpu.memory_space<vmem>>) dst(%dma_wait3A_524 : memref<5x64xf32, #tpu.memory_space<hbm>>)
      tpu.yield
    }) : () -> ()
    %add3A_66 = arith.constant 13 : i32
    %add3A_67 = arith.addi %mul3A_2, %add3A_66 : i32
    %mul3A_68 = arith.constant 200 : i32
    %mul3A_69 = arith.muli %add3A_67, %mul3A_68 : i32
    "tpu.region"() ({
      %run_scoped3A = tpu.sem_alloc : memref<!tpu.dma_semaphore, #tpu.memory_space<semaphore_mem>>
      %dma_start3A_508 = arith.constant 65 : i32
      %dma_start3A_509 = arith.constant 0 : i32
      %dma_start3A_510 = tpu.memref_slice %arg9[%dma_start3A_508, %dma_start3A_509] : memref<160x64xf32, #tpu.memory_space<vmem>> -> memref<5x64xf32, #tpu.memory_space<vmem>>
      %dma_start3A_511 = arith.constant 0 : i32
      %dma_start3A_512 = tpu.memref_slice %arg6[%mul3A_69, %dma_start3A_511] : memref<204800x64xf32, #tpu.memory_space<hbm>> -> memref<5x64xf32, #tpu.memory_space<hbm>>
      %dma_start3A_513 = arith.constant 0 : i32
      %dma_start3A_514 = tpu.memref_slice %arg6[%mul3A_69, %dma_start3A_513] : memref<204800x64xf32, #tpu.memory_space<hbm>> -> memref<5x64xf32, #tpu.memory_space<hbm>>
      %dma_start3A_515 = arith.constant 65 : i32
      %dma_start3A_516 = arith.constant 0 : i32
      %dma_start3A_517 = tpu.memref_slice %arg9[%dma_start3A_515, %dma_start3A_516] : memref<160x64xf32, #tpu.memory_space<vmem>> -> memref<5x64xf32, #tpu.memory_space<vmem>>
      tpu.enqueue_dma source(%dma_start3A_517 : memref<5x64xf32, #tpu.memory_space<vmem>>) target(%dma_start3A_514 : memref<5x64xf32, #tpu.memory_space<hbm>>) target_semaphore(%run_scoped3A : memref<!tpu.dma_semaphore, #tpu.memory_space<semaphore_mem>>)
      %dma_wait3A_518 = arith.constant 65 : i32
      %dma_wait3A_519 = arith.constant 0 : i32
      %dma_wait3A_520 = tpu.memref_slice %arg9[%dma_wait3A_518, %dma_wait3A_519] : memref<160x64xf32, #tpu.memory_space<vmem>> -> memref<5x64xf32, #tpu.memory_space<vmem>>
      %dma_wait3A_521 = arith.constant 0 : i32
      %dma_wait3A_522 = tpu.memref_slice %arg6[%mul3A_69, %dma_wait3A_521] : memref<204800x64xf32, #tpu.memory_space<hbm>> -> memref<5x64xf32, #tpu.memory_space<hbm>>
      %dma_wait3A_523 = arith.constant 0 : i32
      %dma_wait3A_524 = tpu.memref_slice %arg6[%mul3A_69, %dma_wait3A_523] : memref<204800x64xf32, #tpu.memory_space<hbm>> -> memref<5x64xf32, #tpu.memory_space<hbm>>
      %dma_wait3A_525 = arith.constant 65 : i32
      %dma_wait3A_526 = arith.constant 0 : i32
      %dma_wait3A_527 = tpu.memref_slice %arg9[%dma_wait3A_525, %dma_wait3A_526] : memref<160x64xf32, #tpu.memory_space<vmem>> -> memref<5x64xf32, #tpu.memory_space<vmem>>
      tpu.wait_dma2 semaphore(%run_scoped3A : memref<!tpu.dma_semaphore, #tpu.memory_space<semaphore_mem>>) src(%dma_wait3A_527 : memref<5x64xf32, #tpu.memory_space<vmem>>) dst(%dma_wait3A_524 : memref<5x64xf32, #tpu.memory_space<hbm>>)
      tpu.yield
    }) : () -> ()
    %add3A_70 = arith.constant 14 : i32
    %add3A_71 = arith.addi %mul3A_2, %add3A_70 : i32
    %mul3A_72 = arith.constant 200 : i32
    %mul3A_73 = arith.muli %add3A_71, %mul3A_72 : i32
    "tpu.region"() ({
      %run_scoped3A = tpu.sem_alloc : memref<!tpu.dma_semaphore, #tpu.memory_space<semaphore_mem>>
      %dma_start3A_508 = arith.constant 70 : i32
      %dma_start3A_509 = arith.constant 0 : i32
      %dma_start3A_510 = tpu.memref_slice %arg9[%dma_start3A_508, %dma_start3A_509] : memref<160x64xf32, #tpu.memory_space<vmem>> -> memref<5x64xf32, #tpu.memory_space<vmem>>
      %dma_start3A_511 = arith.constant 0 : i32
      %dma_start3A_512 = tpu.memref_slice %arg6[%mul3A_73, %dma_start3A_511] : memref<204800x64xf32, #tpu.memory_space<hbm>> -> memref<5x64xf32, #tpu.memory_space<hbm>>
      %dma_start3A_513 = arith.constant 0 : i32
      %dma_start3A_514 = tpu.memref_slice %arg6[%mul3A_73, %dma_start3A_513] : memref<204800x64xf32, #tpu.memory_space<hbm>> -> memref<5x64xf32, #tpu.memory_space<hbm>>
      %dma_start3A_515 = arith.constant 70 : i32
      %dma_start3A_516 = arith.constant 0 : i32
      %dma_start3A_517 = tpu.memref_slice %arg9[%dma_start3A_515, %dma_start3A_516] : memref<160x64xf32, #tpu.memory_space<vmem>> -> memref<5x64xf32, #tpu.memory_space<vmem>>
      tpu.enqueue_dma source(%dma_start3A_517 : memref<5x64xf32, #tpu.memory_space<vmem>>) target(%dma_start3A_514 : memref<5x64xf32, #tpu.memory_space<hbm>>) target_semaphore(%run_scoped3A : memref<!tpu.dma_semaphore, #tpu.memory_space<semaphore_mem>>)
      %dma_wait3A_518 = arith.constant 70 : i32
      %dma_wait3A_519 = arith.constant 0 : i32
      %dma_wait3A_520 = tpu.memref_slice %arg9[%dma_wait3A_518, %dma_wait3A_519] : memref<160x64xf32, #tpu.memory_space<vmem>> -> memref<5x64xf32, #tpu.memory_space<vmem>>
      %dma_wait3A_521 = arith.constant 0 : i32
      %dma_wait3A_522 = tpu.memref_slice %arg6[%mul3A_73, %dma_wait3A_521] : memref<204800x64xf32, #tpu.memory_space<hbm>> -> memref<5x64xf32, #tpu.memory_space<hbm>>
      %dma_wait3A_523 = arith.constant 0 : i32
      %dma_wait3A_524 = tpu.memref_slice %arg6[%mul3A_73, %dma_wait3A_523] : memref<204800x64xf32, #tpu.memory_space<hbm>> -> memref<5x64xf32, #tpu.memory_space<hbm>>
      %dma_wait3A_525 = arith.constant 70 : i32
      %dma_wait3A_526 = arith.constant 0 : i32
      %dma_wait3A_527 = tpu.memref_slice %arg9[%dma_wait3A_525, %dma_wait3A_526] : memref<160x64xf32, #tpu.memory_space<vmem>> -> memref<5x64xf32, #tpu.memory_space<vmem>>
      tpu.wait_dma2 semaphore(%run_scoped3A : memref<!tpu.dma_semaphore, #tpu.memory_space<semaphore_mem>>) src(%dma_wait3A_527 : memref<5x64xf32, #tpu.memory_space<vmem>>) dst(%dma_wait3A_524 : memref<5x64xf32, #tpu.memory_space<hbm>>)
      tpu.yield
    }) : () -> ()
    %add3A_74 = arith.constant 15 : i32
    %add3A_75 = arith.addi %mul3A_2, %add3A_74 : i32
    %mul3A_76 = arith.constant 200 : i32
    %mul3A_77 = arith.muli %add3A_75, %mul3A_76 : i32
    "tpu.region"() ({
      %run_scoped3A = tpu.sem_alloc : memref<!tpu.dma_semaphore, #tpu.memory_space<semaphore_mem>>
      %dma_start3A_508 = arith.constant 75 : i32
      %dma_start3A_509 = arith.constant 0 : i32
      %dma_start3A_510 = tpu.memref_slice %arg9[%dma_start3A_508, %dma_start3A_509] : memref<160x64xf32, #tpu.memory_space<vmem>> -> memref<5x64xf32, #tpu.memory_space<vmem>>
      %dma_start3A_511 = arith.constant 0 : i32
      %dma_start3A_512 = tpu.memref_slice %arg6[%mul3A_77, %dma_start3A_511] : memref<204800x64xf32, #tpu.memory_space<hbm>> -> memref<5x64xf32, #tpu.memory_space<hbm>>
      %dma_start3A_513 = arith.constant 0 : i32
      %dma_start3A_514 = tpu.memref_slice %arg6[%mul3A_77, %dma_start3A_513] : memref<204800x64xf32, #tpu.memory_space<hbm>> -> memref<5x64xf32, #tpu.memory_space<hbm>>
      %dma_start3A_515 = arith.constant 75 : i32
      %dma_start3A_516 = arith.constant 0 : i32
      %dma_start3A_517 = tpu.memref_slice %arg9[%dma_start3A_515, %dma_start3A_516] : memref<160x64xf32, #tpu.memory_space<vmem>> -> memref<5x64xf32, #tpu.memory_space<vmem>>
      tpu.enqueue_dma source(%dma_start3A_517 : memref<5x64xf32, #tpu.memory_space<vmem>>) target(%dma_start3A_514 : memref<5x64xf32, #tpu.memory_space<hbm>>) target_semaphore(%run_scoped3A : memref<!tpu.dma_semaphore, #tpu.memory_space<semaphore_mem>>)
      %dma_wait3A_518 = arith.constant 75 : i32
      %dma_wait3A_519 = arith.constant 0 : i32
      %dma_wait3A_520 = tpu.memref_slice %arg9[%dma_wait3A_518, %dma_wait3A_519] : memref<160x64xf32, #tpu.memory_space<vmem>> -> memref<5x64xf32, #tpu.memory_space<vmem>>
      %dma_wait3A_521 = arith.constant 0 : i32
      %dma_wait3A_522 = tpu.memref_slice %arg6[%mul3A_77, %dma_wait3A_521] : memref<204800x64xf32, #tpu.memory_space<hbm>> -> memref<5x64xf32, #tpu.memory_space<hbm>>
      %dma_wait3A_523 = arith.constant 0 : i32
      %dma_wait3A_524 = tpu.memref_slice %arg6[%mul3A_77, %dma_wait3A_523] : memref<204800x64xf32, #tpu.memory_space<hbm>> -> memref<5x64xf32, #tpu.memory_space<hbm>>
      %dma_wait3A_525 = arith.constant 75 : i32
      %dma_wait3A_526 = arith.constant 0 : i32
      %dma_wait3A_527 = tpu.memref_slice %arg9[%dma_wait3A_525, %dma_wait3A_526] : memref<160x64xf32, #tpu.memory_space<vmem>> -> memref<5x64xf32, #tpu.memory_space<vmem>>
      tpu.wait_dma2 semaphore(%run_scoped3A : memref<!tpu.dma_semaphore, #tpu.memory_space<semaphore_mem>>) src(%dma_wait3A_527 : memref<5x64xf32, #tpu.memory_space<vmem>>) dst(%dma_wait3A_524 : memref<5x64xf32, #tpu.memory_space<hbm>>)
      tpu.yield
    }) : () -> ()
    %add3A_78 = arith.constant 16 : i32
    %add3A_79 = arith.addi %mul3A_2, %add3A_78 : i32
    %mul3A_80 = arith.constant 200 : i32
    %mul3A_81 = arith.muli %add3A_79, %mul3A_80 : i32
    "tpu.region"() ({
      %run_scoped3A = tpu.sem_alloc : memref<!tpu.dma_semaphore, #tpu.memory_space<semaphore_mem>>
      %dma_start3A_508 = arith.constant 80 : i32
      %dma_start3A_509 = arith.constant 0 : i32
      %dma_start3A_510 = tpu.memref_slice %arg9[%dma_start3A_508, %dma_start3A_509] : memref<160x64xf32, #tpu.memory_space<vmem>> -> memref<5x64xf32, #tpu.memory_space<vmem>>
      %dma_start3A_511 = arith.constant 0 : i32
      %dma_start3A_512 = tpu.memref_slice %arg6[%mul3A_81, %dma_start3A_511] : memref<204800x64xf32, #tpu.memory_space<hbm>> -> memref<5x64xf32, #tpu.memory_space<hbm>>
      %dma_start3A_513 = arith.constant 0 : i32
      %dma_start3A_514 = tpu.memref_slice %arg6[%mul3A_81, %dma_start3A_513] : memref<204800x64xf32, #tpu.memory_space<hbm>> -> memref<5x64xf32, #tpu.memory_space<hbm>>
      %dma_start3A_515 = arith.constant 80 : i32
      %dma_start3A_516 = arith.constant 0 : i32
      %dma_start3A_517 = tpu.memref_slice %arg9[%dma_start3A_515, %dma_start3A_516] : memref<160x64xf32, #tpu.memory_space<vmem>> -> memref<5x64xf32, #tpu.memory_space<vmem>>
      tpu.enqueue_dma source(%dma_start3A_517 : memref<5x64xf32, #tpu.memory_space<vmem>>) target(%dma_start3A_514 : memref<5x64xf32, #tpu.memory_space<hbm>>) target_semaphore(%run_scoped3A : memref<!tpu.dma_semaphore, #tpu.memory_space<semaphore_mem>>)
      %dma_wait3A_518 = arith.constant 80 : i32
      %dma_wait3A_519 = arith.constant 0 : i32
      %dma_wait3A_520 = tpu.memref_slice %arg9[%dma_wait3A_518, %dma_wait3A_519] : memref<160x64xf32, #tpu.memory_space<vmem>> -> memref<5x64xf32, #tpu.memory_space<vmem>>
      %dma_wait3A_521 = arith.constant 0 : i32
      %dma_wait3A_522 = tpu.memref_slice %arg6[%mul3A_81, %dma_wait3A_521] : memref<204800x64xf32, #tpu.memory_space<hbm>> -> memref<5x64xf32, #tpu.memory_space<hbm>>
      %dma_wait3A_523 = arith.constant 0 : i32
      %dma_wait3A_524 = tpu.memref_slice %arg6[%mul3A_81, %dma_wait3A_523] : memref<204800x64xf32, #tpu.memory_space<hbm>> -> memref<5x64xf32, #tpu.memory_space<hbm>>
      %dma_wait3A_525 = arith.constant 80 : i32
      %dma_wait3A_526 = arith.constant 0 : i32
      %dma_wait3A_527 = tpu.memref_slice %arg9[%dma_wait3A_525, %dma_wait3A_526] : memref<160x64xf32, #tpu.memory_space<vmem>> -> memref<5x64xf32, #tpu.memory_space<vmem>>
      tpu.wait_dma2 semaphore(%run_scoped3A : memref<!tpu.dma_semaphore, #tpu.memory_space<semaphore_mem>>) src(%dma_wait3A_527 : memref<5x64xf32, #tpu.memory_space<vmem>>) dst(%dma_wait3A_524 : memref<5x64xf32, #tpu.memory_space<hbm>>)
      tpu.yield
    }) : () -> ()
    %add3A_82 = arith.constant 17 : i32
    %add3A_83 = arith.addi %mul3A_2, %add3A_82 : i32
    %mul3A_84 = arith.constant 200 : i32
    %mul3A_85 = arith.muli %add3A_83, %mul3A_84 : i32
    "tpu.region"() ({
      %run_scoped3A = tpu.sem_alloc : memref<!tpu.dma_semaphore, #tpu.memory_space<semaphore_mem>>
      %dma_start3A_508 = arith.constant 85 : i32
      %dma_start3A_509 = arith.constant 0 : i32
      %dma_start3A_510 = tpu.memref_slice %arg9[%dma_start3A_508, %dma_start3A_509] : memref<160x64xf32, #tpu.memory_space<vmem>> -> memref<5x64xf32, #tpu.memory_space<vmem>>
      %dma_start3A_511 = arith.constant 0 : i32
      %dma_start3A_512 = tpu.memref_slice %arg6[%mul3A_85, %dma_start3A_511] : memref<204800x64xf32, #tpu.memory_space<hbm>> -> memref<5x64xf32, #tpu.memory_space<hbm>>
      %dma_start3A_513 = arith.constant 0 : i32
      %dma_start3A_514 = tpu.memref_slice %arg6[%mul3A_85, %dma_start3A_513] : memref<204800x64xf32, #tpu.memory_space<hbm>> -> memref<5x64xf32, #tpu.memory_space<hbm>>
      %dma_start3A_515 = arith.constant 85 : i32
      %dma_start3A_516 = arith.constant 0 : i32
      %dma_start3A_517 = tpu.memref_slice %arg9[%dma_start3A_515, %dma_start3A_516] : memref<160x64xf32, #tpu.memory_space<vmem>> -> memref<5x64xf32, #tpu.memory_space<vmem>>
      tpu.enqueue_dma source(%dma_start3A_517 : memref<5x64xf32, #tpu.memory_space<vmem>>) target(%dma_start3A_514 : memref<5x64xf32, #tpu.memory_space<hbm>>) target_semaphore(%run_scoped3A : memref<!tpu.dma_semaphore, #tpu.memory_space<semaphore_mem>>)
      %dma_wait3A_518 = arith.constant 85 : i32
      %dma_wait3A_519 = arith.constant 0 : i32
      %dma_wait3A_520 = tpu.memref_slice %arg9[%dma_wait3A_518, %dma_wait3A_519] : memref<160x64xf32, #tpu.memory_space<vmem>> -> memref<5x64xf32, #tpu.memory_space<vmem>>
      %dma_wait3A_521 = arith.constant 0 : i32
      %dma_wait3A_522 = tpu.memref_slice %arg6[%mul3A_85, %dma_wait3A_521] : memref<204800x64xf32, #tpu.memory_space<hbm>> -> memref<5x64xf32, #tpu.memory_space<hbm>>
      %dma_wait3A_523 = arith.constant 0 : i32
      %dma_wait3A_524 = tpu.memref_slice %arg6[%mul3A_85, %dma_wait3A_523] : memref<204800x64xf32, #tpu.memory_space<hbm>> -> memref<5x64xf32, #tpu.memory_space<hbm>>
      %dma_wait3A_525 = arith.constant 85 : i32
      %dma_wait3A_526 = arith.constant 0 : i32
      %dma_wait3A_527 = tpu.memref_slice %arg9[%dma_wait3A_525, %dma_wait3A_526] : memref<160x64xf32, #tpu.memory_space<vmem>> -> memref<5x64xf32, #tpu.memory_space<vmem>>
      tpu.wait_dma2 semaphore(%run_scoped3A : memref<!tpu.dma_semaphore, #tpu.memory_space<semaphore_mem>>) src(%dma_wait3A_527 : memref<5x64xf32, #tpu.memory_space<vmem>>) dst(%dma_wait3A_524 : memref<5x64xf32, #tpu.memory_space<hbm>>)
      tpu.yield
    }) : () -> ()
    %add3A_86 = arith.constant 18 : i32
    %add3A_87 = arith.addi %mul3A_2, %add3A_86 : i32
    %mul3A_88 = arith.constant 200 : i32
    %mul3A_89 = arith.muli %add3A_87, %mul3A_88 : i32
    "tpu.region"() ({
      %run_scoped3A = tpu.sem_alloc : memref<!tpu.dma_semaphore, #tpu.memory_space<semaphore_mem>>
      %dma_start3A_508 = arith.constant 90 : i32
      %dma_start3A_509 = arith.constant 0 : i32
      %dma_start3A_510 = tpu.memref_slice %arg9[%dma_start3A_508, %dma_start3A_509] : memref<160x64xf32, #tpu.memory_space<vmem>> -> memref<5x64xf32, #tpu.memory_space<vmem>>
      %dma_start3A_511 = arith.constant 0 : i32
      %dma_start3A_512 = tpu.memref_slice %arg6[%mul3A_89, %dma_start3A_511] : memref<204800x64xf32, #tpu.memory_space<hbm>> -> memref<5x64xf32, #tpu.memory_space<hbm>>
      %dma_start3A_513 = arith.constant 0 : i32
      %dma_start3A_514 = tpu.memref_slice %arg6[%mul3A_89, %dma_start3A_513] : memref<204800x64xf32, #tpu.memory_space<hbm>> -> memref<5x64xf32, #tpu.memory_space<hbm>>
      %dma_start3A_515 = arith.constant 90 : i32
      %dma_start3A_516 = arith.constant 0 : i32
      %dma_start3A_517 = tpu.memref_slice %arg9[%dma_start3A_515, %dma_start3A_516] : memref<160x64xf32, #tpu.memory_space<vmem>> -> memref<5x64xf32, #tpu.memory_space<vmem>>
      tpu.enqueue_dma source(%dma_start3A_517 : memref<5x64xf32, #tpu.memory_space<vmem>>) target(%dma_start3A_514 : memref<5x64xf32, #tpu.memory_space<hbm>>) target_semaphore(%run_scoped3A : memref<!tpu.dma_semaphore, #tpu.memory_space<semaphore_mem>>)
      %dma_wait3A_518 = arith.constant 90 : i32
      %dma_wait3A_519 = arith.constant 0 : i32
      %dma_wait3A_520 = tpu.memref_slice %arg9[%dma_wait3A_518, %dma_wait3A_519] : memref<160x64xf32, #tpu.memory_space<vmem>> -> memref<5x64xf32, #tpu.memory_space<vmem>>
      %dma_wait3A_521 = arith.constant 0 : i32
      %dma_wait3A_522 = tpu.memref_slice %arg6[%mul3A_89, %dma_wait3A_521] : memref<204800x64xf32, #tpu.memory_space<hbm>> -> memref<5x64xf32, #tpu.memory_space<hbm>>
      %dma_wait3A_523 = arith.constant 0 : i32
      %dma_wait3A_524 = tpu.memref_slice %arg6[%mul3A_89, %dma_wait3A_523] : memref<204800x64xf32, #tpu.memory_space<hbm>> -> memref<5x64xf32, #tpu.memory_space<hbm>>
      %dma_wait3A_525 = arith.constant 90 : i32
      %dma_wait3A_526 = arith.constant 0 : i32
      %dma_wait3A_527 = tpu.memref_slice %arg9[%dma_wait3A_525, %dma_wait3A_526] : memref<160x64xf32, #tpu.memory_space<vmem>> -> memref<5x64xf32, #tpu.memory_space<vmem>>
      tpu.wait_dma2 semaphore(%run_scoped3A : memref<!tpu.dma_semaphore, #tpu.memory_space<semaphore_mem>>) src(%dma_wait3A_527 : memref<5x64xf32, #tpu.memory_space<vmem>>) dst(%dma_wait3A_524 : memref<5x64xf32, #tpu.memory_space<hbm>>)
      tpu.yield
    }) : () -> ()
    %add3A_90 = arith.constant 19 : i32
    %add3A_91 = arith.addi %mul3A_2, %add3A_90 : i32
    %mul3A_92 = arith.constant 200 : i32
    %mul3A_93 = arith.muli %add3A_91, %mul3A_92 : i32
    "tpu.region"() ({
      %run_scoped3A = tpu.sem_alloc : memref<!tpu.dma_semaphore, #tpu.memory_space<semaphore_mem>>
      %dma_start3A_508 = arith.constant 95 : i32
      %dma_start3A_509 = arith.constant 0 : i32
      %dma_start3A_510 = tpu.memref_slice %arg9[%dma_start3A_508, %dma_start3A_509] : memref<160x64xf32, #tpu.memory_space<vmem>> -> memref<5x64xf32, #tpu.memory_space<vmem>>
      %dma_start3A_511 = arith.constant 0 : i32
      %dma_start3A_512 = tpu.memref_slice %arg6[%mul3A_93, %dma_start3A_511] : memref<204800x64xf32, #tpu.memory_space<hbm>> -> memref<5x64xf32, #tpu.memory_space<hbm>>
      %dma_start3A_513 = arith.constant 0 : i32
      %dma_start3A_514 = tpu.memref_slice %arg6[%mul3A_93, %dma_start3A_513] : memref<204800x64xf32, #tpu.memory_space<hbm>> -> memref<5x64xf32, #tpu.memory_space<hbm>>
      %dma_start3A_515 = arith.constant 95 : i32
      %dma_start3A_516 = arith.constant 0 : i32
      %dma_start3A_517 = tpu.memref_slice %arg9[%dma_start3A_515, %dma_start3A_516] : memref<160x64xf32, #tpu.memory_space<vmem>> -> memref<5x64xf32, #tpu.memory_space<vmem>>
      tpu.enqueue_dma source(%dma_start3A_517 : memref<5x64xf32, #tpu.memory_space<vmem>>) target(%dma_start3A_514 : memref<5x64xf32, #tpu.memory_space<hbm>>) target_semaphore(%run_scoped3A : memref<!tpu.dma_semaphore, #tpu.memory_space<semaphore_mem>>)
      %dma_wait3A_518 = arith.constant 95 : i32
      %dma_wait3A_519 = arith.constant 0 : i32
      %dma_wait3A_520 = tpu.memref_slice %arg9[%dma_wait3A_518, %dma_wait3A_519] : memref<160x64xf32, #tpu.memory_space<vmem>> -> memref<5x64xf32, #tpu.memory_space<vmem>>
      %dma_wait3A_521 = arith.constant 0 : i32
      %dma_wait3A_522 = tpu.memref_slice %arg6[%mul3A_93, %dma_wait3A_521] : memref<204800x64xf32, #tpu.memory_space<hbm>> -> memref<5x64xf32, #tpu.memory_space<hbm>>
      %dma_wait3A_523 = arith.constant 0 : i32
      %dma_wait3A_524 = tpu.memref_slice %arg6[%mul3A_93, %dma_wait3A_523] : memref<204800x64xf32, #tpu.memory_space<hbm>> -> memref<5x64xf32, #tpu.memory_space<hbm>>
      %dma_wait3A_525 = arith.constant 95 : i32
      %dma_wait3A_526 = arith.constant 0 : i32
      %dma_wait3A_527 = tpu.memref_slice %arg9[%dma_wait3A_525, %dma_wait3A_526] : memref<160x64xf32, #tpu.memory_space<vmem>> -> memref<5x64xf32, #tpu.memory_space<vmem>>
      tpu.wait_dma2 semaphore(%run_scoped3A : memref<!tpu.dma_semaphore, #tpu.memory_space<semaphore_mem>>) src(%dma_wait3A_527 : memref<5x64xf32, #tpu.memory_space<vmem>>) dst(%dma_wait3A_524 : memref<5x64xf32, #tpu.memory_space<hbm>>)
      tpu.yield
    }) : () -> ()
    %add3A_94 = arith.constant 20 : i32
    %add3A_95 = arith.addi %mul3A_2, %add3A_94 : i32
    %mul3A_96 = arith.constant 200 : i32
    %mul3A_97 = arith.muli %add3A_95, %mul3A_96 : i32
    "tpu.region"() ({
      %run_scoped3A = tpu.sem_alloc : memref<!tpu.dma_semaphore, #tpu.memory_space<semaphore_mem>>
      %dma_start3A_508 = arith.constant 100 : i32
      %dma_start3A_509 = arith.constant 0 : i32
      %dma_start3A_510 = tpu.memref_slice %arg9[%dma_start3A_508, %dma_start3A_509] : memref<160x64xf32, #tpu.memory_space<vmem>> -> memref<5x64xf32, #tpu.memory_space<vmem>>
      %dma_start3A_511 = arith.constant 0 : i32
      %dma_start3A_512 = tpu.memref_slice %arg6[%mul3A_97, %dma_start3A_511] : memref<204800x64xf32, #tpu.memory_space<hbm>> -> memref<5x64xf32, #tpu.memory_space<hbm>>
      %dma_start3A_513 = arith.constant 0 : i32
      %dma_start3A_514 = tpu.memref_slice %arg6[%mul3A_97, %dma_start3A_513] : memref<204800x64xf32, #tpu.memory_space<hbm>> -> memref<5x64xf32, #tpu.memory_space<hbm>>
      %dma_start3A_515 = arith.constant 100 : i32
      %dma_start3A_516 = arith.constant 0 : i32
      %dma_start3A_517 = tpu.memref_slice %arg9[%dma_start3A_515, %dma_start3A_516] : memref<160x64xf32, #tpu.memory_space<vmem>> -> memref<5x64xf32, #tpu.memory_space<vmem>>
      tpu.enqueue_dma source(%dma_start3A_517 : memref<5x64xf32, #tpu.memory_space<vmem>>) target(%dma_start3A_514 : memref<5x64xf32, #tpu.memory_space<hbm>>) target_semaphore(%run_scoped3A : memref<!tpu.dma_semaphore, #tpu.memory_space<semaphore_mem>>)
      %dma_wait3A_518 = arith.constant 100 : i32
      %dma_wait3A_519 = arith.constant 0 : i32
      %dma_wait3A_520 = tpu.memref_slice %arg9[%dma_wait3A_518, %dma_wait3A_519] : memref<160x64xf32, #tpu.memory_space<vmem>> -> memref<5x64xf32, #tpu.memory_space<vmem>>
      %dma_wait3A_521 = arith.constant 0 : i32
      %dma_wait3A_522 = tpu.memref_slice %arg6[%mul3A_97, %dma_wait3A_521] : memref<204800x64xf32, #tpu.memory_space<hbm>> -> memref<5x64xf32, #tpu.memory_space<hbm>>
      %dma_wait3A_523 = arith.constant 0 : i32
      %dma_wait3A_524 = tpu.memref_slice %arg6[%mul3A_97, %dma_wait3A_523] : memref<204800x64xf32, #tpu.memory_space<hbm>> -> memref<5x64xf32, #tpu.memory_space<hbm>>
      %dma_wait3A_525 = arith.constant 100 : i32
      %dma_wait3A_526 = arith.constant 0 : i32
      %dma_wait3A_527 = tpu.memref_slice %arg9[%dma_wait3A_525, %dma_wait3A_526] : memref<160x64xf32, #tpu.memory_space<vmem>> -> memref<5x64xf32, #tpu.memory_space<vmem>>
      tpu.wait_dma2 semaphore(%run_scoped3A : memref<!tpu.dma_semaphore, #tpu.memory_space<semaphore_mem>>) src(%dma_wait3A_527 : memref<5x64xf32, #tpu.memory_space<vmem>>) dst(%dma_wait3A_524 : memref<5x64xf32, #tpu.memory_space<hbm>>)
      tpu.yield
    }) : () -> ()
    %add3A_98 = arith.constant 21 : i32
    %add3A_99 = arith.addi %mul3A_2, %add3A_98 : i32
    %mul3A_100 = arith.constant 200 : i32
    %mul3A_101 = arith.muli %add3A_99, %mul3A_100 : i32
    "tpu.region"() ({
      %run_scoped3A = tpu.sem_alloc : memref<!tpu.dma_semaphore, #tpu.memory_space<semaphore_mem>>
      %dma_start3A_508 = arith.constant 105 : i32
      %dma_start3A_509 = arith.constant 0 : i32
      %dma_start3A_510 = tpu.memref_slice %arg9[%dma_start3A_508, %dma_start3A_509] : memref<160x64xf32, #tpu.memory_space<vmem>> -> memref<5x64xf32, #tpu.memory_space<vmem>>
      %dma_start3A_511 = arith.constant 0 : i32
      %dma_start3A_512 = tpu.memref_slice %arg6[%mul3A_101, %dma_start3A_511] : memref<204800x64xf32, #tpu.memory_space<hbm>> -> memref<5x64xf32, #tpu.memory_space<hbm>>
      %dma_start3A_513 = arith.constant 0 : i32
      %dma_start3A_514 = tpu.memref_slice %arg6[%mul3A_101, %dma_start3A_513] : memref<204800x64xf32, #tpu.memory_space<hbm>> -> memref<5x64xf32, #tpu.memory_space<hbm>>
      %dma_start3A_515 = arith.constant 105 : i32
      %dma_start3A_516 = arith.constant 0 : i32
      %dma_start3A_517 = tpu.memref_slice %arg9[%dma_start3A_515, %dma_start3A_516] : memref<160x64xf32, #tpu.memory_space<vmem>> -> memref<5x64xf32, #tpu.memory_space<vmem>>
      tpu.enqueue_dma source(%dma_start3A_517 : memref<5x64xf32, #tpu.memory_space<vmem>>) target(%dma_start3A_514 : memref<5x64xf32, #tpu.memory_space<hbm>>) target_semaphore(%run_scoped3A : memref<!tpu.dma_semaphore, #tpu.memory_space<semaphore_mem>>)
      %dma_wait3A_518 = arith.constant 105 : i32
      %dma_wait3A_519 = arith.constant 0 : i32
      %dma_wait3A_520 = tpu.memref_slice %arg9[%dma_wait3A_518, %dma_wait3A_519] : memref<160x64xf32, #tpu.memory_space<vmem>> -> memref<5x64xf32, #tpu.memory_space<vmem>>
      %dma_wait3A_521 = arith.constant 0 : i32
      %dma_wait3A_522 = tpu.memref_slice %arg6[%mul3A_101, %dma_wait3A_521] : memref<204800x64xf32, #tpu.memory_space<hbm>> -> memref<5x64xf32, #tpu.memory_space<hbm>>
      %dma_wait3A_523 = arith.constant 0 : i32
      %dma_wait3A_524 = tpu.memref_slice %arg6[%mul3A_101, %dma_wait3A_523] : memref<204800x64xf32, #tpu.memory_space<hbm>> -> memref<5x64xf32, #tpu.memory_space<hbm>>
      %dma_wait3A_525 = arith.constant 105 : i32
      %dma_wait3A_526 = arith.constant 0 : i32
      %dma_wait3A_527 = tpu.memref_slice %arg9[%dma_wait3A_525, %dma_wait3A_526] : memref<160x64xf32, #tpu.memory_space<vmem>> -> memref<5x64xf32, #tpu.memory_space<vmem>>
      tpu.wait_dma2 semaphore(%run_scoped3A : memref<!tpu.dma_semaphore, #tpu.memory_space<semaphore_mem>>) src(%dma_wait3A_527 : memref<5x64xf32, #tpu.memory_space<vmem>>) dst(%dma_wait3A_524 : memref<5x64xf32, #tpu.memory_space<hbm>>)
      tpu.yield
    }) : () -> ()
    %add3A_102 = arith.constant 22 : i32
    %add3A_103 = arith.addi %mul3A_2, %add3A_102 : i32
    %mul3A_104 = arith.constant 200 : i32
    %mul3A_105 = arith.muli %add3A_103, %mul3A_104 : i32
    "tpu.region"() ({
      %run_scoped3A = tpu.sem_alloc : memref<!tpu.dma_semaphore, #tpu.memory_space<semaphore_mem>>
      %dma_start3A_508 = arith.constant 110 : i32
      %dma_start3A_509 = arith.constant 0 : i32
      %dma_start3A_510 = tpu.memref_slice %arg9[%dma_start3A_508, %dma_start3A_509] : memref<160x64xf32, #tpu.memory_space<vmem>> -> memref<5x64xf32, #tpu.memory_space<vmem>>
      %dma_start3A_511 = arith.constant 0 : i32
      %dma_start3A_512 = tpu.memref_slice %arg6[%mul3A_105, %dma_start3A_511] : memref<204800x64xf32, #tpu.memory_space<hbm>> -> memref<5x64xf32, #tpu.memory_space<hbm>>
      %dma_start3A_513 = arith.constant 0 : i32
      %dma_start3A_514 = tpu.memref_slice %arg6[%mul3A_105, %dma_start3A_513] : memref<204800x64xf32, #tpu.memory_space<hbm>> -> memref<5x64xf32, #tpu.memory_space<hbm>>
      %dma_start3A_515 = arith.constant 110 : i32
      %dma_start3A_516 = arith.constant 0 : i32
      %dma_start3A_517 = tpu.memref_slice %arg9[%dma_start3A_515, %dma_start3A_516] : memref<160x64xf32, #tpu.memory_space<vmem>> -> memref<5x64xf32, #tpu.memory_space<vmem>>
      tpu.enqueue_dma source(%dma_start3A_517 : memref<5x64xf32, #tpu.memory_space<vmem>>) target(%dma_start3A_514 : memref<5x64xf32, #tpu.memory_space<hbm>>) target_semaphore(%run_scoped3A : memref<!tpu.dma_semaphore, #tpu.memory_space<semaphore_mem>>)
      %dma_wait3A_518 = arith.constant 110 : i32
      %dma_wait3A_519 = arith.constant 0 : i32
      %dma_wait3A_520 = tpu.memref_slice %arg9[%dma_wait3A_518, %dma_wait3A_519] : memref<160x64xf32, #tpu.memory_space<vmem>> -> memref<5x64xf32, #tpu.memory_space<vmem>>
      %dma_wait3A_521 = arith.constant 0 : i32
      %dma_wait3A_522 = tpu.memref_slice %arg6[%mul3A_105, %dma_wait3A_521] : memref<204800x64xf32, #tpu.memory_space<hbm>> -> memref<5x64xf32, #tpu.memory_space<hbm>>
      %dma_wait3A_523 = arith.constant 0 : i32
      %dma_wait3A_524 = tpu.memref_slice %arg6[%mul3A_105, %dma_wait3A_523] : memref<204800x64xf32, #tpu.memory_space<hbm>> -> memref<5x64xf32, #tpu.memory_space<hbm>>
      %dma_wait3A_525 = arith.constant 110 : i32
      %dma_wait3A_526 = arith.constant 0 : i32
      %dma_wait3A_527 = tpu.memref_slice %arg9[%dma_wait3A_525, %dma_wait3A_526] : memref<160x64xf32, #tpu.memory_space<vmem>> -> memref<5x64xf32, #tpu.memory_space<vmem>>
      tpu.wait_dma2 semaphore(%run_scoped3A : memref<!tpu.dma_semaphore, #tpu.memory_space<semaphore_mem>>) src(%dma_wait3A_527 : memref<5x64xf32, #tpu.memory_space<vmem>>) dst(%dma_wait3A_524 : memref<5x64xf32, #tpu.memory_space<hbm>>)
      tpu.yield
    }) : () -> ()
    %add3A_106 = arith.constant 23 : i32
    %add3A_107 = arith.addi %mul3A_2, %add3A_106 : i32
    %mul3A_108 = arith.constant 200 : i32
    %mul3A_109 = arith.muli %add3A_107, %mul3A_108 : i32
    "tpu.region"() ({
      %run_scoped3A = tpu.sem_alloc : memref<!tpu.dma_semaphore, #tpu.memory_space<semaphore_mem>>
      %dma_start3A_508 = arith.constant 115 : i32
      %dma_start3A_509 = arith.constant 0 : i32
      %dma_start3A_510 = tpu.memref_slice %arg9[%dma_start3A_508, %dma_start3A_509] : memref<160x64xf32, #tpu.memory_space<vmem>> -> memref<5x64xf32, #tpu.memory_space<vmem>>
      %dma_start3A_511 = arith.constant 0 : i32
      %dma_start3A_512 = tpu.memref_slice %arg6[%mul3A_109, %dma_start3A_511] : memref<204800x64xf32, #tpu.memory_space<hbm>> -> memref<5x64xf32, #tpu.memory_space<hbm>>
      %dma_start3A_513 = arith.constant 0 : i32
      %dma_start3A_514 = tpu.memref_slice %arg6[%mul3A_109, %dma_start3A_513] : memref<204800x64xf32, #tpu.memory_space<hbm>> -> memref<5x64xf32, #tpu.memory_space<hbm>>
      %dma_start3A_515 = arith.constant 115 : i32
      %dma_start3A_516 = arith.constant 0 : i32
      %dma_start3A_517 = tpu.memref_slice %arg9[%dma_start3A_515, %dma_start3A_516] : memref<160x64xf32, #tpu.memory_space<vmem>> -> memref<5x64xf32, #tpu.memory_space<vmem>>
      tpu.enqueue_dma source(%dma_start3A_517 : memref<5x64xf32, #tpu.memory_space<vmem>>) target(%dma_start3A_514 : memref<5x64xf32, #tpu.memory_space<hbm>>) target_semaphore(%run_scoped3A : memref<!tpu.dma_semaphore, #tpu.memory_space<semaphore_mem>>)
      %dma_wait3A_518 = arith.constant 115 : i32
      %dma_wait3A_519 = arith.constant 0 : i32
      %dma_wait3A_520 = tpu.memref_slice %arg9[%dma_wait3A_518, %dma_wait3A_519] : memref<160x64xf32, #tpu.memory_space<vmem>> -> memref<5x64xf32, #tpu.memory_space<vmem>>
      %dma_wait3A_521 = arith.constant 0 : i32
      %dma_wait3A_522 = tpu.memref_slice %arg6[%mul3A_109, %dma_wait3A_521] : memref<204800x64xf32, #tpu.memory_space<hbm>> -> memref<5x64xf32, #tpu.memory_space<hbm>>
      %dma_wait3A_523 = arith.constant 0 : i32
      %dma_wait3A_524 = tpu.memref_slice %arg6[%mul3A_109, %dma_wait3A_523] : memref<204800x64xf32, #tpu.memory_space<hbm>> -> memref<5x64xf32, #tpu.memory_space<hbm>>
      %dma_wait3A_525 = arith.constant 115 : i32
      %dma_wait3A_526 = arith.constant 0 : i32
      %dma_wait3A_527 = tpu.memref_slice %arg9[%dma_wait3A_525, %dma_wait3A_526] : memref<160x64xf32, #tpu.memory_space<vmem>> -> memref<5x64xf32, #tpu.memory_space<vmem>>
      tpu.wait_dma2 semaphore(%run_scoped3A : memref<!tpu.dma_semaphore, #tpu.memory_space<semaphore_mem>>) src(%dma_wait3A_527 : memref<5x64xf32, #tpu.memory_space<vmem>>) dst(%dma_wait3A_524 : memref<5x64xf32, #tpu.memory_space<hbm>>)
      tpu.yield
    }) : () -> ()
    %add3A_110 = arith.constant 24 : i32
    %add3A_111 = arith.addi %mul3A_2, %add3A_110 : i32
    %mul3A_112 = arith.constant 200 : i32
    %mul3A_113 = arith.muli %add3A_111, %mul3A_112 : i32
    "tpu.region"() ({
      %run_scoped3A = tpu.sem_alloc : memref<!tpu.dma_semaphore, #tpu.memory_space<semaphore_mem>>
      %dma_start3A_508 = arith.constant 120 : i32
      %dma_start3A_509 = arith.constant 0 : i32
      %dma_start3A_510 = tpu.memref_slice %arg9[%dma_start3A_508, %dma_start3A_509] : memref<160x64xf32, #tpu.memory_space<vmem>> -> memref<5x64xf32, #tpu.memory_space<vmem>>
      %dma_start3A_511 = arith.constant 0 : i32
      %dma_start3A_512 = tpu.memref_slice %arg6[%mul3A_113, %dma_start3A_511] : memref<204800x64xf32, #tpu.memory_space<hbm>> -> memref<5x64xf32, #tpu.memory_space<hbm>>
      %dma_start3A_513 = arith.constant 0 : i32
      %dma_start3A_514 = tpu.memref_slice %arg6[%mul3A_113, %dma_start3A_513] : memref<204800x64xf32, #tpu.memory_space<hbm>> -> memref<5x64xf32, #tpu.memory_space<hbm>>
      %dma_start3A_515 = arith.constant 120 : i32
      %dma_start3A_516 = arith.constant 0 : i32
      %dma_start3A_517 = tpu.memref_slice %arg9[%dma_start3A_515, %dma_start3A_516] : memref<160x64xf32, #tpu.memory_space<vmem>> -> memref<5x64xf32, #tpu.memory_space<vmem>>
      tpu.enqueue_dma source(%dma_start3A_517 : memref<5x64xf32, #tpu.memory_space<vmem>>) target(%dma_start3A_514 : memref<5x64xf32, #tpu.memory_space<hbm>>) target_semaphore(%run_scoped3A : memref<!tpu.dma_semaphore, #tpu.memory_space<semaphore_mem>>)
      %dma_wait3A_518 = arith.constant 120 : i32
      %dma_wait3A_519 = arith.constant 0 : i32
      %dma_wait3A_520 = tpu.memref_slice %arg9[%dma_wait3A_518, %dma_wait3A_519] : memref<160x64xf32, #tpu.memory_space<vmem>> -> memref<5x64xf32, #tpu.memory_space<vmem>>
      %dma_wait3A_521 = arith.constant 0 : i32
      %dma_wait3A_522 = tpu.memref_slice %arg6[%mul3A_113, %dma_wait3A_521] : memref<204800x64xf32, #tpu.memory_space<hbm>> -> memref<5x64xf32, #tpu.memory_space<hbm>>
      %dma_wait3A_523 = arith.constant 0 : i32
      %dma_wait3A_524 = tpu.memref_slice %arg6[%mul3A_113, %dma_wait3A_523] : memref<204800x64xf32, #tpu.memory_space<hbm>> -> memref<5x64xf32, #tpu.memory_space<hbm>>
      %dma_wait3A_525 = arith.constant 120 : i32
      %dma_wait3A_526 = arith.constant 0 : i32
      %dma_wait3A_527 = tpu.memref_slice %arg9[%dma_wait3A_525, %dma_wait3A_526] : memref<160x64xf32, #tpu.memory_space<vmem>> -> memref<5x64xf32, #tpu.memory_space<vmem>>
      tpu.wait_dma2 semaphore(%run_scoped3A : memref<!tpu.dma_semaphore, #tpu.memory_space<semaphore_mem>>) src(%dma_wait3A_527 : memref<5x64xf32, #tpu.memory_space<vmem>>) dst(%dma_wait3A_524 : memref<5x64xf32, #tpu.memory_space<hbm>>)
      tpu.yield
    }) : () -> ()
    %add3A_114 = arith.constant 25 : i32
    %add3A_115 = arith.addi %mul3A_2, %add3A_114 : i32
    %mul3A_116 = arith.constant 200 : i32
    %mul3A_117 = arith.muli %add3A_115, %mul3A_116 : i32
    "tpu.region"() ({
      %run_scoped3A = tpu.sem_alloc : memref<!tpu.dma_semaphore, #tpu.memory_space<semaphore_mem>>
      %dma_start3A_508 = arith.constant 125 : i32
      %dma_start3A_509 = arith.constant 0 : i32
      %dma_start3A_510 = tpu.memref_slice %arg9[%dma_start3A_508, %dma_start3A_509] : memref<160x64xf32, #tpu.memory_space<vmem>> -> memref<5x64xf32, #tpu.memory_space<vmem>>
      %dma_start3A_511 = arith.constant 0 : i32
      %dma_start3A_512 = tpu.memref_slice %arg6[%mul3A_117, %dma_start3A_511] : memref<204800x64xf32, #tpu.memory_space<hbm>> -> memref<5x64xf32, #tpu.memory_space<hbm>>
      %dma_start3A_513 = arith.constant 0 : i32
      %dma_start3A_514 = tpu.memref_slice %arg6[%mul3A_117, %dma_start3A_513] : memref<204800x64xf32, #tpu.memory_space<hbm>> -> memref<5x64xf32, #tpu.memory_space<hbm>>
      %dma_start3A_515 = arith.constant 125 : i32
      %dma_start3A_516 = arith.constant 0 : i32
      %dma_start3A_517 = tpu.memref_slice %arg9[%dma_start3A_515, %dma_start3A_516] : memref<160x64xf32, #tpu.memory_space<vmem>> -> memref<5x64xf32, #tpu.memory_space<vmem>>
      tpu.enqueue_dma source(%dma_start3A_517 : memref<5x64xf32, #tpu.memory_space<vmem>>) target(%dma_start3A_514 : memref<5x64xf32, #tpu.memory_space<hbm>>) target_semaphore(%run_scoped3A : memref<!tpu.dma_semaphore, #tpu.memory_space<semaphore_mem>>)
      %dma_wait3A_518 = arith.constant 125 : i32
      %dma_wait3A_519 = arith.constant 0 : i32
      %dma_wait3A_520 = tpu.memref_slice %arg9[%dma_wait3A_518, %dma_wait3A_519] : memref<160x64xf32, #tpu.memory_space<vmem>> -> memref<5x64xf32, #tpu.memory_space<vmem>>
      %dma_wait3A_521 = arith.constant 0 : i32
      %dma_wait3A_522 = tpu.memref_slice %arg6[%mul3A_117, %dma_wait3A_521] : memref<204800x64xf32, #tpu.memory_space<hbm>> -> memref<5x64xf32, #tpu.memory_space<hbm>>
      %dma_wait3A_523 = arith.constant 0 : i32
      %dma_wait3A_524 = tpu.memref_slice %arg6[%mul3A_117, %dma_wait3A_523] : memref<204800x64xf32, #tpu.memory_space<hbm>> -> memref<5x64xf32, #tpu.memory_space<hbm>>
      %dma_wait3A_525 = arith.constant 125 : i32
      %dma_wait3A_526 = arith.constant 0 : i32
      %dma_wait3A_527 = tpu.memref_slice %arg9[%dma_wait3A_525, %dma_wait3A_526] : memref<160x64xf32, #tpu.memory_space<vmem>> -> memref<5x64xf32, #tpu.memory_space<vmem>>
      tpu.wait_dma2 semaphore(%run_scoped3A : memref<!tpu.dma_semaphore, #tpu.memory_space<semaphore_mem>>) src(%dma_wait3A_527 : memref<5x64xf32, #tpu.memory_space<vmem>>) dst(%dma_wait3A_524 : memref<5x64xf32, #tpu.memory_space<hbm>>)
      tpu.yield
    }) : () -> ()
    %add3A_118 = arith.constant 26 : i32
    %add3A_119 = arith.addi %mul3A_2, %add3A_118 : i32
    %mul3A_120 = arith.constant 200 : i32
    %mul3A_121 = arith.muli %add3A_119, %mul3A_120 : i32
    "tpu.region"() ({
      %run_scoped3A = tpu.sem_alloc : memref<!tpu.dma_semaphore, #tpu.memory_space<semaphore_mem>>
      %dma_start3A_508 = arith.constant 130 : i32
      %dma_start3A_509 = arith.constant 0 : i32
      %dma_start3A_510 = tpu.memref_slice %arg9[%dma_start3A_508, %dma_start3A_509] : memref<160x64xf32, #tpu.memory_space<vmem>> -> memref<5x64xf32, #tpu.memory_space<vmem>>
      %dma_start3A_511 = arith.constant 0 : i32
      %dma_start3A_512 = tpu.memref_slice %arg6[%mul3A_121, %dma_start3A_511] : memref<204800x64xf32, #tpu.memory_space<hbm>> -> memref<5x64xf32, #tpu.memory_space<hbm>>
      %dma_start3A_513 = arith.constant 0 : i32
      %dma_start3A_514 = tpu.memref_slice %arg6[%mul3A_121, %dma_start3A_513] : memref<204800x64xf32, #tpu.memory_space<hbm>> -> memref<5x64xf32, #tpu.memory_space<hbm>>
      %dma_start3A_515 = arith.constant 130 : i32
      %dma_start3A_516 = arith.constant 0 : i32
      %dma_start3A_517 = tpu.memref_slice %arg9[%dma_start3A_515, %dma_start3A_516] : memref<160x64xf32, #tpu.memory_space<vmem>> -> memref<5x64xf32, #tpu.memory_space<vmem>>
      tpu.enqueue_dma source(%dma_start3A_517 : memref<5x64xf32, #tpu.memory_space<vmem>>) target(%dma_start3A_514 : memref<5x64xf32, #tpu.memory_space<hbm>>) target_semaphore(%run_scoped3A : memref<!tpu.dma_semaphore, #tpu.memory_space<semaphore_mem>>)
      %dma_wait3A_518 = arith.constant 130 : i32
      %dma_wait3A_519 = arith.constant 0 : i32
      %dma_wait3A_520 = tpu.memref_slice %arg9[%dma_wait3A_518, %dma_wait3A_519] : memref<160x64xf32, #tpu.memory_space<vmem>> -> memref<5x64xf32, #tpu.memory_space<vmem>>
      %dma_wait3A_521 = arith.constant 0 : i32
      %dma_wait3A_522 = tpu.memref_slice %arg6[%mul3A_121, %dma_wait3A_521] : memref<204800x64xf32, #tpu.memory_space<hbm>> -> memref<5x64xf32, #tpu.memory_space<hbm>>
      %dma_wait3A_523 = arith.constant 0 : i32
      %dma_wait3A_524 = tpu.memref_slice %arg6[%mul3A_121, %dma_wait3A_523] : memref<204800x64xf32, #tpu.memory_space<hbm>> -> memref<5x64xf32, #tpu.memory_space<hbm>>
      %dma_wait3A_525 = arith.constant 130 : i32
      %dma_wait3A_526 = arith.constant 0 : i32
      %dma_wait3A_527 = tpu.memref_slice %arg9[%dma_wait3A_525, %dma_wait3A_526] : memref<160x64xf32, #tpu.memory_space<vmem>> -> memref<5x64xf32, #tpu.memory_space<vmem>>
      tpu.wait_dma2 semaphore(%run_scoped3A : memref<!tpu.dma_semaphore, #tpu.memory_space<semaphore_mem>>) src(%dma_wait3A_527 : memref<5x64xf32, #tpu.memory_space<vmem>>) dst(%dma_wait3A_524 : memref<5x64xf32, #tpu.memory_space<hbm>>)
      tpu.yield
    }) : () -> ()
    %add3A_122 = arith.constant 27 : i32
    %add3A_123 = arith.addi %mul3A_2, %add3A_122 : i32
    %mul3A_124 = arith.constant 200 : i32
    %mul3A_125 = arith.muli %add3A_123, %mul3A_124 : i32
    "tpu.region"() ({
      %run_scoped3A = tpu.sem_alloc : memref<!tpu.dma_semaphore, #tpu.memory_space<semaphore_mem>>
      %dma_start3A_508 = arith.constant 135 : i32
      %dma_start3A_509 = arith.constant 0 : i32
      %dma_start3A_510 = tpu.memref_slice %arg9[%dma_start3A_508, %dma_start3A_509] : memref<160x64xf32, #tpu.memory_space<vmem>> -> memref<5x64xf32, #tpu.memory_space<vmem>>
      %dma_start3A_511 = arith.constant 0 : i32
      %dma_start3A_512 = tpu.memref_slice %arg6[%mul3A_125, %dma_start3A_511] : memref<204800x64xf32, #tpu.memory_space<hbm>> -> memref<5x64xf32, #tpu.memory_space<hbm>>
      %dma_start3A_513 = arith.constant 0 : i32
      %dma_start3A_514 = tpu.memref_slice %arg6[%mul3A_125, %dma_start3A_513] : memref<204800x64xf32, #tpu.memory_space<hbm>> -> memref<5x64xf32, #tpu.memory_space<hbm>>
      %dma_start3A_515 = arith.constant 135 : i32
      %dma_start3A_516 = arith.constant 0 : i32
      %dma_start3A_517 = tpu.memref_slice %arg9[%dma_start3A_515, %dma_start3A_516] : memref<160x64xf32, #tpu.memory_space<vmem>> -> memref<5x64xf32, #tpu.memory_space<vmem>>
      tpu.enqueue_dma source(%dma_start3A_517 : memref<5x64xf32, #tpu.memory_space<vmem>>) target(%dma_start3A_514 : memref<5x64xf32, #tpu.memory_space<hbm>>) target_semaphore(%run_scoped3A : memref<!tpu.dma_semaphore, #tpu.memory_space<semaphore_mem>>)
      %dma_wait3A_518 = arith.constant 135 : i32
      %dma_wait3A_519 = arith.constant 0 : i32
      %dma_wait3A_520 = tpu.memref_slice %arg9[%dma_wait3A_518, %dma_wait3A_519] : memref<160x64xf32, #tpu.memory_space<vmem>> -> memref<5x64xf32, #tpu.memory_space<vmem>>
      %dma_wait3A_521 = arith.constant 0 : i32
      %dma_wait3A_522 = tpu.memref_slice %arg6[%mul3A_125, %dma_wait3A_521] : memref<204800x64xf32, #tpu.memory_space<hbm>> -> memref<5x64xf32, #tpu.memory_space<hbm>>
      %dma_wait3A_523 = arith.constant 0 : i32
      %dma_wait3A_524 = tpu.memref_slice %arg6[%mul3A_125, %dma_wait3A_523] : memref<204800x64xf32, #tpu.memory_space<hbm>> -> memref<5x64xf32, #tpu.memory_space<hbm>>
      %dma_wait3A_525 = arith.constant 135 : i32
      %dma_wait3A_526 = arith.constant 0 : i32
      %dma_wait3A_527 = tpu.memref_slice %arg9[%dma_wait3A_525, %dma_wait3A_526] : memref<160x64xf32, #tpu.memory_space<vmem>> -> memref<5x64xf32, #tpu.memory_space<vmem>>
      tpu.wait_dma2 semaphore(%run_scoped3A : memref<!tpu.dma_semaphore, #tpu.memory_space<semaphore_mem>>) src(%dma_wait3A_527 : memref<5x64xf32, #tpu.memory_space<vmem>>) dst(%dma_wait3A_524 : memref<5x64xf32, #tpu.memory_space<hbm>>)
      tpu.yield
    }) : () -> ()
    %add3A_126 = arith.constant 28 : i32
    %add3A_127 = arith.addi %mul3A_2, %add3A_126 : i32
    %mul3A_128 = arith.constant 200 : i32
    %mul3A_129 = arith.muli %add3A_127, %mul3A_128 : i32
    "tpu.region"() ({
      %run_scoped3A = tpu.sem_alloc : memref<!tpu.dma_semaphore, #tpu.memory_space<semaphore_mem>>
      %dma_start3A_508 = arith.constant 140 : i32
      %dma_start3A_509 = arith.constant 0 : i32
      %dma_start3A_510 = tpu.memref_slice %arg9[%dma_start3A_508, %dma_start3A_509] : memref<160x64xf32, #tpu.memory_space<vmem>> -> memref<5x64xf32, #tpu.memory_space<vmem>>
      %dma_start3A_511 = arith.constant 0 : i32
      %dma_start3A_512 = tpu.memref_slice %arg6[%mul3A_129, %dma_start3A_511] : memref<204800x64xf32, #tpu.memory_space<hbm>> -> memref<5x64xf32, #tpu.memory_space<hbm>>
      %dma_start3A_513 = arith.constant 0 : i32
      %dma_start3A_514 = tpu.memref_slice %arg6[%mul3A_129, %dma_start3A_513] : memref<204800x64xf32, #tpu.memory_space<hbm>> -> memref<5x64xf32, #tpu.memory_space<hbm>>
      %dma_start3A_515 = arith.constant 140 : i32
      %dma_start3A_516 = arith.constant 0 : i32
      %dma_start3A_517 = tpu.memref_slice %arg9[%dma_start3A_515, %dma_start3A_516] : memref<160x64xf32, #tpu.memory_space<vmem>> -> memref<5x64xf32, #tpu.memory_space<vmem>>
      tpu.enqueue_dma source(%dma_start3A_517 : memref<5x64xf32, #tpu.memory_space<vmem>>) target(%dma_start3A_514 : memref<5x64xf32, #tpu.memory_space<hbm>>) target_semaphore(%run_scoped3A : memref<!tpu.dma_semaphore, #tpu.memory_space<semaphore_mem>>)
      %dma_wait3A_518 = arith.constant 140 : i32
      %dma_wait3A_519 = arith.constant 0 : i32
      %dma_wait3A_520 = tpu.memref_slice %arg9[%dma_wait3A_518, %dma_wait3A_519] : memref<160x64xf32, #tpu.memory_space<vmem>> -> memref<5x64xf32, #tpu.memory_space<vmem>>
      %dma_wait3A_521 = arith.constant 0 : i32
      %dma_wait3A_522 = tpu.memref_slice %arg6[%mul3A_129, %dma_wait3A_521] : memref<204800x64xf32, #tpu.memory_space<hbm>> -> memref<5x64xf32, #tpu.memory_space<hbm>>
      %dma_wait3A_523 = arith.constant 0 : i32
      %dma_wait3A_524 = tpu.memref_slice %arg6[%mul3A_129, %dma_wait3A_523] : memref<204800x64xf32, #tpu.memory_space<hbm>> -> memref<5x64xf32, #tpu.memory_space<hbm>>
      %dma_wait3A_525 = arith.constant 140 : i32
      %dma_wait3A_526 = arith.constant 0 : i32
      %dma_wait3A_527 = tpu.memref_slice %arg9[%dma_wait3A_525, %dma_wait3A_526] : memref<160x64xf32, #tpu.memory_space<vmem>> -> memref<5x64xf32, #tpu.memory_space<vmem>>
      tpu.wait_dma2 semaphore(%run_scoped3A : memref<!tpu.dma_semaphore, #tpu.memory_space<semaphore_mem>>) src(%dma_wait3A_527 : memref<5x64xf32, #tpu.memory_space<vmem>>) dst(%dma_wait3A_524 : memref<5x64xf32, #tpu.memory_space<hbm>>)
      tpu.yield
    }) : () -> ()
    %add3A_130 = arith.constant 29 : i32
    %add3A_131 = arith.addi %mul3A_2, %add3A_130 : i32
    %mul3A_132 = arith.constant 200 : i32
    %mul3A_133 = arith.muli %add3A_131, %mul3A_132 : i32
    "tpu.region"() ({
      %run_scoped3A = tpu.sem_alloc : memref<!tpu.dma_semaphore, #tpu.memory_space<semaphore_mem>>
      %dma_start3A_508 = arith.constant 145 : i32
      %dma_start3A_509 = arith.constant 0 : i32
      %dma_start3A_510 = tpu.memref_slice %arg9[%dma_start3A_508, %dma_start3A_509] : memref<160x64xf32, #tpu.memory_space<vmem>> -> memref<5x64xf32, #tpu.memory_space<vmem>>
      %dma_start3A_511 = arith.constant 0 : i32
      %dma_start3A_512 = tpu.memref_slice %arg6[%mul3A_133, %dma_start3A_511] : memref<204800x64xf32, #tpu.memory_space<hbm>> -> memref<5x64xf32, #tpu.memory_space<hbm>>
      %dma_start3A_513 = arith.constant 0 : i32
      %dma_start3A_514 = tpu.memref_slice %arg6[%mul3A_133, %dma_start3A_513] : memref<204800x64xf32, #tpu.memory_space<hbm>> -> memref<5x64xf32, #tpu.memory_space<hbm>>
      %dma_start3A_515 = arith.constant 145 : i32
      %dma_start3A_516 = arith.constant 0 : i32
      %dma_start3A_517 = tpu.memref_slice %arg9[%dma_start3A_515, %dma_start3A_516] : memref<160x64xf32, #tpu.memory_space<vmem>> -> memref<5x64xf32, #tpu.memory_space<vmem>>
      tpu.enqueue_dma source(%dma_start3A_517 : memref<5x64xf32, #tpu.memory_space<vmem>>) target(%dma_start3A_514 : memref<5x64xf32, #tpu.memory_space<hbm>>) target_semaphore(%run_scoped3A : memref<!tpu.dma_semaphore, #tpu.memory_space<semaphore_mem>>)
      %dma_wait3A_518 = arith.constant 145 : i32
      %dma_wait3A_519 = arith.constant 0 : i32
      %dma_wait3A_520 = tpu.memref_slice %arg9[%dma_wait3A_518, %dma_wait3A_519] : memref<160x64xf32, #tpu.memory_space<vmem>> -> memref<5x64xf32, #tpu.memory_space<vmem>>
      %dma_wait3A_521 = arith.constant 0 : i32
      %dma_wait3A_522 = tpu.memref_slice %arg6[%mul3A_133, %dma_wait3A_521] : memref<204800x64xf32, #tpu.memory_space<hbm>> -> memref<5x64xf32, #tpu.memory_space<hbm>>
      %dma_wait3A_523 = arith.constant 0 : i32
      %dma_wait3A_524 = tpu.memref_slice %arg6[%mul3A_133, %dma_wait3A_523] : memref<204800x64xf32, #tpu.memory_space<hbm>> -> memref<5x64xf32, #tpu.memory_space<hbm>>
      %dma_wait3A_525 = arith.constant 145 : i32
      %dma_wait3A_526 = arith.constant 0 : i32
      %dma_wait3A_527 = tpu.memref_slice %arg9[%dma_wait3A_525, %dma_wait3A_526] : memref<160x64xf32, #tpu.memory_space<vmem>> -> memref<5x64xf32, #tpu.memory_space<vmem>>
      tpu.wait_dma2 semaphore(%run_scoped3A : memref<!tpu.dma_semaphore, #tpu.memory_space<semaphore_mem>>) src(%dma_wait3A_527 : memref<5x64xf32, #tpu.memory_space<vmem>>) dst(%dma_wait3A_524 : memref<5x64xf32, #tpu.memory_space<hbm>>)
      tpu.yield
    }) : () -> ()
    %add3A_134 = arith.constant 30 : i32
    %add3A_135 = arith.addi %mul3A_2, %add3A_134 : i32
    %mul3A_136 = arith.constant 200 : i32
    %mul3A_137 = arith.muli %add3A_135, %mul3A_136 : i32
    "tpu.region"() ({
      %run_scoped3A = tpu.sem_alloc : memref<!tpu.dma_semaphore, #tpu.memory_space<semaphore_mem>>
      %dma_start3A_508 = arith.constant 150 : i32
      %dma_start3A_509 = arith.constant 0 : i32
      %dma_start3A_510 = tpu.memref_slice %arg9[%dma_start3A_508, %dma_start3A_509] : memref<160x64xf32, #tpu.memory_space<vmem>> -> memref<5x64xf32, #tpu.memory_space<vmem>>
      %dma_start3A_511 = arith.constant 0 : i32
      %dma_start3A_512 = tpu.memref_slice %arg6[%mul3A_137, %dma_start3A_511] : memref<204800x64xf32, #tpu.memory_space<hbm>> -> memref<5x64xf32, #tpu.memory_space<hbm>>
      %dma_start3A_513 = arith.constant 0 : i32
      %dma_start3A_514 = tpu.memref_slice %arg6[%mul3A_137, %dma_start3A_513] : memref<204800x64xf32, #tpu.memory_space<hbm>> -> memref<5x64xf32, #tpu.memory_space<hbm>>
      %dma_start3A_515 = arith.constant 150 : i32
      %dma_start3A_516 = arith.constant 0 : i32
      %dma_start3A_517 = tpu.memref_slice %arg9[%dma_start3A_515, %dma_start3A_516] : memref<160x64xf32, #tpu.memory_space<vmem>> -> memref<5x64xf32, #tpu.memory_space<vmem>>
      tpu.enqueue_dma source(%dma_start3A_517 : memref<5x64xf32, #tpu.memory_space<vmem>>) target(%dma_start3A_514 : memref<5x64xf32, #tpu.memory_space<hbm>>) target_semaphore(%run_scoped3A : memref<!tpu.dma_semaphore, #tpu.memory_space<semaphore_mem>>)
      %dma_wait3A_518 = arith.constant 150 : i32
      %dma_wait3A_519 = arith.constant 0 : i32
      %dma_wait3A_520 = tpu.memref_slice %arg9[%dma_wait3A_518, %dma_wait3A_519] : memref<160x64xf32, #tpu.memory_space<vmem>> -> memref<5x64xf32, #tpu.memory_space<vmem>>
      %dma_wait3A_521 = arith.constant 0 : i32
      %dma_wait3A_522 = tpu.memref_slice %arg6[%mul3A_137, %dma_wait3A_521] : memref<204800x64xf32, #tpu.memory_space<hbm>> -> memref<5x64xf32, #tpu.memory_space<hbm>>
      %dma_wait3A_523 = arith.constant 0 : i32
      %dma_wait3A_524 = tpu.memref_slice %arg6[%mul3A_137, %dma_wait3A_523] : memref<204800x64xf32, #tpu.memory_space<hbm>> -> memref<5x64xf32, #tpu.memory_space<hbm>>
      %dma_wait3A_525 = arith.constant 150 : i32
      %dma_wait3A_526 = arith.constant 0 : i32
      %dma_wait3A_527 = tpu.memref_slice %arg9[%dma_wait3A_525, %dma_wait3A_526] : memref<160x64xf32, #tpu.memory_space<vmem>> -> memref<5x64xf32, #tpu.memory_space<vmem>>
      tpu.wait_dma2 semaphore(%run_scoped3A : memref<!tpu.dma_semaphore, #tpu.memory_space<semaphore_mem>>) src(%dma_wait3A_527 : memref<5x64xf32, #tpu.memory_space<vmem>>) dst(%dma_wait3A_524 : memref<5x64xf32, #tpu.memory_space<hbm>>)
      tpu.yield
    }) : () -> ()
    %add3A_138 = arith.constant 31 : i32
    %add3A_139 = arith.addi %mul3A_2, %add3A_138 : i32
    %mul3A_140 = arith.constant 200 : i32
    %mul3A_141 = arith.muli %add3A_139, %mul3A_140 : i32
    "tpu.region"() ({
      %run_scoped3A = tpu.sem_alloc : memref<!tpu.dma_semaphore, #tpu.memory_space<semaphore_mem>>
      %dma_start3A_508 = arith.constant 155 : i32
      %dma_start3A_509 = arith.constant 0 : i32
      %dma_start3A_510 = tpu.memref_slice %arg9[%dma_start3A_508, %dma_start3A_509] : memref<160x64xf32, #tpu.memory_space<vmem>> -> memref<5x64xf32, #tpu.memory_space<vmem>>
      %dma_start3A_511 = arith.constant 0 : i32
      %dma_start3A_512 = tpu.memref_slice %arg6[%mul3A_141, %dma_start3A_511] : memref<204800x64xf32, #tpu.memory_space<hbm>> -> memref<5x64xf32, #tpu.memory_space<hbm>>
      %dma_start3A_513 = arith.constant 0 : i32
      %dma_start3A_514 = tpu.memref_slice %arg6[%mul3A_141, %dma_start3A_513] : memref<204800x64xf32, #tpu.memory_space<hbm>> -> memref<5x64xf32, #tpu.memory_space<hbm>>
      %dma_start3A_515 = arith.constant 155 : i32
      %dma_start3A_516 = arith.constant 0 : i32
      %dma_start3A_517 = tpu.memref_slice %arg9[%dma_start3A_515, %dma_start3A_516] : memref<160x64xf32, #tpu.memory_space<vmem>> -> memref<5x64xf32, #tpu.memory_space<vmem>>
      tpu.enqueue_dma source(%dma_start3A_517 : memref<5x64xf32, #tpu.memory_space<vmem>>) target(%dma_start3A_514 : memref<5x64xf32, #tpu.memory_space<hbm>>) target_semaphore(%run_scoped3A : memref<!tpu.dma_semaphore, #tpu.memory_space<semaphore_mem>>)
      %dma_wait3A_518 = arith.constant 155 : i32
      %dma_wait3A_519 = arith.constant 0 : i32
      %dma_wait3A_520 = tpu.memref_slice %arg9[%dma_wait3A_518, %dma_wait3A_519] : memref<160x64xf32, #tpu.memory_space<vmem>> -> memref<5x64xf32, #tpu.memory_space<vmem>>
      %dma_wait3A_521 = arith.constant 0 : i32
      %dma_wait3A_522 = tpu.memref_slice %arg6[%mul3A_141, %dma_wait3A_521] : memref<204800x64xf32, #tpu.memory_space<hbm>> -> memref<5x64xf32, #tpu.memory_space<hbm>>
      %dma_wait3A_523 = arith.constant 0 : i32
      %dma_wait3A_524 = tpu.memref_slice %arg6[%mul3A_141, %dma_wait3A_523] : memref<204800x64xf32, #tpu.memory_space<hbm>> -> memref<5x64xf32, #tpu.memory_space<hbm>>
      %dma_wait3A_525 = arith.constant 155 : i32
      %dma_wait3A_526 = arith.constant 0 : i32
      %dma_wait3A_527 = tpu.memref_slice %arg9[%dma_wait3A_525, %dma_wait3A_526] : memref<160x64xf32, #tpu.memory_space<vmem>> -> memref<5x64xf32, #tpu.memory_space<vmem>>
      tpu.wait_dma2 semaphore(%run_scoped3A : memref<!tpu.dma_semaphore, #tpu.memory_space<semaphore_mem>>) src(%dma_wait3A_527 : memref<5x64xf32, #tpu.memory_space<vmem>>) dst(%dma_wait3A_524 : memref<5x64xf32, #tpu.memory_space<hbm>>)
      tpu.yield
    }) : () -> ()
    %dma_start3A = arith.constant 0 : i32
    %dma_start3A_142 = arith.constant 0 : i32
    %dma_start3A_143 = tpu.memref_slice %arg7[%dma_start3A, %dma_start3A_142] : memref<8x780xi32, #tpu.memory_space<vmem>> -> memref<1x780xi32, #tpu.memory_space<vmem>>
    %dma_start3A_144 = tpu.memref_squeeze %dma_start3A_143 : memref<1x780xi32, #tpu.memory_space<vmem>> -> memref<780xi32, #tpu.memory_space<vmem>>
    %dma_start3A_145 = arith.constant 0 : i32
    %dma_start3A_146 = arith.constant 0 : i32
    %dma_start3A_147 = tpu.memref_slice %arg2[%dma_start3A_145, %dma_start3A_146] : memref<1000000x64xf32, #tpu.memory_space<hbm>> -> memref<1000000x64xf32, #tpu.memory_space<hbm>>
    tpu.enqueue_indirect_dma source(%dma_start3A_147 : memref<1000000x64xf32, #tpu.memory_space<hbm>>) target(%arg8 : memref<780x64xf32, #tpu.memory_space<vmem>>) offsets(%dma_start3A_144 : memref<780xi32, #tpu.memory_space<vmem>>) semaphore(%arg11 : memref<!tpu.dma_semaphore, #tpu.memory_space<semaphore_mem>>)
    %dma_wait3A = arith.constant 0 : i32
    %dma_wait3A_148 = arith.constant 0 : i32
    %dma_wait3A_149 = tpu.memref_slice %arg7[%dma_wait3A, %dma_wait3A_148] : memref<8x780xi32, #tpu.memory_space<vmem>> -> memref<1x780xi32, #tpu.memory_space<vmem>>
    %dma_wait3A_150 = tpu.memref_squeeze %dma_wait3A_149 : memref<1x780xi32, #tpu.memory_space<vmem>> -> memref<780xi32, #tpu.memory_space<vmem>>
    %dma_wait3A_151 = arith.constant 0 : i32
    %dma_wait3A_152 = arith.constant 0 : i32
    %dma_wait3A_153 = tpu.memref_slice %arg2[%dma_wait3A_151, %dma_wait3A_152] : memref<1000000x64xf32, #tpu.memory_space<hbm>> -> memref<1000000x64xf32, #tpu.memory_space<hbm>>
    tpu.wait_indirect_dma semaphore(%arg11 : memref<!tpu.dma_semaphore, #tpu.memory_space<semaphore_mem>>) src(%dma_wait3A_153 : memref<1000000x64xf32, #tpu.memory_space<hbm>>) dst(%arg8 : memref<780x64xf32, #tpu.memory_space<vmem>>)
    %add3A_154 = arith.constant 0 : i32
    %add3A_155 = arith.addi %mul3A_2, %add3A_154 : i32
    %add3A_156 = arith.constant 0 : i32
    %add3A_157 = arith.addi %add3A_155, %add3A_156 : i32
    %mul3A_158 = arith.constant 200 : i32
    %mul3A_159 = arith.muli %add3A_157, %mul3A_158 : i32
    %add3A_160 = arith.constant 5 : i32
    %add3A_161 = arith.addi %mul3A_159, %add3A_160 : i32
    "tpu.region"() ({
      %run_scoped3A = tpu.sem_alloc : memref<!tpu.dma_semaphore, #tpu.memory_space<semaphore_mem>>
      %dma_start3A_508 = arith.constant 0 : i32
      %dma_start3A_509 = arith.constant 0 : i32
      %dma_start3A_510 = tpu.memref_slice %arg8[%dma_start3A_508, %dma_start3A_509] : memref<780x64xf32, #tpu.memory_space<vmem>> -> memref<195x64xf32, #tpu.memory_space<vmem>>
      %dma_start3A_511 = arith.constant 0 : i32
      %dma_start3A_512 = tpu.memref_slice %arg6[%add3A_161, %dma_start3A_511] : memref<204800x64xf32, #tpu.memory_space<hbm>> -> memref<195x64xf32, #tpu.memory_space<hbm>>
      %dma_start3A_513 = arith.constant 0 : i32
      %dma_start3A_514 = tpu.memref_slice %arg6[%add3A_161, %dma_start3A_513] : memref<204800x64xf32, #tpu.memory_space<hbm>> -> memref<195x64xf32, #tpu.memory_space<hbm>>
      %dma_start3A_515 = arith.constant 0 : i32
      %dma_start3A_516 = arith.constant 0 : i32
      %dma_start3A_517 = tpu.memref_slice %arg8[%dma_start3A_515, %dma_start3A_516] : memref<780x64xf32, #tpu.memory_space<vmem>> -> memref<195x64xf32, #tpu.memory_space<vmem>>
      tpu.enqueue_dma source(%dma_start3A_517 : memref<195x64xf32, #tpu.memory_space<vmem>>) target(%dma_start3A_514 : memref<195x64xf32, #tpu.memory_space<hbm>>) target_semaphore(%run_scoped3A : memref<!tpu.dma_semaphore, #tpu.memory_space<semaphore_mem>>)
      %dma_wait3A_518 = arith.constant 0 : i32
      %dma_wait3A_519 = arith.constant 0 : i32
      %dma_wait3A_520 = tpu.memref_slice %arg8[%dma_wait3A_518, %dma_wait3A_519] : memref<780x64xf32, #tpu.memory_space<vmem>> -> memref<195x64xf32, #tpu.memory_space<vmem>>
      %dma_wait3A_521 = arith.constant 0 : i32
      %dma_wait3A_522 = tpu.memref_slice %arg6[%add3A_161, %dma_wait3A_521] : memref<204800x64xf32, #tpu.memory_space<hbm>> -> memref<195x64xf32, #tpu.memory_space<hbm>>
      %dma_wait3A_523 = arith.constant 0 : i32
      %dma_wait3A_524 = tpu.memref_slice %arg6[%add3A_161, %dma_wait3A_523] : memref<204800x64xf32, #tpu.memory_space<hbm>> -> memref<195x64xf32, #tpu.memory_space<hbm>>
      %dma_wait3A_525 = arith.constant 0 : i32
      %dma_wait3A_526 = arith.constant 0 : i32
      %dma_wait3A_527 = tpu.memref_slice %arg8[%dma_wait3A_525, %dma_wait3A_526] : memref<780x64xf32, #tpu.memory_space<vmem>> -> memref<195x64xf32, #tpu.memory_space<vmem>>
      tpu.wait_dma2 semaphore(%run_scoped3A : memref<!tpu.dma_semaphore, #tpu.memory_space<semaphore_mem>>) src(%dma_wait3A_527 : memref<195x64xf32, #tpu.memory_space<vmem>>) dst(%dma_wait3A_524 : memref<195x64xf32, #tpu.memory_space<hbm>>)
      tpu.yield
    }) : () -> ()
    %add3A_162 = arith.constant 0 : i32
    %add3A_163 = arith.addi %mul3A_2, %add3A_162 : i32
    %add3A_164 = arith.constant 1 : i32
    %add3A_165 = arith.addi %add3A_163, %add3A_164 : i32
    %mul3A_166 = arith.constant 200 : i32
    %mul3A_167 = arith.muli %add3A_165, %mul3A_166 : i32
    %add3A_168 = arith.constant 5 : i32
    %add3A_169 = arith.addi %mul3A_167, %add3A_168 : i32
    "tpu.region"() ({
      %run_scoped3A = tpu.sem_alloc : memref<!tpu.dma_semaphore, #tpu.memory_space<semaphore_mem>>
      %dma_start3A_508 = arith.constant 195 : i32
      %dma_start3A_509 = arith.constant 0 : i32
      %dma_start3A_510 = tpu.memref_slice %arg8[%dma_start3A_508, %dma_start3A_509] : memref<780x64xf32, #tpu.memory_space<vmem>> -> memref<195x64xf32, #tpu.memory_space<vmem>>
      %dma_start3A_511 = arith.constant 0 : i32
      %dma_start3A_512 = tpu.memref_slice %arg6[%add3A_169, %dma_start3A_511] : memref<204800x64xf32, #tpu.memory_space<hbm>> -> memref<195x64xf32, #tpu.memory_space<hbm>>
      %dma_start3A_513 = arith.constant 0 : i32
      %dma_start3A_514 = tpu.memref_slice %arg6[%add3A_169, %dma_start3A_513] : memref<204800x64xf32, #tpu.memory_space<hbm>> -> memref<195x64xf32, #tpu.memory_space<hbm>>
      %dma_start3A_515 = arith.constant 195 : i32
      %dma_start3A_516 = arith.constant 0 : i32
      %dma_start3A_517 = tpu.memref_slice %arg8[%dma_start3A_515, %dma_start3A_516] : memref<780x64xf32, #tpu.memory_space<vmem>> -> memref<195x64xf32, #tpu.memory_space<vmem>>
      tpu.enqueue_dma source(%dma_start3A_517 : memref<195x64xf32, #tpu.memory_space<vmem>>) target(%dma_start3A_514 : memref<195x64xf32, #tpu.memory_space<hbm>>) target_semaphore(%run_scoped3A : memref<!tpu.dma_semaphore, #tpu.memory_space<semaphore_mem>>)
      %dma_wait3A_518 = arith.constant 195 : i32
      %dma_wait3A_519 = arith.constant 0 : i32
      %dma_wait3A_520 = tpu.memref_slice %arg8[%dma_wait3A_518, %dma_wait3A_519] : memref<780x64xf32, #tpu.memory_space<vmem>> -> memref<195x64xf32, #tpu.memory_space<vmem>>
      %dma_wait3A_521 = arith.constant 0 : i32
      %dma_wait3A_522 = tpu.memref_slice %arg6[%add3A_169, %dma_wait3A_521] : memref<204800x64xf32, #tpu.memory_space<hbm>> -> memref<195x64xf32, #tpu.memory_space<hbm>>
      %dma_wait3A_523 = arith.constant 0 : i32
      %dma_wait3A_524 = tpu.memref_slice %arg6[%add3A_169, %dma_wait3A_523] : memref<204800x64xf32, #tpu.memory_space<hbm>> -> memref<195x64xf32, #tpu.memory_space<hbm>>
      %dma_wait3A_525 = arith.constant 195 : i32
      %dma_wait3A_526 = arith.constant 0 : i32
      %dma_wait3A_527 = tpu.memref_slice %arg8[%dma_wait3A_525, %dma_wait3A_526] : memref<780x64xf32, #tpu.memory_space<vmem>> -> memref<195x64xf32, #tpu.memory_space<vmem>>
      tpu.wait_dma2 semaphore(%run_scoped3A : memref<!tpu.dma_semaphore, #tpu.memory_space<semaphore_mem>>) src(%dma_wait3A_527 : memref<195x64xf32, #tpu.memory_space<vmem>>) dst(%dma_wait3A_524 : memref<195x64xf32, #tpu.memory_space<hbm>>)
      tpu.yield
    }) : () -> ()
    %add3A_170 = arith.constant 0 : i32
    %add3A_171 = arith.addi %mul3A_2, %add3A_170 : i32
    %add3A_172 = arith.constant 2 : i32
    %add3A_173 = arith.addi %add3A_171, %add3A_172 : i32
    %mul3A_174 = arith.constant 200 : i32
    %mul3A_175 = arith.muli %add3A_173, %mul3A_174 : i32
    %add3A_176 = arith.constant 5 : i32
    %add3A_177 = arith.addi %mul3A_175, %add3A_176 : i32
    "tpu.region"() ({
      %run_scoped3A = tpu.sem_alloc : memref<!tpu.dma_semaphore, #tpu.memory_space<semaphore_mem>>
      %dma_start3A_508 = arith.constant 390 : i32
      %dma_start3A_509 = arith.constant 0 : i32
      %dma_start3A_510 = tpu.memref_slice %arg8[%dma_start3A_508, %dma_start3A_509] : memref<780x64xf32, #tpu.memory_space<vmem>> -> memref<195x64xf32, #tpu.memory_space<vmem>>
      %dma_start3A_511 = arith.constant 0 : i32
      %dma_start3A_512 = tpu.memref_slice %arg6[%add3A_177, %dma_start3A_511] : memref<204800x64xf32, #tpu.memory_space<hbm>> -> memref<195x64xf32, #tpu.memory_space<hbm>>
      %dma_start3A_513 = arith.constant 0 : i32
      %dma_start3A_514 = tpu.memref_slice %arg6[%add3A_177, %dma_start3A_513] : memref<204800x64xf32, #tpu.memory_space<hbm>> -> memref<195x64xf32, #tpu.memory_space<hbm>>
      %dma_start3A_515 = arith.constant 390 : i32
      %dma_start3A_516 = arith.constant 0 : i32
      %dma_start3A_517 = tpu.memref_slice %arg8[%dma_start3A_515, %dma_start3A_516] : memref<780x64xf32, #tpu.memory_space<vmem>> -> memref<195x64xf32, #tpu.memory_space<vmem>>
      tpu.enqueue_dma source(%dma_start3A_517 : memref<195x64xf32, #tpu.memory_space<vmem>>) target(%dma_start3A_514 : memref<195x64xf32, #tpu.memory_space<hbm>>) target_semaphore(%run_scoped3A : memref<!tpu.dma_semaphore, #tpu.memory_space<semaphore_mem>>)
      %dma_wait3A_518 = arith.constant 390 : i32
      %dma_wait3A_519 = arith.constant 0 : i32
      %dma_wait3A_520 = tpu.memref_slice %arg8[%dma_wait3A_518, %dma_wait3A_519] : memref<780x64xf32, #tpu.memory_space<vmem>> -> memref<195x64xf32, #tpu.memory_space<vmem>>
      %dma_wait3A_521 = arith.constant 0 : i32
      %dma_wait3A_522 = tpu.memref_slice %arg6[%add3A_177, %dma_wait3A_521] : memref<204800x64xf32, #tpu.memory_space<hbm>> -> memref<195x64xf32, #tpu.memory_space<hbm>>
      %dma_wait3A_523 = arith.constant 0 : i32
      %dma_wait3A_524 = tpu.memref_slice %arg6[%add3A_177, %dma_wait3A_523] : memref<204800x64xf32, #tpu.memory_space<hbm>> -> memref<195x64xf32, #tpu.memory_space<hbm>>
      %dma_wait3A_525 = arith.constant 390 : i32
      %dma_wait3A_526 = arith.constant 0 : i32
      %dma_wait3A_527 = tpu.memref_slice %arg8[%dma_wait3A_525, %dma_wait3A_526] : memref<780x64xf32, #tpu.memory_space<vmem>> -> memref<195x64xf32, #tpu.memory_space<vmem>>
      tpu.wait_dma2 semaphore(%run_scoped3A : memref<!tpu.dma_semaphore, #tpu.memory_space<semaphore_mem>>) src(%dma_wait3A_527 : memref<195x64xf32, #tpu.memory_space<vmem>>) dst(%dma_wait3A_524 : memref<195x64xf32, #tpu.memory_space<hbm>>)
      tpu.yield
    }) : () -> ()
    %add3A_178 = arith.constant 0 : i32
    %add3A_179 = arith.addi %mul3A_2, %add3A_178 : i32
    %add3A_180 = arith.constant 3 : i32
    %add3A_181 = arith.addi %add3A_179, %add3A_180 : i32
    %mul3A_182 = arith.constant 200 : i32
    %mul3A_183 = arith.muli %add3A_181, %mul3A_182 : i32
    %add3A_184 = arith.constant 5 : i32
    %add3A_185 = arith.addi %mul3A_183, %add3A_184 : i32
    "tpu.region"() ({
      %run_scoped3A = tpu.sem_alloc : memref<!tpu.dma_semaphore, #tpu.memory_space<semaphore_mem>>
      %dma_start3A_508 = arith.constant 585 : i32
      %dma_start3A_509 = arith.constant 0 : i32
      %dma_start3A_510 = tpu.memref_slice %arg8[%dma_start3A_508, %dma_start3A_509] : memref<780x64xf32, #tpu.memory_space<vmem>> -> memref<195x64xf32, #tpu.memory_space<vmem>>
      %dma_start3A_511 = arith.constant 0 : i32
      %dma_start3A_512 = tpu.memref_slice %arg6[%add3A_185, %dma_start3A_511] : memref<204800x64xf32, #tpu.memory_space<hbm>> -> memref<195x64xf32, #tpu.memory_space<hbm>>
      %dma_start3A_513 = arith.constant 0 : i32
      %dma_start3A_514 = tpu.memref_slice %arg6[%add3A_185, %dma_start3A_513] : memref<204800x64xf32, #tpu.memory_space<hbm>> -> memref<195x64xf32, #tpu.memory_space<hbm>>
      %dma_start3A_515 = arith.constant 585 : i32
      %dma_start3A_516 = arith.constant 0 : i32
      %dma_start3A_517 = tpu.memref_slice %arg8[%dma_start3A_515, %dma_start3A_516] : memref<780x64xf32, #tpu.memory_space<vmem>> -> memref<195x64xf32, #tpu.memory_space<vmem>>
      tpu.enqueue_dma source(%dma_start3A_517 : memref<195x64xf32, #tpu.memory_space<vmem>>) target(%dma_start3A_514 : memref<195x64xf32, #tpu.memory_space<hbm>>) target_semaphore(%run_scoped3A : memref<!tpu.dma_semaphore, #tpu.memory_space<semaphore_mem>>)
      %dma_wait3A_518 = arith.constant 585 : i32
      %dma_wait3A_519 = arith.constant 0 : i32
      %dma_wait3A_520 = tpu.memref_slice %arg8[%dma_wait3A_518, %dma_wait3A_519] : memref<780x64xf32, #tpu.memory_space<vmem>> -> memref<195x64xf32, #tpu.memory_space<vmem>>
      %dma_wait3A_521 = arith.constant 0 : i32
      %dma_wait3A_522 = tpu.memref_slice %arg6[%add3A_185, %dma_wait3A_521] : memref<204800x64xf32, #tpu.memory_space<hbm>> -> memref<195x64xf32, #tpu.memory_space<hbm>>
      %dma_wait3A_523 = arith.constant 0 : i32
      %dma_wait3A_524 = tpu.memref_slice %arg6[%add3A_185, %dma_wait3A_523] : memref<204800x64xf32, #tpu.memory_space<hbm>> -> memref<195x64xf32, #tpu.memory_space<hbm>>
      %dma_wait3A_525 = arith.constant 585 : i32
      %dma_wait3A_526 = arith.constant 0 : i32
      %dma_wait3A_527 = tpu.memref_slice %arg8[%dma_wait3A_525, %dma_wait3A_526] : memref<780x64xf32, #tpu.memory_space<vmem>> -> memref<195x64xf32, #tpu.memory_space<vmem>>
      tpu.wait_dma2 semaphore(%run_scoped3A : memref<!tpu.dma_semaphore, #tpu.memory_space<semaphore_mem>>) src(%dma_wait3A_527 : memref<195x64xf32, #tpu.memory_space<vmem>>) dst(%dma_wait3A_524 : memref<195x64xf32, #tpu.memory_space<hbm>>)
      tpu.yield
    }) : () -> ()
    %dma_start3A_186 = arith.constant 1 : i32
    %dma_start3A_187 = arith.constant 0 : i32
    %dma_start3A_188 = tpu.memref_slice %arg7[%dma_start3A_186, %dma_start3A_187] : memref<8x780xi32, #tpu.memory_space<vmem>> -> memref<1x780xi32, #tpu.memory_space<vmem>>
    %dma_start3A_189 = tpu.memref_squeeze %dma_start3A_188 : memref<1x780xi32, #tpu.memory_space<vmem>> -> memref<780xi32, #tpu.memory_space<vmem>>
    %dma_start3A_190 = arith.constant 0 : i32
    %dma_start3A_191 = arith.constant 0 : i32
    %dma_start3A_192 = tpu.memref_slice %arg2[%dma_start3A_190, %dma_start3A_191] : memref<1000000x64xf32, #tpu.memory_space<hbm>> -> memref<1000000x64xf32, #tpu.memory_space<hbm>>
    tpu.enqueue_indirect_dma source(%dma_start3A_192 : memref<1000000x64xf32, #tpu.memory_space<hbm>>) target(%arg8 : memref<780x64xf32, #tpu.memory_space<vmem>>) offsets(%dma_start3A_189 : memref<780xi32, #tpu.memory_space<vmem>>) semaphore(%arg11 : memref<!tpu.dma_semaphore, #tpu.memory_space<semaphore_mem>>)
    %dma_wait3A_193 = arith.constant 1 : i32
    %dma_wait3A_194 = arith.constant 0 : i32
    %dma_wait3A_195 = tpu.memref_slice %arg7[%dma_wait3A_193, %dma_wait3A_194] : memref<8x780xi32, #tpu.memory_space<vmem>> -> memref<1x780xi32, #tpu.memory_space<vmem>>
    %dma_wait3A_196 = tpu.memref_squeeze %dma_wait3A_195 : memref<1x780xi32, #tpu.memory_space<vmem>> -> memref<780xi32, #tpu.memory_space<vmem>>
    %dma_wait3A_197 = arith.constant 0 : i32
    %dma_wait3A_198 = arith.constant 0 : i32
    %dma_wait3A_199 = tpu.memref_slice %arg2[%dma_wait3A_197, %dma_wait3A_198] : memref<1000000x64xf32, #tpu.memory_space<hbm>> -> memref<1000000x64xf32, #tpu.memory_space<hbm>>
    tpu.wait_indirect_dma semaphore(%arg11 : memref<!tpu.dma_semaphore, #tpu.memory_space<semaphore_mem>>) src(%dma_wait3A_199 : memref<1000000x64xf32, #tpu.memory_space<hbm>>) dst(%arg8 : memref<780x64xf32, #tpu.memory_space<vmem>>)
    %add3A_200 = arith.constant 4 : i32
    %add3A_201 = arith.addi %mul3A_2, %add3A_200 : i32
    %add3A_202 = arith.constant 0 : i32
    %add3A_203 = arith.addi %add3A_201, %add3A_202 : i32
    %mul3A_204 = arith.constant 200 : i32
    %mul3A_205 = arith.muli %add3A_203, %mul3A_204 : i32
    %add3A_206 = arith.constant 5 : i32
    %add3A_207 = arith.addi %mul3A_205, %add3A_206 : i32
    "tpu.region"() ({
      %run_scoped3A = tpu.sem_alloc : memref<!tpu.dma_semaphore, #tpu.memory_space<semaphore_mem>>
      %dma_start3A_508 = arith.constant 0 : i32
      %dma_start3A_509 = arith.constant 0 : i32
      %dma_start3A_510 = tpu.memref_slice %arg8[%dma_start3A_508, %dma_start3A_509] : memref<780x64xf32, #tpu.memory_space<vmem>> -> memref<195x64xf32, #tpu.memory_space<vmem>>
      %dma_start3A_511 = arith.constant 0 : i32
      %dma_start3A_512 = tpu.memref_slice %arg6[%add3A_207, %dma_start3A_511] : memref<204800x64xf32, #tpu.memory_space<hbm>> -> memref<195x64xf32, #tpu.memory_space<hbm>>
      %dma_start3A_513 = arith.constant 0 : i32
      %dma_start3A_514 = tpu.memref_slice %arg6[%add3A_207, %dma_start3A_513] : memref<204800x64xf32, #tpu.memory_space<hbm>> -> memref<195x64xf32, #tpu.memory_space<hbm>>
      %dma_start3A_515 = arith.constant 0 : i32
      %dma_start3A_516 = arith.constant 0 : i32
      %dma_start3A_517 = tpu.memref_slice %arg8[%dma_start3A_515, %dma_start3A_516] : memref<780x64xf32, #tpu.memory_space<vmem>> -> memref<195x64xf32, #tpu.memory_space<vmem>>
      tpu.enqueue_dma source(%dma_start3A_517 : memref<195x64xf32, #tpu.memory_space<vmem>>) target(%dma_start3A_514 : memref<195x64xf32, #tpu.memory_space<hbm>>) target_semaphore(%run_scoped3A : memref<!tpu.dma_semaphore, #tpu.memory_space<semaphore_mem>>)
      %dma_wait3A_518 = arith.constant 0 : i32
      %dma_wait3A_519 = arith.constant 0 : i32
      %dma_wait3A_520 = tpu.memref_slice %arg8[%dma_wait3A_518, %dma_wait3A_519] : memref<780x64xf32, #tpu.memory_space<vmem>> -> memref<195x64xf32, #tpu.memory_space<vmem>>
      %dma_wait3A_521 = arith.constant 0 : i32
      %dma_wait3A_522 = tpu.memref_slice %arg6[%add3A_207, %dma_wait3A_521] : memref<204800x64xf32, #tpu.memory_space<hbm>> -> memref<195x64xf32, #tpu.memory_space<hbm>>
      %dma_wait3A_523 = arith.constant 0 : i32
      %dma_wait3A_524 = tpu.memref_slice %arg6[%add3A_207, %dma_wait3A_523] : memref<204800x64xf32, #tpu.memory_space<hbm>> -> memref<195x64xf32, #tpu.memory_space<hbm>>
      %dma_wait3A_525 = arith.constant 0 : i32
      %dma_wait3A_526 = arith.constant 0 : i32
      %dma_wait3A_527 = tpu.memref_slice %arg8[%dma_wait3A_525, %dma_wait3A_526] : memref<780x64xf32, #tpu.memory_space<vmem>> -> memref<195x64xf32, #tpu.memory_space<vmem>>
      tpu.wait_dma2 semaphore(%run_scoped3A : memref<!tpu.dma_semaphore, #tpu.memory_space<semaphore_mem>>) src(%dma_wait3A_527 : memref<195x64xf32, #tpu.memory_space<vmem>>) dst(%dma_wait3A_524 : memref<195x64xf32, #tpu.memory_space<hbm>>)
      tpu.yield
    }) : () -> ()
    %add3A_208 = arith.constant 4 : i32
    %add3A_209 = arith.addi %mul3A_2, %add3A_208 : i32
    %add3A_210 = arith.constant 1 : i32
    %add3A_211 = arith.addi %add3A_209, %add3A_210 : i32
    %mul3A_212 = arith.constant 200 : i32
    %mul3A_213 = arith.muli %add3A_211, %mul3A_212 : i32
    %add3A_214 = arith.constant 5 : i32
    %add3A_215 = arith.addi %mul3A_213, %add3A_214 : i32
    "tpu.region"() ({
      %run_scoped3A = tpu.sem_alloc : memref<!tpu.dma_semaphore, #tpu.memory_space<semaphore_mem>>
      %dma_start3A_508 = arith.constant 195 : i32
      %dma_start3A_509 = arith.constant 0 : i32
      %dma_start3A_510 = tpu.memref_slice %arg8[%dma_start3A_508, %dma_start3A_509] : memref<780x64xf32, #tpu.memory_space<vmem>> -> memref<195x64xf32, #tpu.memory_space<vmem>>
      %dma_start3A_511 = arith.constant 0 : i32
      %dma_start3A_512 = tpu.memref_slice %arg6[%add3A_215, %dma_start3A_511] : memref<204800x64xf32, #tpu.memory_space<hbm>> -> memref<195x64xf32, #tpu.memory_space<hbm>>
      %dma_start3A_513 = arith.constant 0 : i32
      %dma_start3A_514 = tpu.memref_slice %arg6[%add3A_215, %dma_start3A_513] : memref<204800x64xf32, #tpu.memory_space<hbm>> -> memref<195x64xf32, #tpu.memory_space<hbm>>
      %dma_start3A_515 = arith.constant 195 : i32
      %dma_start3A_516 = arith.constant 0 : i32
      %dma_start3A_517 = tpu.memref_slice %arg8[%dma_start3A_515, %dma_start3A_516] : memref<780x64xf32, #tpu.memory_space<vmem>> -> memref<195x64xf32, #tpu.memory_space<vmem>>
      tpu.enqueue_dma source(%dma_start3A_517 : memref<195x64xf32, #tpu.memory_space<vmem>>) target(%dma_start3A_514 : memref<195x64xf32, #tpu.memory_space<hbm>>) target_semaphore(%run_scoped3A : memref<!tpu.dma_semaphore, #tpu.memory_space<semaphore_mem>>)
      %dma_wait3A_518 = arith.constant 195 : i32
      %dma_wait3A_519 = arith.constant 0 : i32
      %dma_wait3A_520 = tpu.memref_slice %arg8[%dma_wait3A_518, %dma_wait3A_519] : memref<780x64xf32, #tpu.memory_space<vmem>> -> memref<195x64xf32, #tpu.memory_space<vmem>>
      %dma_wait3A_521 = arith.constant 0 : i32
      %dma_wait3A_522 = tpu.memref_slice %arg6[%add3A_215, %dma_wait3A_521] : memref<204800x64xf32, #tpu.memory_space<hbm>> -> memref<195x64xf32, #tpu.memory_space<hbm>>
      %dma_wait3A_523 = arith.constant 0 : i32
      %dma_wait3A_524 = tpu.memref_slice %arg6[%add3A_215, %dma_wait3A_523] : memref<204800x64xf32, #tpu.memory_space<hbm>> -> memref<195x64xf32, #tpu.memory_space<hbm>>
      %dma_wait3A_525 = arith.constant 195 : i32
      %dma_wait3A_526 = arith.constant 0 : i32
      %dma_wait3A_527 = tpu.memref_slice %arg8[%dma_wait3A_525, %dma_wait3A_526] : memref<780x64xf32, #tpu.memory_space<vmem>> -> memref<195x64xf32, #tpu.memory_space<vmem>>
      tpu.wait_dma2 semaphore(%run_scoped3A : memref<!tpu.dma_semaphore, #tpu.memory_space<semaphore_mem>>) src(%dma_wait3A_527 : memref<195x64xf32, #tpu.memory_space<vmem>>) dst(%dma_wait3A_524 : memref<195x64xf32, #tpu.memory_space<hbm>>)
      tpu.yield
    }) : () -> ()
    %add3A_216 = arith.constant 4 : i32
    %add3A_217 = arith.addi %mul3A_2, %add3A_216 : i32
    %add3A_218 = arith.constant 2 : i32
    %add3A_219 = arith.addi %add3A_217, %add3A_218 : i32
    %mul3A_220 = arith.constant 200 : i32
    %mul3A_221 = arith.muli %add3A_219, %mul3A_220 : i32
    %add3A_222 = arith.constant 5 : i32
    %add3A_223 = arith.addi %mul3A_221, %add3A_222 : i32
    "tpu.region"() ({
      %run_scoped3A = tpu.sem_alloc : memref<!tpu.dma_semaphore, #tpu.memory_space<semaphore_mem>>
      %dma_start3A_508 = arith.constant 390 : i32
      %dma_start3A_509 = arith.constant 0 : i32
      %dma_start3A_510 = tpu.memref_slice %arg8[%dma_start3A_508, %dma_start3A_509] : memref<780x64xf32, #tpu.memory_space<vmem>> -> memref<195x64xf32, #tpu.memory_space<vmem>>
      %dma_start3A_511 = arith.constant 0 : i32
      %dma_start3A_512 = tpu.memref_slice %arg6[%add3A_223, %dma_start3A_511] : memref<204800x64xf32, #tpu.memory_space<hbm>> -> memref<195x64xf32, #tpu.memory_space<hbm>>
      %dma_start3A_513 = arith.constant 0 : i32
      %dma_start3A_514 = tpu.memref_slice %arg6[%add3A_223, %dma_start3A_513] : memref<204800x64xf32, #tpu.memory_space<hbm>> -> memref<195x64xf32, #tpu.memory_space<hbm>>
      %dma_start3A_515 = arith.constant 390 : i32
      %dma_start3A_516 = arith.constant 0 : i32
      %dma_start3A_517 = tpu.memref_slice %arg8[%dma_start3A_515, %dma_start3A_516] : memref<780x64xf32, #tpu.memory_space<vmem>> -> memref<195x64xf32, #tpu.memory_space<vmem>>
      tpu.enqueue_dma source(%dma_start3A_517 : memref<195x64xf32, #tpu.memory_space<vmem>>) target(%dma_start3A_514 : memref<195x64xf32, #tpu.memory_space<hbm>>) target_semaphore(%run_scoped3A : memref<!tpu.dma_semaphore, #tpu.memory_space<semaphore_mem>>)
      %dma_wait3A_518 = arith.constant 390 : i32
      %dma_wait3A_519 = arith.constant 0 : i32
      %dma_wait3A_520 = tpu.memref_slice %arg8[%dma_wait3A_518, %dma_wait3A_519] : memref<780x64xf32, #tpu.memory_space<vmem>> -> memref<195x64xf32, #tpu.memory_space<vmem>>
      %dma_wait3A_521 = arith.constant 0 : i32
      %dma_wait3A_522 = tpu.memref_slice %arg6[%add3A_223, %dma_wait3A_521] : memref<204800x64xf32, #tpu.memory_space<hbm>> -> memref<195x64xf32, #tpu.memory_space<hbm>>
      %dma_wait3A_523 = arith.constant 0 : i32
      %dma_wait3A_524 = tpu.memref_slice %arg6[%add3A_223, %dma_wait3A_523] : memref<204800x64xf32, #tpu.memory_space<hbm>> -> memref<195x64xf32, #tpu.memory_space<hbm>>
      %dma_wait3A_525 = arith.constant 390 : i32
      %dma_wait3A_526 = arith.constant 0 : i32
      %dma_wait3A_527 = tpu.memref_slice %arg8[%dma_wait3A_525, %dma_wait3A_526] : memref<780x64xf32, #tpu.memory_space<vmem>> -> memref<195x64xf32, #tpu.memory_space<vmem>>
      tpu.wait_dma2 semaphore(%run_scoped3A : memref<!tpu.dma_semaphore, #tpu.memory_space<semaphore_mem>>) src(%dma_wait3A_527 : memref<195x64xf32, #tpu.memory_space<vmem>>) dst(%dma_wait3A_524 : memref<195x64xf32, #tpu.memory_space<hbm>>)
      tpu.yield
    }) : () -> ()
    %add3A_224 = arith.constant 4 : i32
    %add3A_225 = arith.addi %mul3A_2, %add3A_224 : i32
    %add3A_226 = arith.constant 3 : i32
    %add3A_227 = arith.addi %add3A_225, %add3A_226 : i32
    %mul3A_228 = arith.constant 200 : i32
    %mul3A_229 = arith.muli %add3A_227, %mul3A_228 : i32
    %add3A_230 = arith.constant 5 : i32
    %add3A_231 = arith.addi %mul3A_229, %add3A_230 : i32
    "tpu.region"() ({
      %run_scoped3A = tpu.sem_alloc : memref<!tpu.dma_semaphore, #tpu.memory_space<semaphore_mem>>
      %dma_start3A_508 = arith.constant 585 : i32
      %dma_start3A_509 = arith.constant 0 : i32
      %dma_start3A_510 = tpu.memref_slice %arg8[%dma_start3A_508, %dma_start3A_509] : memref<780x64xf32, #tpu.memory_space<vmem>> -> memref<195x64xf32, #tpu.memory_space<vmem>>
      %dma_start3A_511 = arith.constant 0 : i32
      %dma_start3A_512 = tpu.memref_slice %arg6[%add3A_231, %dma_start3A_511] : memref<204800x64xf32, #tpu.memory_space<hbm>> -> memref<195x64xf32, #tpu.memory_space<hbm>>
      %dma_start3A_513 = arith.constant 0 : i32
      %dma_start3A_514 = tpu.memref_slice %arg6[%add3A_231, %dma_start3A_513] : memref<204800x64xf32, #tpu.memory_space<hbm>> -> memref<195x64xf32, #tpu.memory_space<hbm>>
      %dma_start3A_515 = arith.constant 585 : i32
      %dma_start3A_516 = arith.constant 0 : i32
      %dma_start3A_517 = tpu.memref_slice %arg8[%dma_start3A_515, %dma_start3A_516] : memref<780x64xf32, #tpu.memory_space<vmem>> -> memref<195x64xf32, #tpu.memory_space<vmem>>
      tpu.enqueue_dma source(%dma_start3A_517 : memref<195x64xf32, #tpu.memory_space<vmem>>) target(%dma_start3A_514 : memref<195x64xf32, #tpu.memory_space<hbm>>) target_semaphore(%run_scoped3A : memref<!tpu.dma_semaphore, #tpu.memory_space<semaphore_mem>>)
      %dma_wait3A_518 = arith.constant 585 : i32
      %dma_wait3A_519 = arith.constant 0 : i32
      %dma_wait3A_520 = tpu.memref_slice %arg8[%dma_wait3A_518, %dma_wait3A_519] : memref<780x64xf32, #tpu.memory_space<vmem>> -> memref<195x64xf32, #tpu.memory_space<vmem>>
      %dma_wait3A_521 = arith.constant 0 : i32
      %dma_wait3A_522 = tpu.memref_slice %arg6[%add3A_231, %dma_wait3A_521] : memref<204800x64xf32, #tpu.memory_space<hbm>> -> memref<195x64xf32, #tpu.memory_space<hbm>>
      %dma_wait3A_523 = arith.constant 0 : i32
      %dma_wait3A_524 = tpu.memref_slice %arg6[%add3A_231, %dma_wait3A_523] : memref<204800x64xf32, #tpu.memory_space<hbm>> -> memref<195x64xf32, #tpu.memory_space<hbm>>
      %dma_wait3A_525 = arith.constant 585 : i32
      %dma_wait3A_526 = arith.constant 0 : i32
      %dma_wait3A_527 = tpu.memref_slice %arg8[%dma_wait3A_525, %dma_wait3A_526] : memref<780x64xf32, #tpu.memory_space<vmem>> -> memref<195x64xf32, #tpu.memory_space<vmem>>
      tpu.wait_dma2 semaphore(%run_scoped3A : memref<!tpu.dma_semaphore, #tpu.memory_space<semaphore_mem>>) src(%dma_wait3A_527 : memref<195x64xf32, #tpu.memory_space<vmem>>) dst(%dma_wait3A_524 : memref<195x64xf32, #tpu.memory_space<hbm>>)
      tpu.yield
    }) : () -> ()
    %dma_start3A_232 = arith.constant 2 : i32
    %dma_start3A_233 = arith.constant 0 : i32
    %dma_start3A_234 = tpu.memref_slice %arg7[%dma_start3A_232, %dma_start3A_233] : memref<8x780xi32, #tpu.memory_space<vmem>> -> memref<1x780xi32, #tpu.memory_space<vmem>>
    %dma_start3A_235 = tpu.memref_squeeze %dma_start3A_234 : memref<1x780xi32, #tpu.memory_space<vmem>> -> memref<780xi32, #tpu.memory_space<vmem>>
    %dma_start3A_236 = arith.constant 0 : i32
    %dma_start3A_237 = arith.constant 0 : i32
    %dma_start3A_238 = tpu.memref_slice %arg2[%dma_start3A_236, %dma_start3A_237] : memref<1000000x64xf32, #tpu.memory_space<hbm>> -> memref<1000000x64xf32, #tpu.memory_space<hbm>>
    tpu.enqueue_indirect_dma source(%dma_start3A_238 : memref<1000000x64xf32, #tpu.memory_space<hbm>>) target(%arg8 : memref<780x64xf32, #tpu.memory_space<vmem>>) offsets(%dma_start3A_235 : memref<780xi32, #tpu.memory_space<vmem>>) semaphore(%arg11 : memref<!tpu.dma_semaphore, #tpu.memory_space<semaphore_mem>>)
    %dma_wait3A_239 = arith.constant 2 : i32
    %dma_wait3A_240 = arith.constant 0 : i32
    %dma_wait3A_241 = tpu.memref_slice %arg7[%dma_wait3A_239, %dma_wait3A_240] : memref<8x780xi32, #tpu.memory_space<vmem>> -> memref<1x780xi32, #tpu.memory_space<vmem>>
    %dma_wait3A_242 = tpu.memref_squeeze %dma_wait3A_241 : memref<1x780xi32, #tpu.memory_space<vmem>> -> memref<780xi32, #tpu.memory_space<vmem>>
    %dma_wait3A_243 = arith.constant 0 : i32
    %dma_wait3A_244 = arith.constant 0 : i32
    %dma_wait3A_245 = tpu.memref_slice %arg2[%dma_wait3A_243, %dma_wait3A_244] : memref<1000000x64xf32, #tpu.memory_space<hbm>> -> memref<1000000x64xf32, #tpu.memory_space<hbm>>
    tpu.wait_indirect_dma semaphore(%arg11 : memref<!tpu.dma_semaphore, #tpu.memory_space<semaphore_mem>>) src(%dma_wait3A_245 : memref<1000000x64xf32, #tpu.memory_space<hbm>>) dst(%arg8 : memref<780x64xf32, #tpu.memory_space<vmem>>)
    %add3A_246 = arith.constant 8 : i32
    %add3A_247 = arith.addi %mul3A_2, %add3A_246 : i32
    %add3A_248 = arith.constant 0 : i32
    %add3A_249 = arith.addi %add3A_247, %add3A_248 : i32
    %mul3A_250 = arith.constant 200 : i32
    %mul3A_251 = arith.muli %add3A_249, %mul3A_250 : i32
    %add3A_252 = arith.constant 5 : i32
    %add3A_253 = arith.addi %mul3A_251, %add3A_252 : i32
    "tpu.region"() ({
      %run_scoped3A = tpu.sem_alloc : memref<!tpu.dma_semaphore, #tpu.memory_space<semaphore_mem>>
      %dma_start3A_508 = arith.constant 0 : i32
      %dma_start3A_509 = arith.constant 0 : i32
      %dma_start3A_510 = tpu.memref_slice %arg8[%dma_start3A_508, %dma_start3A_509] : memref<780x64xf32, #tpu.memory_space<vmem>> -> memref<195x64xf32, #tpu.memory_space<vmem>>
      %dma_start3A_511 = arith.constant 0 : i32
      %dma_start3A_512 = tpu.memref_slice %arg6[%add3A_253, %dma_start3A_511] : memref<204800x64xf32, #tpu.memory_space<hbm>> -> memref<195x64xf32, #tpu.memory_space<hbm>>
      %dma_start3A_513 = arith.constant 0 : i32
      %dma_start3A_514 = tpu.memref_slice %arg6[%add3A_253, %dma_start3A_513] : memref<204800x64xf32, #tpu.memory_space<hbm>> -> memref<195x64xf32, #tpu.memory_space<hbm>>
      %dma_start3A_515 = arith.constant 0 : i32
      %dma_start3A_516 = arith.constant 0 : i32
      %dma_start3A_517 = tpu.memref_slice %arg8[%dma_start3A_515, %dma_start3A_516] : memref<780x64xf32, #tpu.memory_space<vmem>> -> memref<195x64xf32, #tpu.memory_space<vmem>>
      tpu.enqueue_dma source(%dma_start3A_517 : memref<195x64xf32, #tpu.memory_space<vmem>>) target(%dma_start3A_514 : memref<195x64xf32, #tpu.memory_space<hbm>>) target_semaphore(%run_scoped3A : memref<!tpu.dma_semaphore, #tpu.memory_space<semaphore_mem>>)
      %dma_wait3A_518 = arith.constant 0 : i32
      %dma_wait3A_519 = arith.constant 0 : i32
      %dma_wait3A_520 = tpu.memref_slice %arg8[%dma_wait3A_518, %dma_wait3A_519] : memref<780x64xf32, #tpu.memory_space<vmem>> -> memref<195x64xf32, #tpu.memory_space<vmem>>
      %dma_wait3A_521 = arith.constant 0 : i32
      %dma_wait3A_522 = tpu.memref_slice %arg6[%add3A_253, %dma_wait3A_521] : memref<204800x64xf32, #tpu.memory_space<hbm>> -> memref<195x64xf32, #tpu.memory_space<hbm>>
      %dma_wait3A_523 = arith.constant 0 : i32
      %dma_wait3A_524 = tpu.memref_slice %arg6[%add3A_253, %dma_wait3A_523] : memref<204800x64xf32, #tpu.memory_space<hbm>> -> memref<195x64xf32, #tpu.memory_space<hbm>>
      %dma_wait3A_525 = arith.constant 0 : i32
      %dma_wait3A_526 = arith.constant 0 : i32
      %dma_wait3A_527 = tpu.memref_slice %arg8[%dma_wait3A_525, %dma_wait3A_526] : memref<780x64xf32, #tpu.memory_space<vmem>> -> memref<195x64xf32, #tpu.memory_space<vmem>>
      tpu.wait_dma2 semaphore(%run_scoped3A : memref<!tpu.dma_semaphore, #tpu.memory_space<semaphore_mem>>) src(%dma_wait3A_527 : memref<195x64xf32, #tpu.memory_space<vmem>>) dst(%dma_wait3A_524 : memref<195x64xf32, #tpu.memory_space<hbm>>)
      tpu.yield
    }) : () -> ()
    %add3A_254 = arith.constant 8 : i32
    %add3A_255 = arith.addi %mul3A_2, %add3A_254 : i32
    %add3A_256 = arith.constant 1 : i32
    %add3A_257 = arith.addi %add3A_255, %add3A_256 : i32
    %mul3A_258 = arith.constant 200 : i32
    %mul3A_259 = arith.muli %add3A_257, %mul3A_258 : i32
    %add3A_260 = arith.constant 5 : i32
    %add3A_261 = arith.addi %mul3A_259, %add3A_260 : i32
    "tpu.region"() ({
      %run_scoped3A = tpu.sem_alloc : memref<!tpu.dma_semaphore, #tpu.memory_space<semaphore_mem>>
      %dma_start3A_508 = arith.constant 195 : i32
      %dma_start3A_509 = arith.constant 0 : i32
      %dma_start3A_510 = tpu.memref_slice %arg8[%dma_start3A_508, %dma_start3A_509] : memref<780x64xf32, #tpu.memory_space<vmem>> -> memref<195x64xf32, #tpu.memory_space<vmem>>
      %dma_start3A_511 = arith.constant 0 : i32
      %dma_start3A_512 = tpu.memref_slice %arg6[%add3A_261, %dma_start3A_511] : memref<204800x64xf32, #tpu.memory_space<hbm>> -> memref<195x64xf32, #tpu.memory_space<hbm>>
      %dma_start3A_513 = arith.constant 0 : i32
      %dma_start3A_514 = tpu.memref_slice %arg6[%add3A_261, %dma_start3A_513] : memref<204800x64xf32, #tpu.memory_space<hbm>> -> memref<195x64xf32, #tpu.memory_space<hbm>>
      %dma_start3A_515 = arith.constant 195 : i32
      %dma_start3A_516 = arith.constant 0 : i32
      %dma_start3A_517 = tpu.memref_slice %arg8[%dma_start3A_515, %dma_start3A_516] : memref<780x64xf32, #tpu.memory_space<vmem>> -> memref<195x64xf32, #tpu.memory_space<vmem>>
      tpu.enqueue_dma source(%dma_start3A_517 : memref<195x64xf32, #tpu.memory_space<vmem>>) target(%dma_start3A_514 : memref<195x64xf32, #tpu.memory_space<hbm>>) target_semaphore(%run_scoped3A : memref<!tpu.dma_semaphore, #tpu.memory_space<semaphore_mem>>)
      %dma_wait3A_518 = arith.constant 195 : i32
      %dma_wait3A_519 = arith.constant 0 : i32
      %dma_wait3A_520 = tpu.memref_slice %arg8[%dma_wait3A_518, %dma_wait3A_519] : memref<780x64xf32, #tpu.memory_space<vmem>> -> memref<195x64xf32, #tpu.memory_space<vmem>>
      %dma_wait3A_521 = arith.constant 0 : i32
      %dma_wait3A_522 = tpu.memref_slice %arg6[%add3A_261, %dma_wait3A_521] : memref<204800x64xf32, #tpu.memory_space<hbm>> -> memref<195x64xf32, #tpu.memory_space<hbm>>
      %dma_wait3A_523 = arith.constant 0 : i32
      %dma_wait3A_524 = tpu.memref_slice %arg6[%add3A_261, %dma_wait3A_523] : memref<204800x64xf32, #tpu.memory_space<hbm>> -> memref<195x64xf32, #tpu.memory_space<hbm>>
      %dma_wait3A_525 = arith.constant 195 : i32
      %dma_wait3A_526 = arith.constant 0 : i32
      %dma_wait3A_527 = tpu.memref_slice %arg8[%dma_wait3A_525, %dma_wait3A_526] : memref<780x64xf32, #tpu.memory_space<vmem>> -> memref<195x64xf32, #tpu.memory_space<vmem>>
      tpu.wait_dma2 semaphore(%run_scoped3A : memref<!tpu.dma_semaphore, #tpu.memory_space<semaphore_mem>>) src(%dma_wait3A_527 : memref<195x64xf32, #tpu.memory_space<vmem>>) dst(%dma_wait3A_524 : memref<195x64xf32, #tpu.memory_space<hbm>>)
      tpu.yield
    }) : () -> ()
    %add3A_262 = arith.constant 8 : i32
    %add3A_263 = arith.addi %mul3A_2, %add3A_262 : i32
    %add3A_264 = arith.constant 2 : i32
    %add3A_265 = arith.addi %add3A_263, %add3A_264 : i32
    %mul3A_266 = arith.constant 200 : i32
    %mul3A_267 = arith.muli %add3A_265, %mul3A_266 : i32
    %add3A_268 = arith.constant 5 : i32
    %add3A_269 = arith.addi %mul3A_267, %add3A_268 : i32
    "tpu.region"() ({
      %run_scoped3A = tpu.sem_alloc : memref<!tpu.dma_semaphore, #tpu.memory_space<semaphore_mem>>
      %dma_start3A_508 = arith.constant 390 : i32
      %dma_start3A_509 = arith.constant 0 : i32
      %dma_start3A_510 = tpu.memref_slice %arg8[%dma_start3A_508, %dma_start3A_509] : memref<780x64xf32, #tpu.memory_space<vmem>> -> memref<195x64xf32, #tpu.memory_space<vmem>>
      %dma_start3A_511 = arith.constant 0 : i32
      %dma_start3A_512 = tpu.memref_slice %arg6[%add3A_269, %dma_start3A_511] : memref<204800x64xf32, #tpu.memory_space<hbm>> -> memref<195x64xf32, #tpu.memory_space<hbm>>
      %dma_start3A_513 = arith.constant 0 : i32
      %dma_start3A_514 = tpu.memref_slice %arg6[%add3A_269, %dma_start3A_513] : memref<204800x64xf32, #tpu.memory_space<hbm>> -> memref<195x64xf32, #tpu.memory_space<hbm>>
      %dma_start3A_515 = arith.constant 390 : i32
      %dma_start3A_516 = arith.constant 0 : i32
      %dma_start3A_517 = tpu.memref_slice %arg8[%dma_start3A_515, %dma_start3A_516] : memref<780x64xf32, #tpu.memory_space<vmem>> -> memref<195x64xf32, #tpu.memory_space<vmem>>
      tpu.enqueue_dma source(%dma_start3A_517 : memref<195x64xf32, #tpu.memory_space<vmem>>) target(%dma_start3A_514 : memref<195x64xf32, #tpu.memory_space<hbm>>) target_semaphore(%run_scoped3A : memref<!tpu.dma_semaphore, #tpu.memory_space<semaphore_mem>>)
      %dma_wait3A_518 = arith.constant 390 : i32
      %dma_wait3A_519 = arith.constant 0 : i32
      %dma_wait3A_520 = tpu.memref_slice %arg8[%dma_wait3A_518, %dma_wait3A_519] : memref<780x64xf32, #tpu.memory_space<vmem>> -> memref<195x64xf32, #tpu.memory_space<vmem>>
      %dma_wait3A_521 = arith.constant 0 : i32
      %dma_wait3A_522 = tpu.memref_slice %arg6[%add3A_269, %dma_wait3A_521] : memref<204800x64xf32, #tpu.memory_space<hbm>> -> memref<195x64xf32, #tpu.memory_space<hbm>>
      %dma_wait3A_523 = arith.constant 0 : i32
      %dma_wait3A_524 = tpu.memref_slice %arg6[%add3A_269, %dma_wait3A_523] : memref<204800x64xf32, #tpu.memory_space<hbm>> -> memref<195x64xf32, #tpu.memory_space<hbm>>
      %dma_wait3A_525 = arith.constant 390 : i32
      %dma_wait3A_526 = arith.constant 0 : i32
      %dma_wait3A_527 = tpu.memref_slice %arg8[%dma_wait3A_525, %dma_wait3A_526] : memref<780x64xf32, #tpu.memory_space<vmem>> -> memref<195x64xf32, #tpu.memory_space<vmem>>
      tpu.wait_dma2 semaphore(%run_scoped3A : memref<!tpu.dma_semaphore, #tpu.memory_space<semaphore_mem>>) src(%dma_wait3A_527 : memref<195x64xf32, #tpu.memory_space<vmem>>) dst(%dma_wait3A_524 : memref<195x64xf32, #tpu.memory_space<hbm>>)
      tpu.yield
    }) : () -> ()
    %add3A_270 = arith.constant 8 : i32
    %add3A_271 = arith.addi %mul3A_2, %add3A_270 : i32
    %add3A_272 = arith.constant 3 : i32
    %add3A_273 = arith.addi %add3A_271, %add3A_272 : i32
    %mul3A_274 = arith.constant 200 : i32
    %mul3A_275 = arith.muli %add3A_273, %mul3A_274 : i32
    %add3A_276 = arith.constant 5 : i32
    %add3A_277 = arith.addi %mul3A_275, %add3A_276 : i32
    "tpu.region"() ({
      %run_scoped3A = tpu.sem_alloc : memref<!tpu.dma_semaphore, #tpu.memory_space<semaphore_mem>>
      %dma_start3A_508 = arith.constant 585 : i32
      %dma_start3A_509 = arith.constant 0 : i32
      %dma_start3A_510 = tpu.memref_slice %arg8[%dma_start3A_508, %dma_start3A_509] : memref<780x64xf32, #tpu.memory_space<vmem>> -> memref<195x64xf32, #tpu.memory_space<vmem>>
      %dma_start3A_511 = arith.constant 0 : i32
      %dma_start3A_512 = tpu.memref_slice %arg6[%add3A_277, %dma_start3A_511] : memref<204800x64xf32, #tpu.memory_space<hbm>> -> memref<195x64xf32, #tpu.memory_space<hbm>>
      %dma_start3A_513 = arith.constant 0 : i32
      %dma_start3A_514 = tpu.memref_slice %arg6[%add3A_277, %dma_start3A_513] : memref<204800x64xf32, #tpu.memory_space<hbm>> -> memref<195x64xf32, #tpu.memory_space<hbm>>
      %dma_start3A_515 = arith.constant 585 : i32
      %dma_start3A_516 = arith.constant 0 : i32
      %dma_start3A_517 = tpu.memref_slice %arg8[%dma_start3A_515, %dma_start3A_516] : memref<780x64xf32, #tpu.memory_space<vmem>> -> memref<195x64xf32, #tpu.memory_space<vmem>>
      tpu.enqueue_dma source(%dma_start3A_517 : memref<195x64xf32, #tpu.memory_space<vmem>>) target(%dma_start3A_514 : memref<195x64xf32, #tpu.memory_space<hbm>>) target_semaphore(%run_scoped3A : memref<!tpu.dma_semaphore, #tpu.memory_space<semaphore_mem>>)
      %dma_wait3A_518 = arith.constant 585 : i32
      %dma_wait3A_519 = arith.constant 0 : i32
      %dma_wait3A_520 = tpu.memref_slice %arg8[%dma_wait3A_518, %dma_wait3A_519] : memref<780x64xf32, #tpu.memory_space<vmem>> -> memref<195x64xf32, #tpu.memory_space<vmem>>
      %dma_wait3A_521 = arith.constant 0 : i32
      %dma_wait3A_522 = tpu.memref_slice %arg6[%add3A_277, %dma_wait3A_521] : memref<204800x64xf32, #tpu.memory_space<hbm>> -> memref<195x64xf32, #tpu.memory_space<hbm>>
      %dma_wait3A_523 = arith.constant 0 : i32
      %dma_wait3A_524 = tpu.memref_slice %arg6[%add3A_277, %dma_wait3A_523] : memref<204800x64xf32, #tpu.memory_space<hbm>> -> memref<195x64xf32, #tpu.memory_space<hbm>>
      %dma_wait3A_525 = arith.constant 585 : i32
      %dma_wait3A_526 = arith.constant 0 : i32
      %dma_wait3A_527 = tpu.memref_slice %arg8[%dma_wait3A_525, %dma_wait3A_526] : memref<780x64xf32, #tpu.memory_space<vmem>> -> memref<195x64xf32, #tpu.memory_space<vmem>>
      tpu.wait_dma2 semaphore(%run_scoped3A : memref<!tpu.dma_semaphore, #tpu.memory_space<semaphore_mem>>) src(%dma_wait3A_527 : memref<195x64xf32, #tpu.memory_space<vmem>>) dst(%dma_wait3A_524 : memref<195x64xf32, #tpu.memory_space<hbm>>)
      tpu.yield
    }) : () -> ()
    %dma_start3A_278 = arith.constant 3 : i32
    %dma_start3A_279 = arith.constant 0 : i32
    %dma_start3A_280 = tpu.memref_slice %arg7[%dma_start3A_278, %dma_start3A_279] : memref<8x780xi32, #tpu.memory_space<vmem>> -> memref<1x780xi32, #tpu.memory_space<vmem>>
    %dma_start3A_281 = tpu.memref_squeeze %dma_start3A_280 : memref<1x780xi32, #tpu.memory_space<vmem>> -> memref<780xi32, #tpu.memory_space<vmem>>
    %dma_start3A_282 = arith.constant 0 : i32
    %dma_start3A_283 = arith.constant 0 : i32
    %dma_start3A_284 = tpu.memref_slice %arg2[%dma_start3A_282, %dma_start3A_283] : memref<1000000x64xf32, #tpu.memory_space<hbm>> -> memref<1000000x64xf32, #tpu.memory_space<hbm>>
    tpu.enqueue_indirect_dma source(%dma_start3A_284 : memref<1000000x64xf32, #tpu.memory_space<hbm>>) target(%arg8 : memref<780x64xf32, #tpu.memory_space<vmem>>) offsets(%dma_start3A_281 : memref<780xi32, #tpu.memory_space<vmem>>) semaphore(%arg11 : memref<!tpu.dma_semaphore, #tpu.memory_space<semaphore_mem>>)
    %dma_wait3A_285 = arith.constant 3 : i32
    %dma_wait3A_286 = arith.constant 0 : i32
    %dma_wait3A_287 = tpu.memref_slice %arg7[%dma_wait3A_285, %dma_wait3A_286] : memref<8x780xi32, #tpu.memory_space<vmem>> -> memref<1x780xi32, #tpu.memory_space<vmem>>
    %dma_wait3A_288 = tpu.memref_squeeze %dma_wait3A_287 : memref<1x780xi32, #tpu.memory_space<vmem>> -> memref<780xi32, #tpu.memory_space<vmem>>
    %dma_wait3A_289 = arith.constant 0 : i32
    %dma_wait3A_290 = arith.constant 0 : i32
    %dma_wait3A_291 = tpu.memref_slice %arg2[%dma_wait3A_289, %dma_wait3A_290] : memref<1000000x64xf32, #tpu.memory_space<hbm>> -> memref<1000000x64xf32, #tpu.memory_space<hbm>>
    tpu.wait_indirect_dma semaphore(%arg11 : memref<!tpu.dma_semaphore, #tpu.memory_space<semaphore_mem>>) src(%dma_wait3A_291 : memref<1000000x64xf32, #tpu.memory_space<hbm>>) dst(%arg8 : memref<780x64xf32, #tpu.memory_space<vmem>>)
    %add3A_292 = arith.constant 12 : i32
    %add3A_293 = arith.addi %mul3A_2, %add3A_292 : i32
    %add3A_294 = arith.constant 0 : i32
    %add3A_295 = arith.addi %add3A_293, %add3A_294 : i32
    %mul3A_296 = arith.constant 200 : i32
    %mul3A_297 = arith.muli %add3A_295, %mul3A_296 : i32
    %add3A_298 = arith.constant 5 : i32
    %add3A_299 = arith.addi %mul3A_297, %add3A_298 : i32
    "tpu.region"() ({
      %run_scoped3A = tpu.sem_alloc : memref<!tpu.dma_semaphore, #tpu.memory_space<semaphore_mem>>
      %dma_start3A_508 = arith.constant 0 : i32
      %dma_start3A_509 = arith.constant 0 : i32
      %dma_start3A_510 = tpu.memref_slice %arg8[%dma_start3A_508, %dma_start3A_509] : memref<780x64xf32, #tpu.memory_space<vmem>> -> memref<195x64xf32, #tpu.memory_space<vmem>>
      %dma_start3A_511 = arith.constant 0 : i32
      %dma_start3A_512 = tpu.memref_slice %arg6[%add3A_299, %dma_start3A_511] : memref<204800x64xf32, #tpu.memory_space<hbm>> -> memref<195x64xf32, #tpu.memory_space<hbm>>
      %dma_start3A_513 = arith.constant 0 : i32
      %dma_start3A_514 = tpu.memref_slice %arg6[%add3A_299, %dma_start3A_513] : memref<204800x64xf32, #tpu.memory_space<hbm>> -> memref<195x64xf32, #tpu.memory_space<hbm>>
      %dma_start3A_515 = arith.constant 0 : i32
      %dma_start3A_516 = arith.constant 0 : i32
      %dma_start3A_517 = tpu.memref_slice %arg8[%dma_start3A_515, %dma_start3A_516] : memref<780x64xf32, #tpu.memory_space<vmem>> -> memref<195x64xf32, #tpu.memory_space<vmem>>
      tpu.enqueue_dma source(%dma_start3A_517 : memref<195x64xf32, #tpu.memory_space<vmem>>) target(%dma_start3A_514 : memref<195x64xf32, #tpu.memory_space<hbm>>) target_semaphore(%run_scoped3A : memref<!tpu.dma_semaphore, #tpu.memory_space<semaphore_mem>>)
      %dma_wait3A_518 = arith.constant 0 : i32
      %dma_wait3A_519 = arith.constant 0 : i32
      %dma_wait3A_520 = tpu.memref_slice %arg8[%dma_wait3A_518, %dma_wait3A_519] : memref<780x64xf32, #tpu.memory_space<vmem>> -> memref<195x64xf32, #tpu.memory_space<vmem>>
      %dma_wait3A_521 = arith.constant 0 : i32
      %dma_wait3A_522 = tpu.memref_slice %arg6[%add3A_299, %dma_wait3A_521] : memref<204800x64xf32, #tpu.memory_space<hbm>> -> memref<195x64xf32, #tpu.memory_space<hbm>>
      %dma_wait3A_523 = arith.constant 0 : i32
      %dma_wait3A_524 = tpu.memref_slice %arg6[%add3A_299, %dma_wait3A_523] : memref<204800x64xf32, #tpu.memory_space<hbm>> -> memref<195x64xf32, #tpu.memory_space<hbm>>
      %dma_wait3A_525 = arith.constant 0 : i32
      %dma_wait3A_526 = arith.constant 0 : i32
      %dma_wait3A_527 = tpu.memref_slice %arg8[%dma_wait3A_525, %dma_wait3A_526] : memref<780x64xf32, #tpu.memory_space<vmem>> -> memref<195x64xf32, #tpu.memory_space<vmem>>
      tpu.wait_dma2 semaphore(%run_scoped3A : memref<!tpu.dma_semaphore, #tpu.memory_space<semaphore_mem>>) src(%dma_wait3A_527 : memref<195x64xf32, #tpu.memory_space<vmem>>) dst(%dma_wait3A_524 : memref<195x64xf32, #tpu.memory_space<hbm>>)
      tpu.yield
    }) : () -> ()
    %add3A_300 = arith.constant 12 : i32
    %add3A_301 = arith.addi %mul3A_2, %add3A_300 : i32
    %add3A_302 = arith.constant 1 : i32
    %add3A_303 = arith.addi %add3A_301, %add3A_302 : i32
    %mul3A_304 = arith.constant 200 : i32
    %mul3A_305 = arith.muli %add3A_303, %mul3A_304 : i32
    %add3A_306 = arith.constant 5 : i32
    %add3A_307 = arith.addi %mul3A_305, %add3A_306 : i32
    "tpu.region"() ({
      %run_scoped3A = tpu.sem_alloc : memref<!tpu.dma_semaphore, #tpu.memory_space<semaphore_mem>>
      %dma_start3A_508 = arith.constant 195 : i32
      %dma_start3A_509 = arith.constant 0 : i32
      %dma_start3A_510 = tpu.memref_slice %arg8[%dma_start3A_508, %dma_start3A_509] : memref<780x64xf32, #tpu.memory_space<vmem>> -> memref<195x64xf32, #tpu.memory_space<vmem>>
      %dma_start3A_511 = arith.constant 0 : i32
      %dma_start3A_512 = tpu.memref_slice %arg6[%add3A_307, %dma_start3A_511] : memref<204800x64xf32, #tpu.memory_space<hbm>> -> memref<195x64xf32, #tpu.memory_space<hbm>>
      %dma_start3A_513 = arith.constant 0 : i32
      %dma_start3A_514 = tpu.memref_slice %arg6[%add3A_307, %dma_start3A_513] : memref<204800x64xf32, #tpu.memory_space<hbm>> -> memref<195x64xf32, #tpu.memory_space<hbm>>
      %dma_start3A_515 = arith.constant 195 : i32
      %dma_start3A_516 = arith.constant 0 : i32
      %dma_start3A_517 = tpu.memref_slice %arg8[%dma_start3A_515, %dma_start3A_516] : memref<780x64xf32, #tpu.memory_space<vmem>> -> memref<195x64xf32, #tpu.memory_space<vmem>>
      tpu.enqueue_dma source(%dma_start3A_517 : memref<195x64xf32, #tpu.memory_space<vmem>>) target(%dma_start3A_514 : memref<195x64xf32, #tpu.memory_space<hbm>>) target_semaphore(%run_scoped3A : memref<!tpu.dma_semaphore, #tpu.memory_space<semaphore_mem>>)
      %dma_wait3A_518 = arith.constant 195 : i32
      %dma_wait3A_519 = arith.constant 0 : i32
      %dma_wait3A_520 = tpu.memref_slice %arg8[%dma_wait3A_518, %dma_wait3A_519] : memref<780x64xf32, #tpu.memory_space<vmem>> -> memref<195x64xf32, #tpu.memory_space<vmem>>
      %dma_wait3A_521 = arith.constant 0 : i32
      %dma_wait3A_522 = tpu.memref_slice %arg6[%add3A_307, %dma_wait3A_521] : memref<204800x64xf32, #tpu.memory_space<hbm>> -> memref<195x64xf32, #tpu.memory_space<hbm>>
      %dma_wait3A_523 = arith.constant 0 : i32
      %dma_wait3A_524 = tpu.memref_slice %arg6[%add3A_307, %dma_wait3A_523] : memref<204800x64xf32, #tpu.memory_space<hbm>> -> memref<195x64xf32, #tpu.memory_space<hbm>>
      %dma_wait3A_525 = arith.constant 195 : i32
      %dma_wait3A_526 = arith.constant 0 : i32
      %dma_wait3A_527 = tpu.memref_slice %arg8[%dma_wait3A_525, %dma_wait3A_526] : memref<780x64xf32, #tpu.memory_space<vmem>> -> memref<195x64xf32, #tpu.memory_space<vmem>>
      tpu.wait_dma2 semaphore(%run_scoped3A : memref<!tpu.dma_semaphore, #tpu.memory_space<semaphore_mem>>) src(%dma_wait3A_527 : memref<195x64xf32, #tpu.memory_space<vmem>>) dst(%dma_wait3A_524 : memref<195x64xf32, #tpu.memory_space<hbm>>)
      tpu.yield
    }) : () -> ()
    %add3A_308 = arith.constant 12 : i32
    %add3A_309 = arith.addi %mul3A_2, %add3A_308 : i32
    %add3A_310 = arith.constant 2 : i32
    %add3A_311 = arith.addi %add3A_309, %add3A_310 : i32
    %mul3A_312 = arith.constant 200 : i32
    %mul3A_313 = arith.muli %add3A_311, %mul3A_312 : i32
    %add3A_314 = arith.constant 5 : i32
    %add3A_315 = arith.addi %mul3A_313, %add3A_314 : i32
    "tpu.region"() ({
      %run_scoped3A = tpu.sem_alloc : memref<!tpu.dma_semaphore, #tpu.memory_space<semaphore_mem>>
      %dma_start3A_508 = arith.constant 390 : i32
      %dma_start3A_509 = arith.constant 0 : i32
      %dma_start3A_510 = tpu.memref_slice %arg8[%dma_start3A_508, %dma_start3A_509] : memref<780x64xf32, #tpu.memory_space<vmem>> -> memref<195x64xf32, #tpu.memory_space<vmem>>
      %dma_start3A_511 = arith.constant 0 : i32
      %dma_start3A_512 = tpu.memref_slice %arg6[%add3A_315, %dma_start3A_511] : memref<204800x64xf32, #tpu.memory_space<hbm>> -> memref<195x64xf32, #tpu.memory_space<hbm>>
      %dma_start3A_513 = arith.constant 0 : i32
      %dma_start3A_514 = tpu.memref_slice %arg6[%add3A_315, %dma_start3A_513] : memref<204800x64xf32, #tpu.memory_space<hbm>> -> memref<195x64xf32, #tpu.memory_space<hbm>>
      %dma_start3A_515 = arith.constant 390 : i32
      %dma_start3A_516 = arith.constant 0 : i32
      %dma_start3A_517 = tpu.memref_slice %arg8[%dma_start3A_515, %dma_start3A_516] : memref<780x64xf32, #tpu.memory_space<vmem>> -> memref<195x64xf32, #tpu.memory_space<vmem>>
      tpu.enqueue_dma source(%dma_start3A_517 : memref<195x64xf32, #tpu.memory_space<vmem>>) target(%dma_start3A_514 : memref<195x64xf32, #tpu.memory_space<hbm>>) target_semaphore(%run_scoped3A : memref<!tpu.dma_semaphore, #tpu.memory_space<semaphore_mem>>)
      %dma_wait3A_518 = arith.constant 390 : i32
      %dma_wait3A_519 = arith.constant 0 : i32
      %dma_wait3A_520 = tpu.memref_slice %arg8[%dma_wait3A_518, %dma_wait3A_519] : memref<780x64xf32, #tpu.memory_space<vmem>> -> memref<195x64xf32, #tpu.memory_space<vmem>>
      %dma_wait3A_521 = arith.constant 0 : i32
      %dma_wait3A_522 = tpu.memref_slice %arg6[%add3A_315, %dma_wait3A_521] : memref<204800x64xf32, #tpu.memory_space<hbm>> -> memref<195x64xf32, #tpu.memory_space<hbm>>
      %dma_wait3A_523 = arith.constant 0 : i32
      %dma_wait3A_524 = tpu.memref_slice %arg6[%add3A_315, %dma_wait3A_523] : memref<204800x64xf32, #tpu.memory_space<hbm>> -> memref<195x64xf32, #tpu.memory_space<hbm>>
      %dma_wait3A_525 = arith.constant 390 : i32
      %dma_wait3A_526 = arith.constant 0 : i32
      %dma_wait3A_527 = tpu.memref_slice %arg8[%dma_wait3A_525, %dma_wait3A_526] : memref<780x64xf32, #tpu.memory_space<vmem>> -> memref<195x64xf32, #tpu.memory_space<vmem>>
      tpu.wait_dma2 semaphore(%run_scoped3A : memref<!tpu.dma_semaphore, #tpu.memory_space<semaphore_mem>>) src(%dma_wait3A_527 : memref<195x64xf32, #tpu.memory_space<vmem>>) dst(%dma_wait3A_524 : memref<195x64xf32, #tpu.memory_space<hbm>>)
      tpu.yield
    }) : () -> ()
    %add3A_316 = arith.constant 12 : i32
    %add3A_317 = arith.addi %mul3A_2, %add3A_316 : i32
    %add3A_318 = arith.constant 3 : i32
    %add3A_319 = arith.addi %add3A_317, %add3A_318 : i32
    %mul3A_320 = arith.constant 200 : i32
    %mul3A_321 = arith.muli %add3A_319, %mul3A_320 : i32
    %add3A_322 = arith.constant 5 : i32
    %add3A_323 = arith.addi %mul3A_321, %add3A_322 : i32
    "tpu.region"() ({
      %run_scoped3A = tpu.sem_alloc : memref<!tpu.dma_semaphore, #tpu.memory_space<semaphore_mem>>
      %dma_start3A_508 = arith.constant 585 : i32
      %dma_start3A_509 = arith.constant 0 : i32
      %dma_start3A_510 = tpu.memref_slice %arg8[%dma_start3A_508, %dma_start3A_509] : memref<780x64xf32, #tpu.memory_space<vmem>> -> memref<195x64xf32, #tpu.memory_space<vmem>>
      %dma_start3A_511 = arith.constant 0 : i32
      %dma_start3A_512 = tpu.memref_slice %arg6[%add3A_323, %dma_start3A_511] : memref<204800x64xf32, #tpu.memory_space<hbm>> -> memref<195x64xf32, #tpu.memory_space<hbm>>
      %dma_start3A_513 = arith.constant 0 : i32
      %dma_start3A_514 = tpu.memref_slice %arg6[%add3A_323, %dma_start3A_513] : memref<204800x64xf32, #tpu.memory_space<hbm>> -> memref<195x64xf32, #tpu.memory_space<hbm>>
      %dma_start3A_515 = arith.constant 585 : i32
      %dma_start3A_516 = arith.constant 0 : i32
      %dma_start3A_517 = tpu.memref_slice %arg8[%dma_start3A_515, %dma_start3A_516] : memref<780x64xf32, #tpu.memory_space<vmem>> -> memref<195x64xf32, #tpu.memory_space<vmem>>
      tpu.enqueue_dma source(%dma_start3A_517 : memref<195x64xf32, #tpu.memory_space<vmem>>) target(%dma_start3A_514 : memref<195x64xf32, #tpu.memory_space<hbm>>) target_semaphore(%run_scoped3A : memref<!tpu.dma_semaphore, #tpu.memory_space<semaphore_mem>>)
      %dma_wait3A_518 = arith.constant 585 : i32
      %dma_wait3A_519 = arith.constant 0 : i32
      %dma_wait3A_520 = tpu.memref_slice %arg8[%dma_wait3A_518, %dma_wait3A_519] : memref<780x64xf32, #tpu.memory_space<vmem>> -> memref<195x64xf32, #tpu.memory_space<vmem>>
      %dma_wait3A_521 = arith.constant 0 : i32
      %dma_wait3A_522 = tpu.memref_slice %arg6[%add3A_323, %dma_wait3A_521] : memref<204800x64xf32, #tpu.memory_space<hbm>> -> memref<195x64xf32, #tpu.memory_space<hbm>>
      %dma_wait3A_523 = arith.constant 0 : i32
      %dma_wait3A_524 = tpu.memref_slice %arg6[%add3A_323, %dma_wait3A_523] : memref<204800x64xf32, #tpu.memory_space<hbm>> -> memref<195x64xf32, #tpu.memory_space<hbm>>
      %dma_wait3A_525 = arith.constant 585 : i32
      %dma_wait3A_526 = arith.constant 0 : i32
      %dma_wait3A_527 = tpu.memref_slice %arg8[%dma_wait3A_525, %dma_wait3A_526] : memref<780x64xf32, #tpu.memory_space<vmem>> -> memref<195x64xf32, #tpu.memory_space<vmem>>
      tpu.wait_dma2 semaphore(%run_scoped3A : memref<!tpu.dma_semaphore, #tpu.memory_space<semaphore_mem>>) src(%dma_wait3A_527 : memref<195x64xf32, #tpu.memory_space<vmem>>) dst(%dma_wait3A_524 : memref<195x64xf32, #tpu.memory_space<hbm>>)
      tpu.yield
    }) : () -> ()
    %dma_start3A_324 = arith.constant 4 : i32
    %dma_start3A_325 = arith.constant 0 : i32
    %dma_start3A_326 = tpu.memref_slice %arg7[%dma_start3A_324, %dma_start3A_325] : memref<8x780xi32, #tpu.memory_space<vmem>> -> memref<1x780xi32, #tpu.memory_space<vmem>>
    %dma_start3A_327 = tpu.memref_squeeze %dma_start3A_326 : memref<1x780xi32, #tpu.memory_space<vmem>> -> memref<780xi32, #tpu.memory_space<vmem>>
    %dma_start3A_328 = arith.constant 0 : i32
    %dma_start3A_329 = arith.constant 0 : i32
    %dma_start3A_330 = tpu.memref_slice %arg2[%dma_start3A_328, %dma_start3A_329] : memref<1000000x64xf32, #tpu.memory_space<hbm>> -> memref<1000000x64xf32, #tpu.memory_space<hbm>>
    tpu.enqueue_indirect_dma source(%dma_start3A_330 : memref<1000000x64xf32, #tpu.memory_space<hbm>>) target(%arg8 : memref<780x64xf32, #tpu.memory_space<vmem>>) offsets(%dma_start3A_327 : memref<780xi32, #tpu.memory_space<vmem>>) semaphore(%arg11 : memref<!tpu.dma_semaphore, #tpu.memory_space<semaphore_mem>>)
    %dma_wait3A_331 = arith.constant 4 : i32
    %dma_wait3A_332 = arith.constant 0 : i32
    %dma_wait3A_333 = tpu.memref_slice %arg7[%dma_wait3A_331, %dma_wait3A_332] : memref<8x780xi32, #tpu.memory_space<vmem>> -> memref<1x780xi32, #tpu.memory_space<vmem>>
    %dma_wait3A_334 = tpu.memref_squeeze %dma_wait3A_333 : memref<1x780xi32, #tpu.memory_space<vmem>> -> memref<780xi32, #tpu.memory_space<vmem>>
    %dma_wait3A_335 = arith.constant 0 : i32
    %dma_wait3A_336 = arith.constant 0 : i32
    %dma_wait3A_337 = tpu.memref_slice %arg2[%dma_wait3A_335, %dma_wait3A_336] : memref<1000000x64xf32, #tpu.memory_space<hbm>> -> memref<1000000x64xf32, #tpu.memory_space<hbm>>
    tpu.wait_indirect_dma semaphore(%arg11 : memref<!tpu.dma_semaphore, #tpu.memory_space<semaphore_mem>>) src(%dma_wait3A_337 : memref<1000000x64xf32, #tpu.memory_space<hbm>>) dst(%arg8 : memref<780x64xf32, #tpu.memory_space<vmem>>)
    %add3A_338 = arith.constant 16 : i32
    %add3A_339 = arith.addi %mul3A_2, %add3A_338 : i32
    %add3A_340 = arith.constant 0 : i32
    %add3A_341 = arith.addi %add3A_339, %add3A_340 : i32
    %mul3A_342 = arith.constant 200 : i32
    %mul3A_343 = arith.muli %add3A_341, %mul3A_342 : i32
    %add3A_344 = arith.constant 5 : i32
    %add3A_345 = arith.addi %mul3A_343, %add3A_344 : i32
    "tpu.region"() ({
      %run_scoped3A = tpu.sem_alloc : memref<!tpu.dma_semaphore, #tpu.memory_space<semaphore_mem>>
      %dma_start3A_508 = arith.constant 0 : i32
      %dma_start3A_509 = arith.constant 0 : i32
      %dma_start3A_510 = tpu.memref_slice %arg8[%dma_start3A_508, %dma_start3A_509] : memref<780x64xf32, #tpu.memory_space<vmem>> -> memref<195x64xf32, #tpu.memory_space<vmem>>
      %dma_start3A_511 = arith.constant 0 : i32
      %dma_start3A_512 = tpu.memref_slice %arg6[%add3A_345, %dma_start3A_511] : memref<204800x64xf32, #tpu.memory_space<hbm>> -> memref<195x64xf32, #tpu.memory_space<hbm>>
      %dma_start3A_513 = arith.constant 0 : i32
      %dma_start3A_514 = tpu.memref_slice %arg6[%add3A_345, %dma_start3A_513] : memref<204800x64xf32, #tpu.memory_space<hbm>> -> memref<195x64xf32, #tpu.memory_space<hbm>>
      %dma_start3A_515 = arith.constant 0 : i32
      %dma_start3A_516 = arith.constant 0 : i32
      %dma_start3A_517 = tpu.memref_slice %arg8[%dma_start3A_515, %dma_start3A_516] : memref<780x64xf32, #tpu.memory_space<vmem>> -> memref<195x64xf32, #tpu.memory_space<vmem>>
      tpu.enqueue_dma source(%dma_start3A_517 : memref<195x64xf32, #tpu.memory_space<vmem>>) target(%dma_start3A_514 : memref<195x64xf32, #tpu.memory_space<hbm>>) target_semaphore(%run_scoped3A : memref<!tpu.dma_semaphore, #tpu.memory_space<semaphore_mem>>)
      %dma_wait3A_518 = arith.constant 0 : i32
      %dma_wait3A_519 = arith.constant 0 : i32
      %dma_wait3A_520 = tpu.memref_slice %arg8[%dma_wait3A_518, %dma_wait3A_519] : memref<780x64xf32, #tpu.memory_space<vmem>> -> memref<195x64xf32, #tpu.memory_space<vmem>>
      %dma_wait3A_521 = arith.constant 0 : i32
      %dma_wait3A_522 = tpu.memref_slice %arg6[%add3A_345, %dma_wait3A_521] : memref<204800x64xf32, #tpu.memory_space<hbm>> -> memref<195x64xf32, #tpu.memory_space<hbm>>
      %dma_wait3A_523 = arith.constant 0 : i32
      %dma_wait3A_524 = tpu.memref_slice %arg6[%add3A_345, %dma_wait3A_523] : memref<204800x64xf32, #tpu.memory_space<hbm>> -> memref<195x64xf32, #tpu.memory_space<hbm>>
      %dma_wait3A_525 = arith.constant 0 : i32
      %dma_wait3A_526 = arith.constant 0 : i32
      %dma_wait3A_527 = tpu.memref_slice %arg8[%dma_wait3A_525, %dma_wait3A_526] : memref<780x64xf32, #tpu.memory_space<vmem>> -> memref<195x64xf32, #tpu.memory_space<vmem>>
      tpu.wait_dma2 semaphore(%run_scoped3A : memref<!tpu.dma_semaphore, #tpu.memory_space<semaphore_mem>>) src(%dma_wait3A_527 : memref<195x64xf32, #tpu.memory_space<vmem>>) dst(%dma_wait3A_524 : memref<195x64xf32, #tpu.memory_space<hbm>>)
      tpu.yield
    }) : () -> ()
    %add3A_346 = arith.constant 16 : i32
    %add3A_347 = arith.addi %mul3A_2, %add3A_346 : i32
    %add3A_348 = arith.constant 1 : i32
    %add3A_349 = arith.addi %add3A_347, %add3A_348 : i32
    %mul3A_350 = arith.constant 200 : i32
    %mul3A_351 = arith.muli %add3A_349, %mul3A_350 : i32
    %add3A_352 = arith.constant 5 : i32
    %add3A_353 = arith.addi %mul3A_351, %add3A_352 : i32
    "tpu.region"() ({
      %run_scoped3A = tpu.sem_alloc : memref<!tpu.dma_semaphore, #tpu.memory_space<semaphore_mem>>
      %dma_start3A_508 = arith.constant 195 : i32
      %dma_start3A_509 = arith.constant 0 : i32
      %dma_start3A_510 = tpu.memref_slice %arg8[%dma_start3A_508, %dma_start3A_509] : memref<780x64xf32, #tpu.memory_space<vmem>> -> memref<195x64xf32, #tpu.memory_space<vmem>>
      %dma_start3A_511 = arith.constant 0 : i32
      %dma_start3A_512 = tpu.memref_slice %arg6[%add3A_353, %dma_start3A_511] : memref<204800x64xf32, #tpu.memory_space<hbm>> -> memref<195x64xf32, #tpu.memory_space<hbm>>
      %dma_start3A_513 = arith.constant 0 : i32
      %dma_start3A_514 = tpu.memref_slice %arg6[%add3A_353, %dma_start3A_513] : memref<204800x64xf32, #tpu.memory_space<hbm>> -> memref<195x64xf32, #tpu.memory_space<hbm>>
      %dma_start3A_515 = arith.constant 195 : i32
      %dma_start3A_516 = arith.constant 0 : i32
      %dma_start3A_517 = tpu.memref_slice %arg8[%dma_start3A_515, %dma_start3A_516] : memref<780x64xf32, #tpu.memory_space<vmem>> -> memref<195x64xf32, #tpu.memory_space<vmem>>
      tpu.enqueue_dma source(%dma_start3A_517 : memref<195x64xf32, #tpu.memory_space<vmem>>) target(%dma_start3A_514 : memref<195x64xf32, #tpu.memory_space<hbm>>) target_semaphore(%run_scoped3A : memref<!tpu.dma_semaphore, #tpu.memory_space<semaphore_mem>>)
      %dma_wait3A_518 = arith.constant 195 : i32
      %dma_wait3A_519 = arith.constant 0 : i32
      %dma_wait3A_520 = tpu.memref_slice %arg8[%dma_wait3A_518, %dma_wait3A_519] : memref<780x64xf32, #tpu.memory_space<vmem>> -> memref<195x64xf32, #tpu.memory_space<vmem>>
      %dma_wait3A_521 = arith.constant 0 : i32
      %dma_wait3A_522 = tpu.memref_slice %arg6[%add3A_353, %dma_wait3A_521] : memref<204800x64xf32, #tpu.memory_space<hbm>> -> memref<195x64xf32, #tpu.memory_space<hbm>>
      %dma_wait3A_523 = arith.constant 0 : i32
      %dma_wait3A_524 = tpu.memref_slice %arg6[%add3A_353, %dma_wait3A_523] : memref<204800x64xf32, #tpu.memory_space<hbm>> -> memref<195x64xf32, #tpu.memory_space<hbm>>
      %dma_wait3A_525 = arith.constant 195 : i32
      %dma_wait3A_526 = arith.constant 0 : i32
      %dma_wait3A_527 = tpu.memref_slice %arg8[%dma_wait3A_525, %dma_wait3A_526] : memref<780x64xf32, #tpu.memory_space<vmem>> -> memref<195x64xf32, #tpu.memory_space<vmem>>
      tpu.wait_dma2 semaphore(%run_scoped3A : memref<!tpu.dma_semaphore, #tpu.memory_space<semaphore_mem>>) src(%dma_wait3A_527 : memref<195x64xf32, #tpu.memory_space<vmem>>) dst(%dma_wait3A_524 : memref<195x64xf32, #tpu.memory_space<hbm>>)
      tpu.yield
    }) : () -> ()
    %add3A_354 = arith.constant 16 : i32
    %add3A_355 = arith.addi %mul3A_2, %add3A_354 : i32
    %add3A_356 = arith.constant 2 : i32
    %add3A_357 = arith.addi %add3A_355, %add3A_356 : i32
    %mul3A_358 = arith.constant 200 : i32
    %mul3A_359 = arith.muli %add3A_357, %mul3A_358 : i32
    %add3A_360 = arith.constant 5 : i32
    %add3A_361 = arith.addi %mul3A_359, %add3A_360 : i32
    "tpu.region"() ({
      %run_scoped3A = tpu.sem_alloc : memref<!tpu.dma_semaphore, #tpu.memory_space<semaphore_mem>>
      %dma_start3A_508 = arith.constant 390 : i32
      %dma_start3A_509 = arith.constant 0 : i32
      %dma_start3A_510 = tpu.memref_slice %arg8[%dma_start3A_508, %dma_start3A_509] : memref<780x64xf32, #tpu.memory_space<vmem>> -> memref<195x64xf32, #tpu.memory_space<vmem>>
      %dma_start3A_511 = arith.constant 0 : i32
      %dma_start3A_512 = tpu.memref_slice %arg6[%add3A_361, %dma_start3A_511] : memref<204800x64xf32, #tpu.memory_space<hbm>> -> memref<195x64xf32, #tpu.memory_space<hbm>>
      %dma_start3A_513 = arith.constant 0 : i32
      %dma_start3A_514 = tpu.memref_slice %arg6[%add3A_361, %dma_start3A_513] : memref<204800x64xf32, #tpu.memory_space<hbm>> -> memref<195x64xf32, #tpu.memory_space<hbm>>
      %dma_start3A_515 = arith.constant 390 : i32
      %dma_start3A_516 = arith.constant 0 : i32
      %dma_start3A_517 = tpu.memref_slice %arg8[%dma_start3A_515, %dma_start3A_516] : memref<780x64xf32, #tpu.memory_space<vmem>> -> memref<195x64xf32, #tpu.memory_space<vmem>>
      tpu.enqueue_dma source(%dma_start3A_517 : memref<195x64xf32, #tpu.memory_space<vmem>>) target(%dma_start3A_514 : memref<195x64xf32, #tpu.memory_space<hbm>>) target_semaphore(%run_scoped3A : memref<!tpu.dma_semaphore, #tpu.memory_space<semaphore_mem>>)
      %dma_wait3A_518 = arith.constant 390 : i32
      %dma_wait3A_519 = arith.constant 0 : i32
      %dma_wait3A_520 = tpu.memref_slice %arg8[%dma_wait3A_518, %dma_wait3A_519] : memref<780x64xf32, #tpu.memory_space<vmem>> -> memref<195x64xf32, #tpu.memory_space<vmem>>
      %dma_wait3A_521 = arith.constant 0 : i32
      %dma_wait3A_522 = tpu.memref_slice %arg6[%add3A_361, %dma_wait3A_521] : memref<204800x64xf32, #tpu.memory_space<hbm>> -> memref<195x64xf32, #tpu.memory_space<hbm>>
      %dma_wait3A_523 = arith.constant 0 : i32
      %dma_wait3A_524 = tpu.memref_slice %arg6[%add3A_361, %dma_wait3A_523] : memref<204800x64xf32, #tpu.memory_space<hbm>> -> memref<195x64xf32, #tpu.memory_space<hbm>>
      %dma_wait3A_525 = arith.constant 390 : i32
      %dma_wait3A_526 = arith.constant 0 : i32
      %dma_wait3A_527 = tpu.memref_slice %arg8[%dma_wait3A_525, %dma_wait3A_526] : memref<780x64xf32, #tpu.memory_space<vmem>> -> memref<195x64xf32, #tpu.memory_space<vmem>>
      tpu.wait_dma2 semaphore(%run_scoped3A : memref<!tpu.dma_semaphore, #tpu.memory_space<semaphore_mem>>) src(%dma_wait3A_527 : memref<195x64xf32, #tpu.memory_space<vmem>>) dst(%dma_wait3A_524 : memref<195x64xf32, #tpu.memory_space<hbm>>)
      tpu.yield
    }) : () -> ()
    %add3A_362 = arith.constant 16 : i32
    %add3A_363 = arith.addi %mul3A_2, %add3A_362 : i32
    %add3A_364 = arith.constant 3 : i32
    %add3A_365 = arith.addi %add3A_363, %add3A_364 : i32
    %mul3A_366 = arith.constant 200 : i32
    %mul3A_367 = arith.muli %add3A_365, %mul3A_366 : i32
    %add3A_368 = arith.constant 5 : i32
    %add3A_369 = arith.addi %mul3A_367, %add3A_368 : i32
    "tpu.region"() ({
      %run_scoped3A = tpu.sem_alloc : memref<!tpu.dma_semaphore, #tpu.memory_space<semaphore_mem>>
      %dma_start3A_508 = arith.constant 585 : i32
      %dma_start3A_509 = arith.constant 0 : i32
      %dma_start3A_510 = tpu.memref_slice %arg8[%dma_start3A_508, %dma_start3A_509] : memref<780x64xf32, #tpu.memory_space<vmem>> -> memref<195x64xf32, #tpu.memory_space<vmem>>
      %dma_start3A_511 = arith.constant 0 : i32
      %dma_start3A_512 = tpu.memref_slice %arg6[%add3A_369, %dma_start3A_511] : memref<204800x64xf32, #tpu.memory_space<hbm>> -> memref<195x64xf32, #tpu.memory_space<hbm>>
      %dma_start3A_513 = arith.constant 0 : i32
      %dma_start3A_514 = tpu.memref_slice %arg6[%add3A_369, %dma_start3A_513] : memref<204800x64xf32, #tpu.memory_space<hbm>> -> memref<195x64xf32, #tpu.memory_space<hbm>>
      %dma_start3A_515 = arith.constant 585 : i32
      %dma_start3A_516 = arith.constant 0 : i32
      %dma_start3A_517 = tpu.memref_slice %arg8[%dma_start3A_515, %dma_start3A_516] : memref<780x64xf32, #tpu.memory_space<vmem>> -> memref<195x64xf32, #tpu.memory_space<vmem>>
      tpu.enqueue_dma source(%dma_start3A_517 : memref<195x64xf32, #tpu.memory_space<vmem>>) target(%dma_start3A_514 : memref<195x64xf32, #tpu.memory_space<hbm>>) target_semaphore(%run_scoped3A : memref<!tpu.dma_semaphore, #tpu.memory_space<semaphore_mem>>)
      %dma_wait3A_518 = arith.constant 585 : i32
      %dma_wait3A_519 = arith.constant 0 : i32
      %dma_wait3A_520 = tpu.memref_slice %arg8[%dma_wait3A_518, %dma_wait3A_519] : memref<780x64xf32, #tpu.memory_space<vmem>> -> memref<195x64xf32, #tpu.memory_space<vmem>>
      %dma_wait3A_521 = arith.constant 0 : i32
      %dma_wait3A_522 = tpu.memref_slice %arg6[%add3A_369, %dma_wait3A_521] : memref<204800x64xf32, #tpu.memory_space<hbm>> -> memref<195x64xf32, #tpu.memory_space<hbm>>
      %dma_wait3A_523 = arith.constant 0 : i32
      %dma_wait3A_524 = tpu.memref_slice %arg6[%add3A_369, %dma_wait3A_523] : memref<204800x64xf32, #tpu.memory_space<hbm>> -> memref<195x64xf32, #tpu.memory_space<hbm>>
      %dma_wait3A_525 = arith.constant 585 : i32
      %dma_wait3A_526 = arith.constant 0 : i32
      %dma_wait3A_527 = tpu.memref_slice %arg8[%dma_wait3A_525, %dma_wait3A_526] : memref<780x64xf32, #tpu.memory_space<vmem>> -> memref<195x64xf32, #tpu.memory_space<vmem>>
      tpu.wait_dma2 semaphore(%run_scoped3A : memref<!tpu.dma_semaphore, #tpu.memory_space<semaphore_mem>>) src(%dma_wait3A_527 : memref<195x64xf32, #tpu.memory_space<vmem>>) dst(%dma_wait3A_524 : memref<195x64xf32, #tpu.memory_space<hbm>>)
      tpu.yield
    }) : () -> ()
    %dma_start3A_370 = arith.constant 5 : i32
    %dma_start3A_371 = arith.constant 0 : i32
    %dma_start3A_372 = tpu.memref_slice %arg7[%dma_start3A_370, %dma_start3A_371] : memref<8x780xi32, #tpu.memory_space<vmem>> -> memref<1x780xi32, #tpu.memory_space<vmem>>
    %dma_start3A_373 = tpu.memref_squeeze %dma_start3A_372 : memref<1x780xi32, #tpu.memory_space<vmem>> -> memref<780xi32, #tpu.memory_space<vmem>>
    %dma_start3A_374 = arith.constant 0 : i32
    %dma_start3A_375 = arith.constant 0 : i32
    %dma_start3A_376 = tpu.memref_slice %arg2[%dma_start3A_374, %dma_start3A_375] : memref<1000000x64xf32, #tpu.memory_space<hbm>> -> memref<1000000x64xf32, #tpu.memory_space<hbm>>
    tpu.enqueue_indirect_dma source(%dma_start3A_376 : memref<1000000x64xf32, #tpu.memory_space<hbm>>) target(%arg8 : memref<780x64xf32, #tpu.memory_space<vmem>>) offsets(%dma_start3A_373 : memref<780xi32, #tpu.memory_space<vmem>>) semaphore(%arg11 : memref<!tpu.dma_semaphore, #tpu.memory_space<semaphore_mem>>)
    %dma_wait3A_377 = arith.constant 5 : i32
    %dma_wait3A_378 = arith.constant 0 : i32
    %dma_wait3A_379 = tpu.memref_slice %arg7[%dma_wait3A_377, %dma_wait3A_378] : memref<8x780xi32, #tpu.memory_space<vmem>> -> memref<1x780xi32, #tpu.memory_space<vmem>>
    %dma_wait3A_380 = tpu.memref_squeeze %dma_wait3A_379 : memref<1x780xi32, #tpu.memory_space<vmem>> -> memref<780xi32, #tpu.memory_space<vmem>>
    %dma_wait3A_381 = arith.constant 0 : i32
    %dma_wait3A_382 = arith.constant 0 : i32
    %dma_wait3A_383 = tpu.memref_slice %arg2[%dma_wait3A_381, %dma_wait3A_382] : memref<1000000x64xf32, #tpu.memory_space<hbm>> -> memref<1000000x64xf32, #tpu.memory_space<hbm>>
    tpu.wait_indirect_dma semaphore(%arg11 : memref<!tpu.dma_semaphore, #tpu.memory_space<semaphore_mem>>) src(%dma_wait3A_383 : memref<1000000x64xf32, #tpu.memory_space<hbm>>) dst(%arg8 : memref<780x64xf32, #tpu.memory_space<vmem>>)
    %add3A_384 = arith.constant 20 : i32
    %add3A_385 = arith.addi %mul3A_2, %add3A_384 : i32
    %add3A_386 = arith.constant 0 : i32
    %add3A_387 = arith.addi %add3A_385, %add3A_386 : i32
    %mul3A_388 = arith.constant 200 : i32
    %mul3A_389 = arith.muli %add3A_387, %mul3A_388 : i32
    %add3A_390 = arith.constant 5 : i32
    %add3A_391 = arith.addi %mul3A_389, %add3A_390 : i32
    "tpu.region"() ({
      %run_scoped3A = tpu.sem_alloc : memref<!tpu.dma_semaphore, #tpu.memory_space<semaphore_mem>>
      %dma_start3A_508 = arith.constant 0 : i32
      %dma_start3A_509 = arith.constant 0 : i32
      %dma_start3A_510 = tpu.memref_slice %arg8[%dma_start3A_508, %dma_start3A_509] : memref<780x64xf32, #tpu.memory_space<vmem>> -> memref<195x64xf32, #tpu.memory_space<vmem>>
      %dma_start3A_511 = arith.constant 0 : i32
      %dma_start3A_512 = tpu.memref_slice %arg6[%add3A_391, %dma_start3A_511] : memref<204800x64xf32, #tpu.memory_space<hbm>> -> memref<195x64xf32, #tpu.memory_space<hbm>>
      %dma_start3A_513 = arith.constant 0 : i32
      %dma_start3A_514 = tpu.memref_slice %arg6[%add3A_391, %dma_start3A_513] : memref<204800x64xf32, #tpu.memory_space<hbm>> -> memref<195x64xf32, #tpu.memory_space<hbm>>
      %dma_start3A_515 = arith.constant 0 : i32
      %dma_start3A_516 = arith.constant 0 : i32
      %dma_start3A_517 = tpu.memref_slice %arg8[%dma_start3A_515, %dma_start3A_516] : memref<780x64xf32, #tpu.memory_space<vmem>> -> memref<195x64xf32, #tpu.memory_space<vmem>>
      tpu.enqueue_dma source(%dma_start3A_517 : memref<195x64xf32, #tpu.memory_space<vmem>>) target(%dma_start3A_514 : memref<195x64xf32, #tpu.memory_space<hbm>>) target_semaphore(%run_scoped3A : memref<!tpu.dma_semaphore, #tpu.memory_space<semaphore_mem>>)
      %dma_wait3A_518 = arith.constant 0 : i32
      %dma_wait3A_519 = arith.constant 0 : i32
      %dma_wait3A_520 = tpu.memref_slice %arg8[%dma_wait3A_518, %dma_wait3A_519] : memref<780x64xf32, #tpu.memory_space<vmem>> -> memref<195x64xf32, #tpu.memory_space<vmem>>
      %dma_wait3A_521 = arith.constant 0 : i32
      %dma_wait3A_522 = tpu.memref_slice %arg6[%add3A_391, %dma_wait3A_521] : memref<204800x64xf32, #tpu.memory_space<hbm>> -> memref<195x64xf32, #tpu.memory_space<hbm>>
      %dma_wait3A_523 = arith.constant 0 : i32
      %dma_wait3A_524 = tpu.memref_slice %arg6[%add3A_391, %dma_wait3A_523] : memref<204800x64xf32, #tpu.memory_space<hbm>> -> memref<195x64xf32, #tpu.memory_space<hbm>>
      %dma_wait3A_525 = arith.constant 0 : i32
      %dma_wait3A_526 = arith.constant 0 : i32
      %dma_wait3A_527 = tpu.memref_slice %arg8[%dma_wait3A_525, %dma_wait3A_526] : memref<780x64xf32, #tpu.memory_space<vmem>> -> memref<195x64xf32, #tpu.memory_space<vmem>>
      tpu.wait_dma2 semaphore(%run_scoped3A : memref<!tpu.dma_semaphore, #tpu.memory_space<semaphore_mem>>) src(%dma_wait3A_527 : memref<195x64xf32, #tpu.memory_space<vmem>>) dst(%dma_wait3A_524 : memref<195x64xf32, #tpu.memory_space<hbm>>)
      tpu.yield
    }) : () -> ()
    %add3A_392 = arith.constant 20 : i32
    %add3A_393 = arith.addi %mul3A_2, %add3A_392 : i32
    %add3A_394 = arith.constant 1 : i32
    %add3A_395 = arith.addi %add3A_393, %add3A_394 : i32
    %mul3A_396 = arith.constant 200 : i32
    %mul3A_397 = arith.muli %add3A_395, %mul3A_396 : i32
    %add3A_398 = arith.constant 5 : i32
    %add3A_399 = arith.addi %mul3A_397, %add3A_398 : i32
    "tpu.region"() ({
      %run_scoped3A = tpu.sem_alloc : memref<!tpu.dma_semaphore, #tpu.memory_space<semaphore_mem>>
      %dma_start3A_508 = arith.constant 195 : i32
      %dma_start3A_509 = arith.constant 0 : i32
      %dma_start3A_510 = tpu.memref_slice %arg8[%dma_start3A_508, %dma_start3A_509] : memref<780x64xf32, #tpu.memory_space<vmem>> -> memref<195x64xf32, #tpu.memory_space<vmem>>
      %dma_start3A_511 = arith.constant 0 : i32
      %dma_start3A_512 = tpu.memref_slice %arg6[%add3A_399, %dma_start3A_511] : memref<204800x64xf32, #tpu.memory_space<hbm>> -> memref<195x64xf32, #tpu.memory_space<hbm>>
      %dma_start3A_513 = arith.constant 0 : i32
      %dma_start3A_514 = tpu.memref_slice %arg6[%add3A_399, %dma_start3A_513] : memref<204800x64xf32, #tpu.memory_space<hbm>> -> memref<195x64xf32, #tpu.memory_space<hbm>>
      %dma_start3A_515 = arith.constant 195 : i32
      %dma_start3A_516 = arith.constant 0 : i32
      %dma_start3A_517 = tpu.memref_slice %arg8[%dma_start3A_515, %dma_start3A_516] : memref<780x64xf32, #tpu.memory_space<vmem>> -> memref<195x64xf32, #tpu.memory_space<vmem>>
      tpu.enqueue_dma source(%dma_start3A_517 : memref<195x64xf32, #tpu.memory_space<vmem>>) target(%dma_start3A_514 : memref<195x64xf32, #tpu.memory_space<hbm>>) target_semaphore(%run_scoped3A : memref<!tpu.dma_semaphore, #tpu.memory_space<semaphore_mem>>)
      %dma_wait3A_518 = arith.constant 195 : i32
      %dma_wait3A_519 = arith.constant 0 : i32
      %dma_wait3A_520 = tpu.memref_slice %arg8[%dma_wait3A_518, %dma_wait3A_519] : memref<780x64xf32, #tpu.memory_space<vmem>> -> memref<195x64xf32, #tpu.memory_space<vmem>>
      %dma_wait3A_521 = arith.constant 0 : i32
      %dma_wait3A_522 = tpu.memref_slice %arg6[%add3A_399, %dma_wait3A_521] : memref<204800x64xf32, #tpu.memory_space<hbm>> -> memref<195x64xf32, #tpu.memory_space<hbm>>
      %dma_wait3A_523 = arith.constant 0 : i32
      %dma_wait3A_524 = tpu.memref_slice %arg6[%add3A_399, %dma_wait3A_523] : memref<204800x64xf32, #tpu.memory_space<hbm>> -> memref<195x64xf32, #tpu.memory_space<hbm>>
      %dma_wait3A_525 = arith.constant 195 : i32
      %dma_wait3A_526 = arith.constant 0 : i32
      %dma_wait3A_527 = tpu.memref_slice %arg8[%dma_wait3A_525, %dma_wait3A_526] : memref<780x64xf32, #tpu.memory_space<vmem>> -> memref<195x64xf32, #tpu.memory_space<vmem>>
      tpu.wait_dma2 semaphore(%run_scoped3A : memref<!tpu.dma_semaphore, #tpu.memory_space<semaphore_mem>>) src(%dma_wait3A_527 : memref<195x64xf32, #tpu.memory_space<vmem>>) dst(%dma_wait3A_524 : memref<195x64xf32, #tpu.memory_space<hbm>>)
      tpu.yield
    }) : () -> ()
    %add3A_400 = arith.constant 20 : i32
    %add3A_401 = arith.addi %mul3A_2, %add3A_400 : i32
    %add3A_402 = arith.constant 2 : i32
    %add3A_403 = arith.addi %add3A_401, %add3A_402 : i32
    %mul3A_404 = arith.constant 200 : i32
    %mul3A_405 = arith.muli %add3A_403, %mul3A_404 : i32
    %add3A_406 = arith.constant 5 : i32
    %add3A_407 = arith.addi %mul3A_405, %add3A_406 : i32
    "tpu.region"() ({
      %run_scoped3A = tpu.sem_alloc : memref<!tpu.dma_semaphore, #tpu.memory_space<semaphore_mem>>
      %dma_start3A_508 = arith.constant 390 : i32
      %dma_start3A_509 = arith.constant 0 : i32
      %dma_start3A_510 = tpu.memref_slice %arg8[%dma_start3A_508, %dma_start3A_509] : memref<780x64xf32, #tpu.memory_space<vmem>> -> memref<195x64xf32, #tpu.memory_space<vmem>>
      %dma_start3A_511 = arith.constant 0 : i32
      %dma_start3A_512 = tpu.memref_slice %arg6[%add3A_407, %dma_start3A_511] : memref<204800x64xf32, #tpu.memory_space<hbm>> -> memref<195x64xf32, #tpu.memory_space<hbm>>
      %dma_start3A_513 = arith.constant 0 : i32
      %dma_start3A_514 = tpu.memref_slice %arg6[%add3A_407, %dma_start3A_513] : memref<204800x64xf32, #tpu.memory_space<hbm>> -> memref<195x64xf32, #tpu.memory_space<hbm>>
      %dma_start3A_515 = arith.constant 390 : i32
      %dma_start3A_516 = arith.constant 0 : i32
      %dma_start3A_517 = tpu.memref_slice %arg8[%dma_start3A_515, %dma_start3A_516] : memref<780x64xf32, #tpu.memory_space<vmem>> -> memref<195x64xf32, #tpu.memory_space<vmem>>
      tpu.enqueue_dma source(%dma_start3A_517 : memref<195x64xf32, #tpu.memory_space<vmem>>) target(%dma_start3A_514 : memref<195x64xf32, #tpu.memory_space<hbm>>) target_semaphore(%run_scoped3A : memref<!tpu.dma_semaphore, #tpu.memory_space<semaphore_mem>>)
      %dma_wait3A_518 = arith.constant 390 : i32
      %dma_wait3A_519 = arith.constant 0 : i32
      %dma_wait3A_520 = tpu.memref_slice %arg8[%dma_wait3A_518, %dma_wait3A_519] : memref<780x64xf32, #tpu.memory_space<vmem>> -> memref<195x64xf32, #tpu.memory_space<vmem>>
      %dma_wait3A_521 = arith.constant 0 : i32
      %dma_wait3A_522 = tpu.memref_slice %arg6[%add3A_407, %dma_wait3A_521] : memref<204800x64xf32, #tpu.memory_space<hbm>> -> memref<195x64xf32, #tpu.memory_space<hbm>>
      %dma_wait3A_523 = arith.constant 0 : i32
      %dma_wait3A_524 = tpu.memref_slice %arg6[%add3A_407, %dma_wait3A_523] : memref<204800x64xf32, #tpu.memory_space<hbm>> -> memref<195x64xf32, #tpu.memory_space<hbm>>
      %dma_wait3A_525 = arith.constant 390 : i32
      %dma_wait3A_526 = arith.constant 0 : i32
      %dma_wait3A_527 = tpu.memref_slice %arg8[%dma_wait3A_525, %dma_wait3A_526] : memref<780x64xf32, #tpu.memory_space<vmem>> -> memref<195x64xf32, #tpu.memory_space<vmem>>
      tpu.wait_dma2 semaphore(%run_scoped3A : memref<!tpu.dma_semaphore, #tpu.memory_space<semaphore_mem>>) src(%dma_wait3A_527 : memref<195x64xf32, #tpu.memory_space<vmem>>) dst(%dma_wait3A_524 : memref<195x64xf32, #tpu.memory_space<hbm>>)
      tpu.yield
    }) : () -> ()
    %add3A_408 = arith.constant 20 : i32
    %add3A_409 = arith.addi %mul3A_2, %add3A_408 : i32
    %add3A_410 = arith.constant 3 : i32
    %add3A_411 = arith.addi %add3A_409, %add3A_410 : i32
    %mul3A_412 = arith.constant 200 : i32
    %mul3A_413 = arith.muli %add3A_411, %mul3A_412 : i32
    %add3A_414 = arith.constant 5 : i32
    %add3A_415 = arith.addi %mul3A_413, %add3A_414 : i32
    "tpu.region"() ({
      %run_scoped3A = tpu.sem_alloc : memref<!tpu.dma_semaphore, #tpu.memory_space<semaphore_mem>>
      %dma_start3A_508 = arith.constant 585 : i32
      %dma_start3A_509 = arith.constant 0 : i32
      %dma_start3A_510 = tpu.memref_slice %arg8[%dma_start3A_508, %dma_start3A_509] : memref<780x64xf32, #tpu.memory_space<vmem>> -> memref<195x64xf32, #tpu.memory_space<vmem>>
      %dma_start3A_511 = arith.constant 0 : i32
      %dma_start3A_512 = tpu.memref_slice %arg6[%add3A_415, %dma_start3A_511] : memref<204800x64xf32, #tpu.memory_space<hbm>> -> memref<195x64xf32, #tpu.memory_space<hbm>>
      %dma_start3A_513 = arith.constant 0 : i32
      %dma_start3A_514 = tpu.memref_slice %arg6[%add3A_415, %dma_start3A_513] : memref<204800x64xf32, #tpu.memory_space<hbm>> -> memref<195x64xf32, #tpu.memory_space<hbm>>
      %dma_start3A_515 = arith.constant 585 : i32
      %dma_start3A_516 = arith.constant 0 : i32
      %dma_start3A_517 = tpu.memref_slice %arg8[%dma_start3A_515, %dma_start3A_516] : memref<780x64xf32, #tpu.memory_space<vmem>> -> memref<195x64xf32, #tpu.memory_space<vmem>>
      tpu.enqueue_dma source(%dma_start3A_517 : memref<195x64xf32, #tpu.memory_space<vmem>>) target(%dma_start3A_514 : memref<195x64xf32, #tpu.memory_space<hbm>>) target_semaphore(%run_scoped3A : memref<!tpu.dma_semaphore, #tpu.memory_space<semaphore_mem>>)
      %dma_wait3A_518 = arith.constant 585 : i32
      %dma_wait3A_519 = arith.constant 0 : i32
      %dma_wait3A_520 = tpu.memref_slice %arg8[%dma_wait3A_518, %dma_wait3A_519] : memref<780x64xf32, #tpu.memory_space<vmem>> -> memref<195x64xf32, #tpu.memory_space<vmem>>
      %dma_wait3A_521 = arith.constant 0 : i32
      %dma_wait3A_522 = tpu.memref_slice %arg6[%add3A_415, %dma_wait3A_521] : memref<204800x64xf32, #tpu.memory_space<hbm>> -> memref<195x64xf32, #tpu.memory_space<hbm>>
      %dma_wait3A_523 = arith.constant 0 : i32
      %dma_wait3A_524 = tpu.memref_slice %arg6[%add3A_415, %dma_wait3A_523] : memref<204800x64xf32, #tpu.memory_space<hbm>> -> memref<195x64xf32, #tpu.memory_space<hbm>>
      %dma_wait3A_525 = arith.constant 585 : i32
      %dma_wait3A_526 = arith.constant 0 : i32
      %dma_wait3A_527 = tpu.memref_slice %arg8[%dma_wait3A_525, %dma_wait3A_526] : memref<780x64xf32, #tpu.memory_space<vmem>> -> memref<195x64xf32, #tpu.memory_space<vmem>>
      tpu.wait_dma2 semaphore(%run_scoped3A : memref<!tpu.dma_semaphore, #tpu.memory_space<semaphore_mem>>) src(%dma_wait3A_527 : memref<195x64xf32, #tpu.memory_space<vmem>>) dst(%dma_wait3A_524 : memref<195x64xf32, #tpu.memory_space<hbm>>)
      tpu.yield
    }) : () -> ()
    %dma_start3A_416 = arith.constant 6 : i32
    %dma_start3A_417 = arith.constant 0 : i32
    %dma_start3A_418 = tpu.memref_slice %arg7[%dma_start3A_416, %dma_start3A_417] : memref<8x780xi32, #tpu.memory_space<vmem>> -> memref<1x780xi32, #tpu.memory_space<vmem>>
    %dma_start3A_419 = tpu.memref_squeeze %dma_start3A_418 : memref<1x780xi32, #tpu.memory_space<vmem>> -> memref<780xi32, #tpu.memory_space<vmem>>
    %dma_start3A_420 = arith.constant 0 : i32
    %dma_start3A_421 = arith.constant 0 : i32
    %dma_start3A_422 = tpu.memref_slice %arg2[%dma_start3A_420, %dma_start3A_421] : memref<1000000x64xf32, #tpu.memory_space<hbm>> -> memref<1000000x64xf32, #tpu.memory_space<hbm>>
    tpu.enqueue_indirect_dma source(%dma_start3A_422 : memref<1000000x64xf32, #tpu.memory_space<hbm>>) target(%arg8 : memref<780x64xf32, #tpu.memory_space<vmem>>) offsets(%dma_start3A_419 : memref<780xi32, #tpu.memory_space<vmem>>) semaphore(%arg11 : memref<!tpu.dma_semaphore, #tpu.memory_space<semaphore_mem>>)
    %dma_wait3A_423 = arith.constant 6 : i32
    %dma_wait3A_424 = arith.constant 0 : i32
    %dma_wait3A_425 = tpu.memref_slice %arg7[%dma_wait3A_423, %dma_wait3A_424] : memref<8x780xi32, #tpu.memory_space<vmem>> -> memref<1x780xi32, #tpu.memory_space<vmem>>
    %dma_wait3A_426 = tpu.memref_squeeze %dma_wait3A_425 : memref<1x780xi32, #tpu.memory_space<vmem>> -> memref<780xi32, #tpu.memory_space<vmem>>
    %dma_wait3A_427 = arith.constant 0 : i32
    %dma_wait3A_428 = arith.constant 0 : i32
    %dma_wait3A_429 = tpu.memref_slice %arg2[%dma_wait3A_427, %dma_wait3A_428] : memref<1000000x64xf32, #tpu.memory_space<hbm>> -> memref<1000000x64xf32, #tpu.memory_space<hbm>>
    tpu.wait_indirect_dma semaphore(%arg11 : memref<!tpu.dma_semaphore, #tpu.memory_space<semaphore_mem>>) src(%dma_wait3A_429 : memref<1000000x64xf32, #tpu.memory_space<hbm>>) dst(%arg8 : memref<780x64xf32, #tpu.memory_space<vmem>>)
    %add3A_430 = arith.constant 24 : i32
    %add3A_431 = arith.addi %mul3A_2, %add3A_430 : i32
    %add3A_432 = arith.constant 0 : i32
    %add3A_433 = arith.addi %add3A_431, %add3A_432 : i32
    %mul3A_434 = arith.constant 200 : i32
    %mul3A_435 = arith.muli %add3A_433, %mul3A_434 : i32
    %add3A_436 = arith.constant 5 : i32
    %add3A_437 = arith.addi %mul3A_435, %add3A_436 : i32
    "tpu.region"() ({
      %run_scoped3A = tpu.sem_alloc : memref<!tpu.dma_semaphore, #tpu.memory_space<semaphore_mem>>
      %dma_start3A_508 = arith.constant 0 : i32
      %dma_start3A_509 = arith.constant 0 : i32
      %dma_start3A_510 = tpu.memref_slice %arg8[%dma_start3A_508, %dma_start3A_509] : memref<780x64xf32, #tpu.memory_space<vmem>> -> memref<195x64xf32, #tpu.memory_space<vmem>>
      %dma_start3A_511 = arith.constant 0 : i32
      %dma_start3A_512 = tpu.memref_slice %arg6[%add3A_437, %dma_start3A_511] : memref<204800x64xf32, #tpu.memory_space<hbm>> -> memref<195x64xf32, #tpu.memory_space<hbm>>
      %dma_start3A_513 = arith.constant 0 : i32
      %dma_start3A_514 = tpu.memref_slice %arg6[%add3A_437, %dma_start3A_513] : memref<204800x64xf32, #tpu.memory_space<hbm>> -> memref<195x64xf32, #tpu.memory_space<hbm>>
      %dma_start3A_515 = arith.constant 0 : i32
      %dma_start3A_516 = arith.constant 0 : i32
      %dma_start3A_517 = tpu.memref_slice %arg8[%dma_start3A_515, %dma_start3A_516] : memref<780x64xf32, #tpu.memory_space<vmem>> -> memref<195x64xf32, #tpu.memory_space<vmem>>
      tpu.enqueue_dma source(%dma_start3A_517 : memref<195x64xf32, #tpu.memory_space<vmem>>) target(%dma_start3A_514 : memref<195x64xf32, #tpu.memory_space<hbm>>) target_semaphore(%run_scoped3A : memref<!tpu.dma_semaphore, #tpu.memory_space<semaphore_mem>>)
      %dma_wait3A_518 = arith.constant 0 : i32
      %dma_wait3A_519 = arith.constant 0 : i32
      %dma_wait3A_520 = tpu.memref_slice %arg8[%dma_wait3A_518, %dma_wait3A_519] : memref<780x64xf32, #tpu.memory_space<vmem>> -> memref<195x64xf32, #tpu.memory_space<vmem>>
      %dma_wait3A_521 = arith.constant 0 : i32
      %dma_wait3A_522 = tpu.memref_slice %arg6[%add3A_437, %dma_wait3A_521] : memref<204800x64xf32, #tpu.memory_space<hbm>> -> memref<195x64xf32, #tpu.memory_space<hbm>>
      %dma_wait3A_523 = arith.constant 0 : i32
      %dma_wait3A_524 = tpu.memref_slice %arg6[%add3A_437, %dma_wait3A_523] : memref<204800x64xf32, #tpu.memory_space<hbm>> -> memref<195x64xf32, #tpu.memory_space<hbm>>
      %dma_wait3A_525 = arith.constant 0 : i32
      %dma_wait3A_526 = arith.constant 0 : i32
      %dma_wait3A_527 = tpu.memref_slice %arg8[%dma_wait3A_525, %dma_wait3A_526] : memref<780x64xf32, #tpu.memory_space<vmem>> -> memref<195x64xf32, #tpu.memory_space<vmem>>
      tpu.wait_dma2 semaphore(%run_scoped3A : memref<!tpu.dma_semaphore, #tpu.memory_space<semaphore_mem>>) src(%dma_wait3A_527 : memref<195x64xf32, #tpu.memory_space<vmem>>) dst(%dma_wait3A_524 : memref<195x64xf32, #tpu.memory_space<hbm>>)
      tpu.yield
    }) : () -> ()
    %add3A_438 = arith.constant 24 : i32
    %add3A_439 = arith.addi %mul3A_2, %add3A_438 : i32
    %add3A_440 = arith.constant 1 : i32
    %add3A_441 = arith.addi %add3A_439, %add3A_440 : i32
    %mul3A_442 = arith.constant 200 : i32
    %mul3A_443 = arith.muli %add3A_441, %mul3A_442 : i32
    %add3A_444 = arith.constant 5 : i32
    %add3A_445 = arith.addi %mul3A_443, %add3A_444 : i32
    "tpu.region"() ({
      %run_scoped3A = tpu.sem_alloc : memref<!tpu.dma_semaphore, #tpu.memory_space<semaphore_mem>>
      %dma_start3A_508 = arith.constant 195 : i32
      %dma_start3A_509 = arith.constant 0 : i32
      %dma_start3A_510 = tpu.memref_slice %arg8[%dma_start3A_508, %dma_start3A_509] : memref<780x64xf32, #tpu.memory_space<vmem>> -> memref<195x64xf32, #tpu.memory_space<vmem>>
      %dma_start3A_511 = arith.constant 0 : i32
      %dma_start3A_512 = tpu.memref_slice %arg6[%add3A_445, %dma_start3A_511] : memref<204800x64xf32, #tpu.memory_space<hbm>> -> memref<195x64xf32, #tpu.memory_space<hbm>>
      %dma_start3A_513 = arith.constant 0 : i32
      %dma_start3A_514 = tpu.memref_slice %arg6[%add3A_445, %dma_start3A_513] : memref<204800x64xf32, #tpu.memory_space<hbm>> -> memref<195x64xf32, #tpu.memory_space<hbm>>
      %dma_start3A_515 = arith.constant 195 : i32
      %dma_start3A_516 = arith.constant 0 : i32
      %dma_start3A_517 = tpu.memref_slice %arg8[%dma_start3A_515, %dma_start3A_516] : memref<780x64xf32, #tpu.memory_space<vmem>> -> memref<195x64xf32, #tpu.memory_space<vmem>>
      tpu.enqueue_dma source(%dma_start3A_517 : memref<195x64xf32, #tpu.memory_space<vmem>>) target(%dma_start3A_514 : memref<195x64xf32, #tpu.memory_space<hbm>>) target_semaphore(%run_scoped3A : memref<!tpu.dma_semaphore, #tpu.memory_space<semaphore_mem>>)
      %dma_wait3A_518 = arith.constant 195 : i32
      %dma_wait3A_519 = arith.constant 0 : i32
      %dma_wait3A_520 = tpu.memref_slice %arg8[%dma_wait3A_518, %dma_wait3A_519] : memref<780x64xf32, #tpu.memory_space<vmem>> -> memref<195x64xf32, #tpu.memory_space<vmem>>
      %dma_wait3A_521 = arith.constant 0 : i32
      %dma_wait3A_522 = tpu.memref_slice %arg6[%add3A_445, %dma_wait3A_521] : memref<204800x64xf32, #tpu.memory_space<hbm>> -> memref<195x64xf32, #tpu.memory_space<hbm>>
      %dma_wait3A_523 = arith.constant 0 : i32
      %dma_wait3A_524 = tpu.memref_slice %arg6[%add3A_445, %dma_wait3A_523] : memref<204800x64xf32, #tpu.memory_space<hbm>> -> memref<195x64xf32, #tpu.memory_space<hbm>>
      %dma_wait3A_525 = arith.constant 195 : i32
      %dma_wait3A_526 = arith.constant 0 : i32
      %dma_wait3A_527 = tpu.memref_slice %arg8[%dma_wait3A_525, %dma_wait3A_526] : memref<780x64xf32, #tpu.memory_space<vmem>> -> memref<195x64xf32, #tpu.memory_space<vmem>>
      tpu.wait_dma2 semaphore(%run_scoped3A : memref<!tpu.dma_semaphore, #tpu.memory_space<semaphore_mem>>) src(%dma_wait3A_527 : memref<195x64xf32, #tpu.memory_space<vmem>>) dst(%dma_wait3A_524 : memref<195x64xf32, #tpu.memory_space<hbm>>)
      tpu.yield
    }) : () -> ()
    %add3A_446 = arith.constant 24 : i32
    %add3A_447 = arith.addi %mul3A_2, %add3A_446 : i32
    %add3A_448 = arith.constant 2 : i32
    %add3A_449 = arith.addi %add3A_447, %add3A_448 : i32
    %mul3A_450 = arith.constant 200 : i32
    %mul3A_451 = arith.muli %add3A_449, %mul3A_450 : i32
    %add3A_452 = arith.constant 5 : i32
    %add3A_453 = arith.addi %mul3A_451, %add3A_452 : i32
    "tpu.region"() ({
      %run_scoped3A = tpu.sem_alloc : memref<!tpu.dma_semaphore, #tpu.memory_space<semaphore_mem>>
      %dma_start3A_508 = arith.constant 390 : i32
      %dma_start3A_509 = arith.constant 0 : i32
      %dma_start3A_510 = tpu.memref_slice %arg8[%dma_start3A_508, %dma_start3A_509] : memref<780x64xf32, #tpu.memory_space<vmem>> -> memref<195x64xf32, #tpu.memory_space<vmem>>
      %dma_start3A_511 = arith.constant 0 : i32
      %dma_start3A_512 = tpu.memref_slice %arg6[%add3A_453, %dma_start3A_511] : memref<204800x64xf32, #tpu.memory_space<hbm>> -> memref<195x64xf32, #tpu.memory_space<hbm>>
      %dma_start3A_513 = arith.constant 0 : i32
      %dma_start3A_514 = tpu.memref_slice %arg6[%add3A_453, %dma_start3A_513] : memref<204800x64xf32, #tpu.memory_space<hbm>> -> memref<195x64xf32, #tpu.memory_space<hbm>>
      %dma_start3A_515 = arith.constant 390 : i32
      %dma_start3A_516 = arith.constant 0 : i32
      %dma_start3A_517 = tpu.memref_slice %arg8[%dma_start3A_515, %dma_start3A_516] : memref<780x64xf32, #tpu.memory_space<vmem>> -> memref<195x64xf32, #tpu.memory_space<vmem>>
      tpu.enqueue_dma source(%dma_start3A_517 : memref<195x64xf32, #tpu.memory_space<vmem>>) target(%dma_start3A_514 : memref<195x64xf32, #tpu.memory_space<hbm>>) target_semaphore(%run_scoped3A : memref<!tpu.dma_semaphore, #tpu.memory_space<semaphore_mem>>)
      %dma_wait3A_518 = arith.constant 390 : i32
      %dma_wait3A_519 = arith.constant 0 : i32
      %dma_wait3A_520 = tpu.memref_slice %arg8[%dma_wait3A_518, %dma_wait3A_519] : memref<780x64xf32, #tpu.memory_space<vmem>> -> memref<195x64xf32, #tpu.memory_space<vmem>>
      %dma_wait3A_521 = arith.constant 0 : i32
      %dma_wait3A_522 = tpu.memref_slice %arg6[%add3A_453, %dma_wait3A_521] : memref<204800x64xf32, #tpu.memory_space<hbm>> -> memref<195x64xf32, #tpu.memory_space<hbm>>
      %dma_wait3A_523 = arith.constant 0 : i32
      %dma_wait3A_524 = tpu.memref_slice %arg6[%add3A_453, %dma_wait3A_523] : memref<204800x64xf32, #tpu.memory_space<hbm>> -> memref<195x64xf32, #tpu.memory_space<hbm>>
      %dma_wait3A_525 = arith.constant 390 : i32
      %dma_wait3A_526 = arith.constant 0 : i32
      %dma_wait3A_527 = tpu.memref_slice %arg8[%dma_wait3A_525, %dma_wait3A_526] : memref<780x64xf32, #tpu.memory_space<vmem>> -> memref<195x64xf32, #tpu.memory_space<vmem>>
      tpu.wait_dma2 semaphore(%run_scoped3A : memref<!tpu.dma_semaphore, #tpu.memory_space<semaphore_mem>>) src(%dma_wait3A_527 : memref<195x64xf32, #tpu.memory_space<vmem>>) dst(%dma_wait3A_524 : memref<195x64xf32, #tpu.memory_space<hbm>>)
      tpu.yield
    }) : () -> ()
    %add3A_454 = arith.constant 24 : i32
    %add3A_455 = arith.addi %mul3A_2, %add3A_454 : i32
    %add3A_456 = arith.constant 3 : i32
    %add3A_457 = arith.addi %add3A_455, %add3A_456 : i32
    %mul3A_458 = arith.constant 200 : i32
    %mul3A_459 = arith.muli %add3A_457, %mul3A_458 : i32
    %add3A_460 = arith.constant 5 : i32
    %add3A_461 = arith.addi %mul3A_459, %add3A_460 : i32
    "tpu.region"() ({
      %run_scoped3A = tpu.sem_alloc : memref<!tpu.dma_semaphore, #tpu.memory_space<semaphore_mem>>
      %dma_start3A_508 = arith.constant 585 : i32
      %dma_start3A_509 = arith.constant 0 : i32
      %dma_start3A_510 = tpu.memref_slice %arg8[%dma_start3A_508, %dma_start3A_509] : memref<780x64xf32, #tpu.memory_space<vmem>> -> memref<195x64xf32, #tpu.memory_space<vmem>>
      %dma_start3A_511 = arith.constant 0 : i32
      %dma_start3A_512 = tpu.memref_slice %arg6[%add3A_461, %dma_start3A_511] : memref<204800x64xf32, #tpu.memory_space<hbm>> -> memref<195x64xf32, #tpu.memory_space<hbm>>
      %dma_start3A_513 = arith.constant 0 : i32
      %dma_start3A_514 = tpu.memref_slice %arg6[%add3A_461, %dma_start3A_513] : memref<204800x64xf32, #tpu.memory_space<hbm>> -> memref<195x64xf32, #tpu.memory_space<hbm>>
      %dma_start3A_515 = arith.constant 585 : i32
      %dma_start3A_516 = arith.constant 0 : i32
      %dma_start3A_517 = tpu.memref_slice %arg8[%dma_start3A_515, %dma_start3A_516] : memref<780x64xf32, #tpu.memory_space<vmem>> -> memref<195x64xf32, #tpu.memory_space<vmem>>
      tpu.enqueue_dma source(%dma_start3A_517 : memref<195x64xf32, #tpu.memory_space<vmem>>) target(%dma_start3A_514 : memref<195x64xf32, #tpu.memory_space<hbm>>) target_semaphore(%run_scoped3A : memref<!tpu.dma_semaphore, #tpu.memory_space<semaphore_mem>>)
      %dma_wait3A_518 = arith.constant 585 : i32
      %dma_wait3A_519 = arith.constant 0 : i32
      %dma_wait3A_520 = tpu.memref_slice %arg8[%dma_wait3A_518, %dma_wait3A_519] : memref<780x64xf32, #tpu.memory_space<vmem>> -> memref<195x64xf32, #tpu.memory_space<vmem>>
      %dma_wait3A_521 = arith.constant 0 : i32
      %dma_wait3A_522 = tpu.memref_slice %arg6[%add3A_461, %dma_wait3A_521] : memref<204800x64xf32, #tpu.memory_space<hbm>> -> memref<195x64xf32, #tpu.memory_space<hbm>>
      %dma_wait3A_523 = arith.constant 0 : i32
      %dma_wait3A_524 = tpu.memref_slice %arg6[%add3A_461, %dma_wait3A_523] : memref<204800x64xf32, #tpu.memory_space<hbm>> -> memref<195x64xf32, #tpu.memory_space<hbm>>
      %dma_wait3A_525 = arith.constant 585 : i32
      %dma_wait3A_526 = arith.constant 0 : i32
      %dma_wait3A_527 = tpu.memref_slice %arg8[%dma_wait3A_525, %dma_wait3A_526] : memref<780x64xf32, #tpu.memory_space<vmem>> -> memref<195x64xf32, #tpu.memory_space<vmem>>
      tpu.wait_dma2 semaphore(%run_scoped3A : memref<!tpu.dma_semaphore, #tpu.memory_space<semaphore_mem>>) src(%dma_wait3A_527 : memref<195x64xf32, #tpu.memory_space<vmem>>) dst(%dma_wait3A_524 : memref<195x64xf32, #tpu.memory_space<hbm>>)
      tpu.yield
    }) : () -> ()
    %dma_start3A_462 = arith.constant 7 : i32
    %dma_start3A_463 = arith.constant 0 : i32
    %dma_start3A_464 = tpu.memref_slice %arg7[%dma_start3A_462, %dma_start3A_463] : memref<8x780xi32, #tpu.memory_space<vmem>> -> memref<1x780xi32, #tpu.memory_space<vmem>>
    %dma_start3A_465 = tpu.memref_squeeze %dma_start3A_464 : memref<1x780xi32, #tpu.memory_space<vmem>> -> memref<780xi32, #tpu.memory_space<vmem>>
    %dma_start3A_466 = arith.constant 0 : i32
    %dma_start3A_467 = arith.constant 0 : i32
    %dma_start3A_468 = tpu.memref_slice %arg2[%dma_start3A_466, %dma_start3A_467] : memref<1000000x64xf32, #tpu.memory_space<hbm>> -> memref<1000000x64xf32, #tpu.memory_space<hbm>>
    tpu.enqueue_indirect_dma source(%dma_start3A_468 : memref<1000000x64xf32, #tpu.memory_space<hbm>>) target(%arg8 : memref<780x64xf32, #tpu.memory_space<vmem>>) offsets(%dma_start3A_465 : memref<780xi32, #tpu.memory_space<vmem>>) semaphore(%arg11 : memref<!tpu.dma_semaphore, #tpu.memory_space<semaphore_mem>>)
    %dma_wait3A_469 = arith.constant 7 : i32
    %dma_wait3A_470 = arith.constant 0 : i32
    %dma_wait3A_471 = tpu.memref_slice %arg7[%dma_wait3A_469, %dma_wait3A_470] : memref<8x780xi32, #tpu.memory_space<vmem>> -> memref<1x780xi32, #tpu.memory_space<vmem>>
    %dma_wait3A_472 = tpu.memref_squeeze %dma_wait3A_471 : memref<1x780xi32, #tpu.memory_space<vmem>> -> memref<780xi32, #tpu.memory_space<vmem>>
    %dma_wait3A_473 = arith.constant 0 : i32
    %dma_wait3A_474 = arith.constant 0 : i32
    %dma_wait3A_475 = tpu.memref_slice %arg2[%dma_wait3A_473, %dma_wait3A_474] : memref<1000000x64xf32, #tpu.memory_space<hbm>> -> memref<1000000x64xf32, #tpu.memory_space<hbm>>
    tpu.wait_indirect_dma semaphore(%arg11 : memref<!tpu.dma_semaphore, #tpu.memory_space<semaphore_mem>>) src(%dma_wait3A_475 : memref<1000000x64xf32, #tpu.memory_space<hbm>>) dst(%arg8 : memref<780x64xf32, #tpu.memory_space<vmem>>)
    %add3A_476 = arith.constant 28 : i32
    %add3A_477 = arith.addi %mul3A_2, %add3A_476 : i32
    %add3A_478 = arith.constant 0 : i32
    %add3A_479 = arith.addi %add3A_477, %add3A_478 : i32
    %mul3A_480 = arith.constant 200 : i32
    %mul3A_481 = arith.muli %add3A_479, %mul3A_480 : i32
    %add3A_482 = arith.constant 5 : i32
    %add3A_483 = arith.addi %mul3A_481, %add3A_482 : i32
    "tpu.region"() ({
      %run_scoped3A = tpu.sem_alloc : memref<!tpu.dma_semaphore, #tpu.memory_space<semaphore_mem>>
      %dma_start3A_508 = arith.constant 0 : i32
      %dma_start3A_509 = arith.constant 0 : i32
      %dma_start3A_510 = tpu.memref_slice %arg8[%dma_start3A_508, %dma_start3A_509] : memref<780x64xf32, #tpu.memory_space<vmem>> -> memref<195x64xf32, #tpu.memory_space<vmem>>
      %dma_start3A_511 = arith.constant 0 : i32
      %dma_start3A_512 = tpu.memref_slice %arg6[%add3A_483, %dma_start3A_511] : memref<204800x64xf32, #tpu.memory_space<hbm>> -> memref<195x64xf32, #tpu.memory_space<hbm>>
      %dma_start3A_513 = arith.constant 0 : i32
      %dma_start3A_514 = tpu.memref_slice %arg6[%add3A_483, %dma_start3A_513] : memref<204800x64xf32, #tpu.memory_space<hbm>> -> memref<195x64xf32, #tpu.memory_space<hbm>>
      %dma_start3A_515 = arith.constant 0 : i32
      %dma_start3A_516 = arith.constant 0 : i32
      %dma_start3A_517 = tpu.memref_slice %arg8[%dma_start3A_515, %dma_start3A_516] : memref<780x64xf32, #tpu.memory_space<vmem>> -> memref<195x64xf32, #tpu.memory_space<vmem>>
      tpu.enqueue_dma source(%dma_start3A_517 : memref<195x64xf32, #tpu.memory_space<vmem>>) target(%dma_start3A_514 : memref<195x64xf32, #tpu.memory_space<hbm>>) target_semaphore(%run_scoped3A : memref<!tpu.dma_semaphore, #tpu.memory_space<semaphore_mem>>)
      %dma_wait3A_518 = arith.constant 0 : i32
      %dma_wait3A_519 = arith.constant 0 : i32
      %dma_wait3A_520 = tpu.memref_slice %arg8[%dma_wait3A_518, %dma_wait3A_519] : memref<780x64xf32, #tpu.memory_space<vmem>> -> memref<195x64xf32, #tpu.memory_space<vmem>>
      %dma_wait3A_521 = arith.constant 0 : i32
      %dma_wait3A_522 = tpu.memref_slice %arg6[%add3A_483, %dma_wait3A_521] : memref<204800x64xf32, #tpu.memory_space<hbm>> -> memref<195x64xf32, #tpu.memory_space<hbm>>
      %dma_wait3A_523 = arith.constant 0 : i32
      %dma_wait3A_524 = tpu.memref_slice %arg6[%add3A_483, %dma_wait3A_523] : memref<204800x64xf32, #tpu.memory_space<hbm>> -> memref<195x64xf32, #tpu.memory_space<hbm>>
      %dma_wait3A_525 = arith.constant 0 : i32
      %dma_wait3A_526 = arith.constant 0 : i32
      %dma_wait3A_527 = tpu.memref_slice %arg8[%dma_wait3A_525, %dma_wait3A_526] : memref<780x64xf32, #tpu.memory_space<vmem>> -> memref<195x64xf32, #tpu.memory_space<vmem>>
      tpu.wait_dma2 semaphore(%run_scoped3A : memref<!tpu.dma_semaphore, #tpu.memory_space<semaphore_mem>>) src(%dma_wait3A_527 : memref<195x64xf32, #tpu.memory_space<vmem>>) dst(%dma_wait3A_524 : memref<195x64xf32, #tpu.memory_space<hbm>>)
      tpu.yield
    }) : () -> ()
    %add3A_484 = arith.constant 28 : i32
    %add3A_485 = arith.addi %mul3A_2, %add3A_484 : i32
    %add3A_486 = arith.constant 1 : i32
    %add3A_487 = arith.addi %add3A_485, %add3A_486 : i32
    %mul3A_488 = arith.constant 200 : i32
    %mul3A_489 = arith.muli %add3A_487, %mul3A_488 : i32
    %add3A_490 = arith.constant 5 : i32
    %add3A_491 = arith.addi %mul3A_489, %add3A_490 : i32
    "tpu.region"() ({
      %run_scoped3A = tpu.sem_alloc : memref<!tpu.dma_semaphore, #tpu.memory_space<semaphore_mem>>
      %dma_start3A_508 = arith.constant 195 : i32
      %dma_start3A_509 = arith.constant 0 : i32
      %dma_start3A_510 = tpu.memref_slice %arg8[%dma_start3A_508, %dma_start3A_509] : memref<780x64xf32, #tpu.memory_space<vmem>> -> memref<195x64xf32, #tpu.memory_space<vmem>>
      %dma_start3A_511 = arith.constant 0 : i32
      %dma_start3A_512 = tpu.memref_slice %arg6[%add3A_491, %dma_start3A_511] : memref<204800x64xf32, #tpu.memory_space<hbm>> -> memref<195x64xf32, #tpu.memory_space<hbm>>
      %dma_start3A_513 = arith.constant 0 : i32
      %dma_start3A_514 = tpu.memref_slice %arg6[%add3A_491, %dma_start3A_513] : memref<204800x64xf32, #tpu.memory_space<hbm>> -> memref<195x64xf32, #tpu.memory_space<hbm>>
      %dma_start3A_515 = arith.constant 195 : i32
      %dma_start3A_516 = arith.constant 0 : i32
      %dma_start3A_517 = tpu.memref_slice %arg8[%dma_start3A_515, %dma_start3A_516] : memref<780x64xf32, #tpu.memory_space<vmem>> -> memref<195x64xf32, #tpu.memory_space<vmem>>
      tpu.enqueue_dma source(%dma_start3A_517 : memref<195x64xf32, #tpu.memory_space<vmem>>) target(%dma_start3A_514 : memref<195x64xf32, #tpu.memory_space<hbm>>) target_semaphore(%run_scoped3A : memref<!tpu.dma_semaphore, #tpu.memory_space<semaphore_mem>>)
      %dma_wait3A_518 = arith.constant 195 : i32
      %dma_wait3A_519 = arith.constant 0 : i32
      %dma_wait3A_520 = tpu.memref_slice %arg8[%dma_wait3A_518, %dma_wait3A_519] : memref<780x64xf32, #tpu.memory_space<vmem>> -> memref<195x64xf32, #tpu.memory_space<vmem>>
      %dma_wait3A_521 = arith.constant 0 : i32
      %dma_wait3A_522 = tpu.memref_slice %arg6[%add3A_491, %dma_wait3A_521] : memref<204800x64xf32, #tpu.memory_space<hbm>> -> memref<195x64xf32, #tpu.memory_space<hbm>>
      %dma_wait3A_523 = arith.constant 0 : i32
      %dma_wait3A_524 = tpu.memref_slice %arg6[%add3A_491, %dma_wait3A_523] : memref<204800x64xf32, #tpu.memory_space<hbm>> -> memref<195x64xf32, #tpu.memory_space<hbm>>
      %dma_wait3A_525 = arith.constant 195 : i32
      %dma_wait3A_526 = arith.constant 0 : i32
      %dma_wait3A_527 = tpu.memref_slice %arg8[%dma_wait3A_525, %dma_wait3A_526] : memref<780x64xf32, #tpu.memory_space<vmem>> -> memref<195x64xf32, #tpu.memory_space<vmem>>
      tpu.wait_dma2 semaphore(%run_scoped3A : memref<!tpu.dma_semaphore, #tpu.memory_space<semaphore_mem>>) src(%dma_wait3A_527 : memref<195x64xf32, #tpu.memory_space<vmem>>) dst(%dma_wait3A_524 : memref<195x64xf32, #tpu.memory_space<hbm>>)
      tpu.yield
    }) : () -> ()
    %add3A_492 = arith.constant 28 : i32
    %add3A_493 = arith.addi %mul3A_2, %add3A_492 : i32
    %add3A_494 = arith.constant 2 : i32
    %add3A_495 = arith.addi %add3A_493, %add3A_494 : i32
    %mul3A_496 = arith.constant 200 : i32
    %mul3A_497 = arith.muli %add3A_495, %mul3A_496 : i32
    %add3A_498 = arith.constant 5 : i32
    %add3A_499 = arith.addi %mul3A_497, %add3A_498 : i32
    "tpu.region"() ({
      %run_scoped3A = tpu.sem_alloc : memref<!tpu.dma_semaphore, #tpu.memory_space<semaphore_mem>>
      %dma_start3A_508 = arith.constant 390 : i32
      %dma_start3A_509 = arith.constant 0 : i32
      %dma_start3A_510 = tpu.memref_slice %arg8[%dma_start3A_508, %dma_start3A_509] : memref<780x64xf32, #tpu.memory_space<vmem>> -> memref<195x64xf32, #tpu.memory_space<vmem>>
      %dma_start3A_511 = arith.constant 0 : i32
      %dma_start3A_512 = tpu.memref_slice %arg6[%add3A_499, %dma_start3A_511] : memref<204800x64xf32, #tpu.memory_space<hbm>> -> memref<195x64xf32, #tpu.memory_space<hbm>>
      %dma_start3A_513 = arith.constant 0 : i32
      %dma_start3A_514 = tpu.memref_slice %arg6[%add3A_499, %dma_start3A_513] : memref<204800x64xf32, #tpu.memory_space<hbm>> -> memref<195x64xf32, #tpu.memory_space<hbm>>
      %dma_start3A_515 = arith.constant 390 : i32
      %dma_start3A_516 = arith.constant 0 : i32
      %dma_start3A_517 = tpu.memref_slice %arg8[%dma_start3A_515, %dma_start3A_516] : memref<780x64xf32, #tpu.memory_space<vmem>> -> memref<195x64xf32, #tpu.memory_space<vmem>>
      tpu.enqueue_dma source(%dma_start3A_517 : memref<195x64xf32, #tpu.memory_space<vmem>>) target(%dma_start3A_514 : memref<195x64xf32, #tpu.memory_space<hbm>>) target_semaphore(%run_scoped3A : memref<!tpu.dma_semaphore, #tpu.memory_space<semaphore_mem>>)
      %dma_wait3A_518 = arith.constant 390 : i32
      %dma_wait3A_519 = arith.constant 0 : i32
      %dma_wait3A_520 = tpu.memref_slice %arg8[%dma_wait3A_518, %dma_wait3A_519] : memref<780x64xf32, #tpu.memory_space<vmem>> -> memref<195x64xf32, #tpu.memory_space<vmem>>
      %dma_wait3A_521 = arith.constant 0 : i32
      %dma_wait3A_522 = tpu.memref_slice %arg6[%add3A_499, %dma_wait3A_521] : memref<204800x64xf32, #tpu.memory_space<hbm>> -> memref<195x64xf32, #tpu.memory_space<hbm>>
      %dma_wait3A_523 = arith.constant 0 : i32
      %dma_wait3A_524 = tpu.memref_slice %arg6[%add3A_499, %dma_wait3A_523] : memref<204800x64xf32, #tpu.memory_space<hbm>> -> memref<195x64xf32, #tpu.memory_space<hbm>>
      %dma_wait3A_525 = arith.constant 390 : i32
      %dma_wait3A_526 = arith.constant 0 : i32
      %dma_wait3A_527 = tpu.memref_slice %arg8[%dma_wait3A_525, %dma_wait3A_526] : memref<780x64xf32, #tpu.memory_space<vmem>> -> memref<195x64xf32, #tpu.memory_space<vmem>>
      tpu.wait_dma2 semaphore(%run_scoped3A : memref<!tpu.dma_semaphore, #tpu.memory_space<semaphore_mem>>) src(%dma_wait3A_527 : memref<195x64xf32, #tpu.memory_space<vmem>>) dst(%dma_wait3A_524 : memref<195x64xf32, #tpu.memory_space<hbm>>)
      tpu.yield
    }) : () -> ()
    %add3A_500 = arith.constant 28 : i32
    %add3A_501 = arith.addi %mul3A_2, %add3A_500 : i32
    %add3A_502 = arith.constant 3 : i32
    %add3A_503 = arith.addi %add3A_501, %add3A_502 : i32
    %mul3A_504 = arith.constant 200 : i32
    %mul3A_505 = arith.muli %add3A_503, %mul3A_504 : i32
    %add3A_506 = arith.constant 5 : i32
    %add3A_507 = arith.addi %mul3A_505, %add3A_506 : i32
    "tpu.region"() ({
      %run_scoped3A = tpu.sem_alloc : memref<!tpu.dma_semaphore, #tpu.memory_space<semaphore_mem>>
      %dma_start3A_508 = arith.constant 585 : i32
      %dma_start3A_509 = arith.constant 0 : i32
      %dma_start3A_510 = tpu.memref_slice %arg8[%dma_start3A_508, %dma_start3A_509] : memref<780x64xf32, #tpu.memory_space<vmem>> -> memref<195x64xf32, #tpu.memory_space<vmem>>
      %dma_start3A_511 = arith.constant 0 : i32
      %dma_start3A_512 = tpu.memref_slice %arg6[%add3A_507, %dma_start3A_511] : memref<204800x64xf32, #tpu.memory_space<hbm>> -> memref<195x64xf32, #tpu.memory_space<hbm>>
      %dma_start3A_513 = arith.constant 0 : i32
      %dma_start3A_514 = tpu.memref_slice %arg6[%add3A_507, %dma_start3A_513] : memref<204800x64xf32, #tpu.memory_space<hbm>> -> memref<195x64xf32, #tpu.memory_space<hbm>>
      %dma_start3A_515 = arith.constant 585 : i32
      %dma_start3A_516 = arith.constant 0 : i32
      %dma_start3A_517 = tpu.memref_slice %arg8[%dma_start3A_515, %dma_start3A_516] : memref<780x64xf32, #tpu.memory_space<vmem>> -> memref<195x64xf32, #tpu.memory_space<vmem>>
      tpu.enqueue_dma source(%dma_start3A_517 : memref<195x64xf32, #tpu.memory_space<vmem>>) target(%dma_start3A_514 : memref<195x64xf32, #tpu.memory_space<hbm>>) target_semaphore(%run_scoped3A : memref<!tpu.dma_semaphore, #tpu.memory_space<semaphore_mem>>)
      %dma_wait3A_518 = arith.constant 585 : i32
      %dma_wait3A_519 = arith.constant 0 : i32
      %dma_wait3A_520 = tpu.memref_slice %arg8[%dma_wait3A_518, %dma_wait3A_519] : memref<780x64xf32, #tpu.memory_space<vmem>> -> memref<195x64xf32, #tpu.memory_space<vmem>>
      %dma_wait3A_521 = arith.constant 0 : i32
      %dma_wait3A_522 = tpu.memref_slice %arg6[%add3A_507, %dma_wait3A_521] : memref<204800x64xf32, #tpu.memory_space<hbm>> -> memref<195x64xf32, #tpu.memory_space<hbm>>
      %dma_wait3A_523 = arith.constant 0 : i32
      %dma_wait3A_524 = tpu.memref_slice %arg6[%add3A_507, %dma_wait3A_523] : memref<204800x64xf32, #tpu.memory_space<hbm>> -> memref<195x64xf32, #tpu.memory_space<hbm>>
      %dma_wait3A_525 = arith.constant 585 : i32
      %dma_wait3A_526 = arith.constant 0 : i32
      %dma_wait3A_527 = tpu.memref_slice %arg8[%dma_wait3A_525, %dma_wait3A_526] : memref<780x64xf32, #tpu.memory_space<vmem>> -> memref<195x64xf32, #tpu.memory_space<vmem>>
      tpu.wait_dma2 semaphore(%run_scoped3A : memref<!tpu.dma_semaphore, #tpu.memory_space<semaphore_mem>>) src(%dma_wait3A_527 : memref<195x64xf32, #tpu.memory_space<vmem>>) dst(%dma_wait3A_524 : memref<195x64xf32, #tpu.memory_space<hbm>>)
      tpu.yield
    }) : () -> ()
    return
  }
}

</mosaic_0001>

<sc_bundles>
// kernel: _sc_embed.3.cloned.1.call-start
scs
__scs_entry_jumppad:
0x0: {  	(pc) =	sbr.rel $0x88, $3  }
0x1: {  	(tag) =	ssettag $0x0;
	lr =	simm.s32 $0x1  }
0x2: {  	[smem:$0x3F9D] =	sst lr;
	_ =	strace $0xD0000000  }
0x3: {  	_ = 	snop  }
0x4: {  	_ = 	snop  }
0x5: {  	_ = 	snop  }
0x6: {  	_ = 	snop  }
0x7: {  	_ = 	snop  }
__scs_overlays_trampoline_lowered:
0x8: {  	[smem:$0x3FAC] =	sst s0  }
0x9: {  	[smem:$0x3FAD] =	sst s1  }
0xa: {  	[smem:$0x3FAE] =	sst s2  }
0xb: {  	[smem:$0x3FAF] =	sst s3  }
0xc: {  	[smem:$0x3FB0] =	sst s4  }
0xd: {  	[smem:$0x3FB1] =	sst s5  }
0xe: {  	[smem:$0x3FB2] =	sst s6  }
0xf: {  	[smem:$0x3FB3] =	sst s7  }
0x10: {  	[smem:$0x3FB4] =	sst s8  }
0x11: {  	[smem:$0x3FB5] =	sst s9;
	s0 =	simm.s32 @!p0 $0x0  }
0x12: {  	s1 =	sld [smem:$0x3F9B];
	s0 =	simm.s32 @p0 $0x1  }
0x13: {  	[smem:$0x3FB6] =	sst s0;
	s0 =	simm.s32 @!p1 $0x0  }
0x14: {  	s2 =	sld [smem:$0x3F9A];
	s0 =	simm.s32 @p1 $0x1  }
0x15: {  	[smem:$0x3FB7] =	sst s0;
	s0 =	simm.s32 @!p2 $0x0  }
0x16: {  	s3 =	sld [smem:$0x3FDB];
	s0 =	simm.s32 @p2 $0x1  }
0x17: {  	s4 =	simm.s32 $0x1BF5;
	[smem:$0x3FB9] =	sst s0  }
0x18: {  	s0 =	sld [smem:$0x3F9C];
	_ =	swait.ge [sflag:s4], $0x0  }
0x19: {  	s7 =	sld [smem:$0x3F9D]  }
0x1a: {  	s8 =	sadd.s32 $0xFFFFE003, lr  }
0x1b: {  	s9 =	sadd.s32 $0xFFFFFEF7, lr;
	s5 =	simm.s32 $0xFFFFFFFF;
	p2 =	slt.u32 s8, $0xFFFFF086  }
0x1c: {  	p1 =	slt.u32 s9, $0xF7A;
	s5 =	simm.s32 @!p2 $0x0  }
0x1d: {  	s5 =	simm.s32 @p1 $0x1;
	p0 =	seq.s32 s7, s2  }
0x1e: {  	s7 =	smul.u32 @!p0 $0xF7A, s2;
	p2 =	seq.s32 @!p0 s5, $0x0  }
0x1f: {  	s9 =	smul.u32 $0xF7A, s1;
	s8 =	simm.s32 @!p0 $0x1BF5;
	p2 =	por !p2, p0  }
0x20: {  	[sflag:s8] =	ssyncset.s32 @!p0 $0xFFFFF086;
	s6 =	sadd.s32 @!p0 s3, s7;
	s7 =	simm.s32 @!p0 $0x108  }
0x21: {  	s3 =	sadd.s32 s3, s9;
	s6 =	sadd.s32 @!p0 $0x88, s6;
	s7 =	simm.s32 @p2 $0x1082  }
0x22: {  	[simem:s7], [sflag:s8] =	dma.local @!p0 [hbm:s6], $0xF7A  }
0x23: {  	s9 =	sor.u32 $0xD0000000, s2;
	s6 =	simm.s32 $0x108;
	_ =	swait.ge @!p0 [sflag:s8], $0x0  }
0x24: {  	s3 =	sadd.s32 $0x88, s3;
	s6 =	simm.s32 @!p1 $0x1082;
	[sflag:s4] =	ssyncset.s32 $0xFFFFF086  }
0x25: {  	[simem:s6], [sflag:s4] =	dma.local [hbm:s3], $0xF7A  }
0x26: {  	[smem:$0x3F9D] =	sst s1;
	(tag) =	ssettag s2;
	_ =	strace s9  }
0x27: {  	s1 =	sld [smem:$0x3FAD]  }
0x28: {  	s2 =	sld [smem:$0x3FAE]  }
0x29: {  	s4 =	sld [smem:$0x3FB0]  }
0x2a: {  	p0 =	seq.s32 s5, $0x0;
	s5 =	sld [smem:$0x3FB1]  }
0x2b: {  	s6 =	sld [smem:$0x3FB2]  }
0x2c: {  	s7 =	sld [smem:$0x3FB3]  }
0x2d: {  	s3 =	simm.s32 $0x108;
	s8 =	sld [smem:$0x3FB4]  }
0x2e: {  	s3 =	simm.s32 @!p0 $0x1082;
	s9 =	sld [smem:$0x3FB5]  }
0x2f: {  	lr =	sadd.s32 s0, s3;
	s0 =	sld [smem:$0x3FAC]  }
0x30: {  	s3 =	sld [smem:$0x3FAF]  }
0x31: {  	[smem:$0x3FB8] =	sst s10  }
0x32: {  	s10 =	sld [smem:$0x3FB6];
	_ =	sdelay $0x3  }
0x33: {  	p0 =	seq.s32 s10, $0x1;
	s10 =	sld [smem:$0x3FB8];
	_ =	sdelay $0x3  }
0x34: {  	[smem:$0x3FB8] =	sst s10  }
0x35: {  	s10 =	sld [smem:$0x3FB7];
	_ =	sdelay $0x3  }
0x36: {  	p1 =	seq.s32 s10, $0x1;
	s10 =	sld [smem:$0x3FB8];
	_ =	sdelay $0x3  }
0x37: {  	[smem:$0x3FB8] =	sst s10  }
0x38: {  	s10 =	sld [smem:$0x3FB9]  }
0x39: {  	_ = 	snop;
	(pc) =	sbr.ind lr, $3  }
0x3a: {  	_ = 	snop  }
0x3b: {  	_ = 	snop  }
0x3c: {  	p2 =	seq.s32 s10, $0x1;
	s10 =	sld [smem:$0x3FB8]  }
0x3d: {  	_ =	shalt  }
0x3e: {  	_ =	shalt  }
0x3f: {  	_ =	shalt  }
0x40: {  	_ =	shalt  }
0x41: {  	_ =	shalt  }
0x42: {  	_ =	shalt  }
0x43: {  	_ =	shalt  }
0x44: {  	_ =	shalt  }
0x45: {  	_ =	shalt  }
0x46: {  	_ =	shalt  }
0x47: {  	_ =	shalt  }
0x48: {  	_ =	shalt  }
0x49: {  	_ =	shalt  }
0x4a: {  	_ =	shalt  }
0x4b: {  	_ =	shalt  }
0x4c: {  	_ =	shalt  }
0x4d: {  	_ =	shalt  }
0x4e: {  	_ =	shalt  }
0x4f: {  	_ =	shalt  }
0x50: {  	_ =	shalt  }
0x51: {  	_ =	shalt  }
0x52: {  	_ =	shalt  }
0x53: {  	_ =	shalt  }
0x54: {  	_ =	shalt  }
0x55: {  	_ =	shalt  }
0x56: {  	_ =	shalt  }
0x57: {  	_ =	shalt  }
0x58: {  	_ =	shalt  }
0x59: {  	_ =	shalt  }
0x5a: {  	_ =	shalt  }
0x5b: {  	_ =	shalt  }
0x5c: {  	_ =	shalt  }
0x5d: {  	_ =	shalt  }
0x5e: {  	_ =	shalt  }
0x5f: {  	_ =	shalt  }
0x60: {  	_ =	shalt  }
0x61: {  	_ =	shalt  }
0x62: {  	_ =	shalt  }
0x63: {  	_ =	shalt  }
0x64: {  	_ =	shalt  }
0x65: {  	_ =	shalt  }
0x66: {  	_ =	shalt  }
0x67: {  	_ =	shalt  }
0x68: {  	_ =	shalt  }
0x69: {  	_ =	shalt  }
0x6a: {  	_ =	shalt  }
0x6b: {  	_ =	shalt  }
0x6c: {  	_ =	shalt  }
0x6d: {  	_ =	shalt  }
0x6e: {  	_ =	shalt  }
0x6f: {  	_ =	shalt  }
0x70: {  	_ =	shalt  }
0x71: {  	_ =	shalt  }
0x72: {  	_ =	shalt  }
0x73: {  	_ =	shalt  }
0x74: {  	_ =	shalt  }
0x75: {  	_ =	shalt  }
0x76: {  	_ =	shalt  }
0x77: {  	_ =	shalt  }
0x78: {  	_ =	shalt  }
0x79: {  	_ =	shalt  }
0x7a: {  	_ =	shalt  }
0x7b: {  	_ =	shalt  }
0x7c: {  	_ =	shalt  }
0x7d: {  	_ =	shalt  }
0x7e: {  	_ =	shalt  }
0x7f: {  	_ =	shalt  }
0x80: {  	_ =	shalt  }
0x81: {  	_ =	shalt  }
0x82: {  	_ =	shalt  }
0x83: {  	_ =	shalt  }
0x84: {  	_ =	shalt  }
0x85: {  	_ =	shalt  }
0x86: {  	_ =	shalt  }
0x87: {  	_ =	shalt  }
.Lfunc_end0:
.L_simem_size_0:
called_computation.1_lowered:
.L_overlay_start_0:
0x88: {  	s2 =	sld [smem:$0x3FD9]  }
0x89: {  	s3 =	sld [smem:$0x3FFE];
	_ =	sdelay $0x1  }
0x8a: {  	s1 =	srdreg.scid  }
0x8b: {  	s0 =	sand.u32 $0x1, s1  }
0x8c: {  	s17 =	sshll.u32 s0, $0xA;
	s2 =	sadd.s32 s3, s2  }
0x8d: {  	s2 =	sadd.s32 s2, s17  }
0x8e: {  	[smem:$0x3FC4] =	sst s2  }
0x8f: {  	_ = 	snop  }
0x90: {  	s2 =	sld [smem:$0x3FD0];
	(tm) =	ssettm $0x1  }
0x91: {  	s18 =	sld [smem:$0x3FFB];
	_ =	sdelay $0x3  }
0x92: {  	_ =	strace s18  }
0x93: {  	s3 =	sld [smem:$0x3FFC];
	_ =	sdelay $0x3  }
0x94: {  	_ =	strace s3  }
0x95: {  	s3 =	sld [smem:$0x3FFD];
	_ =	sdelay $0x3  }
0x96: {  	_ =	strace s3  }
0x97: {  	_ =	strace $0x8FFFFFFF  }
0x98: {  	s19 =	sld [smem:$0x3FDB];
	_ =	sdelay $0x1  }
0x99: {  	s4 =	simm.s32 $_scs_section_size  }
0x9a: {  	s5 =	simm.s32 $_size__tile_overlayer_lowered;
	s6 =	simm.s32 $_tile_overlayer_lowered  }
0x9b: {  	s22 =	simm.s32 $0x1BFF;
	s21 =	sshll.u32 s6, $0x1;
	s3 =	sadd.s32 s4, s19  }
0x9c: {  	s7 =	simm.s32 $0x0;
	s20 =	sshll.u32 s5, $0x1;
	s5 =	sadd.s32 s21, s3  }
0x9d: {  	[timem:s7], [sflag:s22] =	dma.local [hbm:s5], s20  }
0x9e: {  	_ =	swait.ge [sflag:s22], s20  }
0x9f: {  	s4 =	ssub.s32 $0x0, s20;
	[sflag:s22] =	ssyncset.done $0x0  }
0xa0: {  	[sflag:s22] =	ssyncadd.s32 s4;
	_ =	sdelay $0x1  }
0xa1: {  	s23 =	simm.s32 $0x1B8B  }
0xa2: {  	_ =	swait.ge [sflag:s23], $0x1  }
0xa3: {  	[sflag:s23] =	ssyncset.done $0x0  }
0xa4: {  	s25 =	simm.s32 $0x1B8E;
	s24 =	sld [smem:$0x3FFE];
	[sflag:s23] =	ssyncadd.s32 $0xFFFFFFFF  }
0xa5: {  	s26 =	simm.s32 $execute0_lowered;
	[smem:$0x3FD2] =	sst s25  }
0xa6: {  	s5 =	sshll.u32 s26, $0x1;
	_ =	strace $0x80000046;
	[dreg:$0x1] =	wrdreg $0xFFFFFFFF  }
0xa7: {  	s28 =	simm.s32 $_size_execute0_lowered;
	s3 =	sadd.s32 s3, s5;
	[dreg:$0x0] =	wrdreg $0x0  }
0xa8: {  	s5 =	sshll.u32 s28, $0x1;
	[dreg:$0x2] =	wrdreg s3  }
0xa9: {  	[dreg:$0x3] =	wrdreg s5  }
0xaa: {  	[dreg:$0x4] =	wrdreg $0xC0  }
0xab: {  	_ =	task [dreg:s7], $0x5FFFF  }
0xac: {  	[dreg:$0x1] =	wrdreg $0xFFFFFFFF  }
0xad: {  	[dreg:$0x0] =	wrdreg $0x60  }
0xae: {  	[dreg:$0x2] =	wrdreg s24  }
0xaf: {  	[dreg:$0x3] =	wrdreg s2  }
0xb0: {  	[dreg:$0x4] =	wrdreg $0x9  }
0xb1: {  	_ =	task.clear_ibuf [dreg:s7], $0x5FFFF;
	_ =	strace $0x90000046  }
0xb2: {  	s29 =	simm.s32 $0x9;
	_ =	strace $0x80000048  }
0xb3: {  	_ =	swait.ge [sflag:s29], $0x1  }
0xb4: {  	[sflag:s29] =	ssyncadd.s32 $0xFFFFFFFF  }
0xb5: {  	_ =	strace $0x90000048  }
0xb6: {  	_ =	sfence  }
0xb7: {  	s30 =	sld [smem:$0x0];
	_ =	sdelay $0x2  }
0xb8: {  	s31 =	sshll.u32 s1, $0xD;
	s1 =	sshrl.u32 s1, $0x2  }
0xb9: {  	s3 =	sand.u32 $0x4000, s31;
	s1 =	sadd.s32 s1, s30  }
0xba: {  	s0 =	sor.u32 s3, s0;
	s1 =	sshll.u32 s1, $0x11  }
0xbb: {  	s0 =	sor.u32 s1, s0  }
0xbc: {  	s0 =	sadd.s32 $0x8F2B, s0  }
0xbd: {  	[sflag:s0] =	ssyncadd.remote.s32 $0x1  }
0xbe: {  	_ =	sfence.sel $0xFFFF  }
0xbf: {  	[dreg:$0x0] =	wrdreg $0xFFFFFFFF;
	(pc) =	sbr.abs _section_cstart, $3  }
0xc0: {  	[dreg:$0x1] =	wrdreg $0xFFFFFFFF  }
0xc1: {  	_ =	task.clear_ibuf [dreg:s7], $0x2FFFF;
	_ =	strace $0x9FFFFFFF  }
0xc2: {  	(tm) =	ssettm $0x7FFFFFFF  }
0xc3: {  	_ =	shalt  }
tec
execute0_lowered:
.L_overlay_start_1:
0x0: {  	(tag) =	ssettag $0x1  }
0x1: {  	s1 =	srdreg.scid;
	s2 =	stileid.u32  }
0x2: {  	s1 =	sand.u32 $0x1, s1;
	s3 =	sshll.u32 s2, $0x1  }
0x3: {  	s0 =	rddreg [dreg:$0x0];
	s5 =	sor.u32 s1, s3  }
0x4: {  	s4 =	rddreg [dreg:$0x1];
	s2 =	simm.s32 $0x0;
	s6 =	smul.u32 $0x310, s5  }
0x5: {  	[smem:$0x7FF] =	sst s2;
	s7 =	smul.u32 $0x500, s5  }
0x6: {  	s3 =	sadd.s32 $0xF43200, s0;
	s8 =	smul.u32 $0x64000, s5;
	s6 =	sadd.s32 s6, s0  }
0x7: {  	_ =	strace $0x80000047;
	s0 =	sadd.s32 s7, s0;
	s6 =	sadd.s32 $0x14E00, s6  }
0x8: {  	s22 =	sshrl.u32 s8, $0x3;
	s23 =	sadd.s32 $0xAE00, s0;
	[dreg:$0x3] =	wrdreg s6  }
0x9: {  	s0 =	sadd.s32 $0xE00, s0;
	[dreg:$0x4] =	wrdreg s23;
	s6 =	sadd.s32 s4, s22  }
0xa: {  	[dreg:$0x5] =	wrdreg s0;
	s24 =	sadd.s32 $0xCA8, s6  }
0xb: {  	s25 =	sadd.s32 $0x12E8, s6;
	[dreg:$0x6] =	wrdreg s24  }
0xc: {  	s5 =	smul.u32 $0xC800, s5;
	s26 =	sadd.s32 $0x1928, s6;
	[dreg:$0x7] =	wrdreg s25  }
0xd: {  	s28 =	sadd.s32 $0x1F68, s6;
	[dreg:$0x8] =	wrdreg s26  }
0xe: {  	s7 =	sadd.s32 s4, s5;
	s4 =	sadd.s32 $0x25A8, s6;
	[dreg:$0x9] =	wrdreg s28  }
0xf: {  	s5 =	sadd.s32 $0x2BE8, s6;
	[dreg:$0xa] =	wrdreg s4  }
0x10: {  	s8 =	sadd.s32 $0x3228, s6;
	[dreg:$0xb] =	wrdreg s5  }
0x11: {  	s9 =	sadd.s32 $0x3868, s6;
	[dreg:$0xc] =	wrdreg s8  }
0x12: {  	s10 =	sadd.s32 $0x3EA8, s6;
	[dreg:$0xd] =	wrdreg s9  }
0x13: {  	s11 =	sadd.s32 $0x44E8, s6;
	[dreg:$0xe] =	wrdreg s10  }
0x14: {  	s12 =	sadd.s32 $0x4B28, s6;
	[dreg:$0xf] =	wrdreg s11  }
0x15: {  	s13 =	sadd.s32 $0x5168, s6;
	[dreg:$0x10] =	wrdreg s12  }
0x16: {  	s14 =	sadd.s32 $0x57A8, s6;
	[dreg:$0x11] =	wrdreg s13  }
0x17: {  	s15 =	sadd.s32 $0x5DE8, s6;
	[dreg:$0x12] =	wrdreg s14  }
0x18: {  	s16 =	sadd.s32 $0x6428, s6;
	[dreg:$0x13] =	wrdreg s15  }
0x19: {  	s17 =	sadd.s32 $0x6A68, s6;
	[dreg:$0x14] =	wrdreg s16  }
0x1a: {  	s18 =	sadd.s32 $0x70A8, s6;
	[dreg:$0x15] =	wrdreg s17  }
0x1b: {  	s1 =	ssub.s32 $0x2, s1;
	s19 =	sadd.s32 $0x76E8, s6;
	[dreg:$0x16] =	wrdreg s18  }
0x1c: {  	s21 =	sshrl.u32 s1, $0x1;
	s20 =	sadd.s32 $0x7D28, s6;
	[dreg:$0x17] =	wrdreg s19  }
0x1d: {  	s1 =	ssub.s32 s1, s21;
	s21 =	sadd.s32 $0x8368, s6;
	[dreg:$0x18] =	wrdreg s20  }
0x1e: {  	s22 =	sadd.s32 $0x89A8, s6;
	[dreg:$0x19] =	wrdreg s21  }
0x1f: {  	s23 =	sadd.s32 $0x8FE8, s6;
	[dreg:$0x1a] =	wrdreg s22  }
0x20: {  	[dreg:$0x1b] =	wrdreg s23;
	s24 =	sadd.s32 $0x9628, s6  }
0x21: {  	s25 =	sadd.s32 $0x9C68, s6;
	[dreg:$0x1c] =	wrdreg s24  }
0x22: {  	s26 =	sadd.s32 $0xA2A8, s6;
	[dreg:$0x1d] =	wrdreg s25  }
0x23: {  	s28 =	sadd.s32 $0xA8E8, s6;
	[dreg:$0x1e] =	wrdreg s26  }
0x24: {  	s4 =	sadd.s32 $0xAF28, s6;
	[dreg:$0x1f] =	wrdreg s28  }
0x25: {  	s5 =	sadd.s32 $0xB568, s6;
	[smem:$0x7E8] =	sst s4  }
0x26: {  	s8 =	sadd.s32 $0xBBA8, s6;
	[smem:$0x7E9] =	sst s5  }
0x27: {  	s9 =	sadd.s32 $0xC1E8, s6;
	[smem:$0x7EA] =	sst s8  }
0x28: {  	s10 =	smax.u32 s1, $0x1;
	[smem:$0x7EB] =	sst s9  }
0x29: {  	s11 =	sadd.s32 $0x640, s7;
	[smem:$0x7EC] =	sst s10  }
0x2a: {  	s12 =	sadd.s32 $0xC80, s7;
	[smem:$0x7ED] =	sst s11  }
0x2b: {  	s13 =	sadd.s32 $0x12C0, s7;
	[smem:$0x7EE] =	sst s12  }
0x2c: {  	s14 =	sadd.s32 $0x1900, s7;
	[smem:$0x7EF] =	sst s13  }
0x2d: {  	s15 =	sadd.s32 $0x1F40, s7;
	[smem:$0x7F0] =	sst s14  }
0x2e: {  	s16 =	sadd.s32 $0x2580, s7;
	[smem:$0x7F1] =	sst s15  }
0x2f: {  	s17 =	sadd.s32 $0x2BC0, s7;
	[smem:$0x7F2] =	sst s16  }
0x30: {  	s18 =	sadd.s32 $0x3200, s7;
	[smem:$0x7F3] =	sst s17  }
0x31: {  	s19 =	sadd.s32 $0x3840, s7;
	[smem:$0x7F4] =	sst s18  }
0x32: {  	s29 =	sadd.s32 $0x7080, s7;
	s20 =	sadd.s32 $0x3E80, s7;
	[smem:$0x7F5] =	sst s19  }
0x33: {  	s30 =	sadd.s32 $0x76C0, s7;
	s21 =	sadd.s32 $0x44C0, s7;
	[smem:$0x7F6] =	sst s20  }
0x34: {  	s31 =	sadd.s32 $0x7D00, s7;
	s22 =	sadd.s32 $0x4B00, s7;
	[smem:$0x7F7] =	sst s21  }
0x35: {  	s0 =	sadd.s32 $0x8980, s7;
	s23 =	sadd.s32 $0x5140, s7;
	[smem:$0x7F8] =	sst s22  }
0x36: {  	s1 =	sadd.s32 $0x8340, s7;
	s6 =	sadd.s32 $0x9C40, s7;
	[smem:$0x7F9] =	sst s23  }
0x37: {  	s24 =	sadd.s32 $0x5780, s7;
	s25 =	sadd.s32 $0x5DC0, s7;
	s26 =	sadd.s32 $0x6400, s7  }
0x38: {  	s28 =	sadd.s32 $0x6A40, s7;
	s4 =	sadd.s32 $0x8FC0, s7;
	s5 =	sadd.s32 $0x9600, s7  }
0x39: {  	s8 =	sadd.s32 $0xA280, s7;
	s9 =	sadd.s32 $0xA8C0, s7;
	s10 =	sadd.s32 $0xAF00, s7  }
0x3a: {  	s11 =	sadd.s32 $0xB540, s7;
	s12 =	sadd.s32 $0xBB80, s7;
	s13 =	sadd.s32 $0xC1C0, s7  }
0x3b: {  	s14 =	sadd.s32 $0x28, s7;
	s15 =	sadd.s32 $0x668, s7;
	s16 =	simm.s32 $0x2  }
0x3c: {  	s17 =	simm.s32 $0xDB80;
	s18 =	simm.s32 $0x30C;
	[smem:$0x7FA] =	sst s24  }
0x3d: {  	s19 =	simm.s32 $0x1880;
	s20 =	simm.s32 $0x1;
	[smem:$0x7FB] =	sst s25  }
0x3e: {  	s21 =	simm.s32 $0x4940;
	s22 =	simm.s32 $0x7A00;
	[smem:$0x7FC] =	sst s26  }
0x3f: {  	s23 =	simm.s32 $0xAAC0;
	[smem:$0x7FD] =	sst s28;
	s24 =	simm.s32 $0x0  }
.LBB2_1:
0x40: {  	s25 =	rddreg [dreg:$0x3]  }
0x41: {  	[tilespmem:s2], [sflag:$0x2] =	stream.linear.gather [hbm4b:s25+s2], $0x1880, $0x38;
	[tilespmem:$0x12B80] =	vst v63  }
0x42: {  	_ =	swait.ge [sflag:s16], $0x1880  }
0x43: {  	[sflag:s16] =	ssyncset.done $0x0  }
0x44: {  	s26 =	rddreg [dreg:$0x4];
	[sflag:s16] =	ssyncadd.s32 $0xFFFFE780  }
0x45: {  	[tilespmem:s17], [sflag:$0x2] =	stream.linear.gather [hbm4b:s26+s2], $0x2800, $0x38;
	[tilespmem:$0x12B80] =	vst v63  }
0x46: {  	_ =	swait.ge [sflag:s16], $0x2800  }
0x47: {  	[sflag:s16] =	ssyncset.done $0x0  }
0x48: {  	s26 =	simm.s32 $0x10380;
	s28 =	rddreg [dreg:$0x5];
	[sflag:s16] =	ssyncadd.s32 $0xFFFFD800  }
0x49: {  	[tilespmem:s26], [sflag:$0x2] =	stream.linear.gather [hbm4b:s28+s2], $0x2800, $0x38;
	[tilespmem:$0x12B80] =	vst v63  }
0x4a: {  	_ =	swait.ge [sflag:s16], $0x2800  }
0x4b: {  	[sflag:s16] =	ssyncset.done $0x0  }
0x4c: {  	s25 =	simm.s32 $0x0;
	[sflag:s16] =	ssyncadd.s32 $0xFFFFD800  }
0x4d: {  	v3 =	vld [tilespmem:s25+$0x10380]  }
0x4e: {  	v4 =	vld [tilespmem:s25+$0x10390]  }
0x4f: {  	v5 =	vld [tilespmem:s25+$0x103A0]  }
0x50: {  	v6 =	vld [tilespmem:s25+$0x103B0]  }
0x51: {  	v2 =	vld [tilespmem:s25+$0xDB80]  }
0x52: {  	v1 =	vld [tilespmem:s25+$0xDB90]  }
0x53: {  	s26 =	simm.s32 $0x100;
	v0 =	vld [tilespmem:s25+$0xDBA0]  }
.LBB2_2:
0x54: {  	p0 =	sne.s32 s26, $0x9F00;
	v7 =	vld [tilespmem:s25+$0xDBB0];
	_ =	sdelay $0x1  }
0x55: {  	v3 =	vadd.f32 v3, v2  }
0x56: {  	v4 =	vadd.f32 v4, v1  }
0x57: {  	v5 =	vadd.f32 v5, v0;
	(erf) = vrcp.f32 v3  }
0x58: {  	v3 =	vadd.f32 v6, v7;
	(erf) = vrcp.f32 v4  }
0x59: {  	(erf) = vrcp.f32 v5  }
0x5a: {  	(erf) = vrcp.f32 v3;
	_ =	sdelay $0x4  }
0x5b: {  	s28 =	sshra.s32 s26, $0x2  }
0x5c: {  	v3 =	vld [tilespmem:s28+$0x10380];
	v5 =	vpop (erf)  }
0x5d: {  	v4 =	vld [tilespmem:s28+$0x10390];
	v2 =	vmul.f32 v5, v2;
	v6 =	vpop (erf)  }
.Ltmp0:
0x5e: {  	v5 =	vld [tilespmem:s28+$0x103A0];
	v1 =	vmul.f32 v6, v1;
	v8 =	vpop (erf);
	(pc) =	sbr.rel @p0 .LBB2_2-.Ltmp0, $4  }
0x5f: {  	v6 =	vld [tilespmem:s28+$0x103B0];
	[tilespmem:s25+$0xDB80] =	vst v2;
	v0 =	vmul.f32 v8, v0;
	v8 =	vpop (erf)  }
0x60: {  	v2 =	vld [tilespmem:s28+$0xDB80];
	[tilespmem:s25+$0xDB90] =	vst v1;
	v7 =	vmul.f32 v8, v7  }
0x61: {  	v1 =	vld [tilespmem:s28+$0xDB90];
	[tilespmem:s25+$0xDBA0] =	vst v0  }
0x62: {  	s26 =	sadd.s32 $0x100, s26;
	v0 =	vld [tilespmem:s28+$0xDBA0];
	[tilespmem:s25+$0xDBB0] =	vst v7;
	s25 =	smov.u32 s28  }
0x63: {  	v7 =	vld [tilespmem:s25+$0xDBB0];
	_ =	sdelay $0x1  }
0x64: {  	v3 =	vadd.f32 v3, v2  }
0x65: {  	v4 =	vadd.f32 v4, v1  }
0x66: {  	v5 =	vadd.f32 v5, v0;
	(erf) = vrcp.f32 v3  }
0x67: {  	v55 =	vadd.f32 v6, v7;
	(erf) = vrcp.f32 v4  }
0x68: {  	(erf) = vrcp.f32 v5  }
0x69: {  	(erf) = vrcp.f32 v55;
	_ =	sdelay $0x5  }
0x6a: {  	v56 =	vpop (erf)  }
0x6b: {  	v57 =	vmul.f32 v56, v2;
	v58 =	vpop (erf)  }
0x6c: {  	v59 =	vmul.f32 v58, v1;
	v60 =	vpop (erf)  }
0x6d: {  	[tilespmem:s25+$0xDB80] =	vst v57;
	v61 =	vmul.f32 v60, v0;
	v62 =	vpop (erf)  }
0x6e: {  	[tilespmem:s25+$0xDB90] =	vst v59;
	v63 =	vmul.f32 v62, v7  }
0x6f: {  	[tilespmem:s25+$0xDBA0] =	vst v61  }
0x70: {  	[tilespmem:s25+$0xDBB0] =	vst v63  }
0x71: {  	[hbm4b:s7+s2] =	stream.linear.scatter [tilespmem:s17], [sflag:$0x2], $0x140, $0x38;
	[tilespmem:$0x12B80] =	vst v63  }
0x72: {  	_ =	swait.ge [sflag:s16], $0x140  }
0x73: {  	s28 =	sld [smem:$0x7ED]  }
0x74: {  	[sflag:s16] =	ssyncset.done $0x0  }
0x75: {  	s26 =	simm.s32 $0xDCC0;
	[sflag:s16] =	ssyncadd.s32 $0xFFFFFEC0  }
0x76: {  	[hbm4b:s28+s2] =	stream.linear.scatter [tilespmem:s26], [sflag:$0x2], $0x140, $0x38;
	[tilespmem:$0x12B80] =	vst v63  }
0x77: {  	_ =	swait.ge [sflag:s16], $0x140  }
0x78: {  	s26 =	sld [smem:$0x7EE]  }
0x79: {  	[sflag:s16] =	ssyncset.done $0x0  }
0x7a: {  	s28 =	simm.s32 $0xDE00;
	[sflag:s16] =	ssyncadd.s32 $0xFFFFFEC0  }
0x7b: {  	[hbm4b:s26+s2] =	stream.linear.scatter [tilespmem:s28], [sflag:$0x2], $0x140, $0x38;
	[tilespmem:$0x12B80] =	vst v63  }
0x7c: {  	_ =	swait.ge [sflag:s16], $0x140  }
0x7d: {  	s26 =	sld [smem:$0x7EF]  }
0x7e: {  	[sflag:s16] =	ssyncset.done $0x0  }
0x7f: {  	s28 =	simm.s32 $0xDF40;
	[sflag:s16] =	ssyncadd.s32 $0xFFFFFEC0  }
0x80: {  	[hbm4b:s26+s2] =	stream.linear.scatter [tilespmem:s28], [sflag:$0x2], $0x140, $0x38;
	[tilespmem:$0x12B80] =	vst v63  }
0x81: {  	_ =	swait.ge [sflag:s16], $0x140  }
0x82: {  	s26 =	sld [smem:$0x7F0]  }
0x83: {  	[sflag:s16] =	ssyncset.done $0x0  }
0x84: {  	s28 =	simm.s32 $0xE080;
	[sflag:s16] =	ssyncadd.s32 $0xFFFFFEC0  }
0x85: {  	[hbm4b:s26+s2] =	stream.linear.scatter [tilespmem:s28], [sflag:$0x2], $0x140, $0x38;
	[tilespmem:$0x12B80] =	vst v63  }
0x86: {  	_ =	swait.ge [sflag:s16], $0x140  }
0x87: {  	s26 =	sld [smem:$0x7F1]  }
0x88: {  	[sflag:s16] =	ssyncset.done $0x0  }
0x89: {  	s28 =	simm.s32 $0xE1C0;
	[sflag:s16] =	ssyncadd.s32 $0xFFFFFEC0  }
0x8a: {  	[hbm4b:s26+s2] =	stream.linear.scatter [tilespmem:s28], [sflag:$0x2], $0x140, $0x38;
	[tilespmem:$0x12B80] =	vst v63  }
0x8b: {  	_ =	swait.ge [sflag:s16], $0x140  }
0x8c: {  	s26 =	sld [smem:$0x7F2]  }
0x8d: {  	[sflag:s16] =	ssyncset.done $0x0  }
0x8e: {  	s28 =	simm.s32 $0xE300;
	[sflag:s16] =	ssyncadd.s32 $0xFFFFFEC0  }
0x8f: {  	[hbm4b:s26+s2] =	stream.linear.scatter [tilespmem:s28], [sflag:$0x2], $0x140, $0x38;
	[tilespmem:$0x12B80] =	vst v63  }
0x90: {  	_ =	swait.ge [sflag:s16], $0x140  }
0x91: {  	s26 =	sld [smem:$0x7F3]  }
0x92: {  	[sflag:s16] =	ssyncset.done $0x0  }
0x93: {  	s28 =	simm.s32 $0xE440;
	[sflag:s16] =	ssyncadd.s32 $0xFFFFFEC0  }
0x94: {  	[hbm4b:s26+s2] =	stream.linear.scatter [tilespmem:s28], [sflag:$0x2], $0x140, $0x38;
	[tilespmem:$0x12B80] =	vst v63  }
0x95: {  	_ =	swait.ge [sflag:s16], $0x140  }
0x96: {  	s26 =	sld [smem:$0x7F4]  }
0x97: {  	[sflag:s16] =	ssyncset.done $0x0  }
0x98: {  	s28 =	simm.s32 $0xE580;
	[sflag:s16] =	ssyncadd.s32 $0xFFFFFEC0  }
0x99: {  	[hbm4b:s26+s2] =	stream.linear.scatter [tilespmem:s28], [sflag:$0x2], $0x140, $0x38;
	[tilespmem:$0x12B80] =	vst v63  }
0x9a: {  	_ =	swait.ge [sflag:s16], $0x140  }
0x9b: {  	s26 =	sld [smem:$0x7F5]  }
0x9c: {  	[sflag:s16] =	ssyncset.done $0x0  }
0x9d: {  	s28 =	simm.s32 $0xE6C0;
	[sflag:s16] =	ssyncadd.s32 $0xFFFFFEC0  }
0x9e: {  	[hbm4b:s26+s2] =	stream.linear.scatter [tilespmem:s28], [sflag:$0x2], $0x140, $0x38;
	[tilespmem:$0x12B80] =	vst v63  }
0x9f: {  	_ =	swait.ge [sflag:s16], $0x140  }
0xa0: {  	s26 =	sld [smem:$0x7F6]  }
0xa1: {  	[sflag:s16] =	ssyncset.done $0x0  }
0xa2: {  	s28 =	simm.s32 $0xE800;
	[sflag:s16] =	ssyncadd.s32 $0xFFFFFEC0  }
0xa3: {  	[hbm4b:s26+s2] =	stream.linear.scatter [tilespmem:s28], [sflag:$0x2], $0x140, $0x38;
	[tilespmem:$0x12B80] =	vst v63  }
0xa4: {  	_ =	swait.ge [sflag:s16], $0x140  }
0xa5: {  	s26 =	sld [smem:$0x7F7]  }
0xa6: {  	[sflag:s16] =	ssyncset.done $0x0  }
0xa7: {  	s28 =	simm.s32 $0xE940;
	[sflag:s16] =	ssyncadd.s32 $0xFFFFFEC0  }
0xa8: {  	[hbm4b:s26+s2] =	stream.linear.scatter [tilespmem:s28], [sflag:$0x2], $0x140, $0x38;
	[tilespmem:$0x12B80] =	vst v63  }
0xa9: {  	_ =	swait.ge [sflag:s16], $0x140  }
0xaa: {  	s26 =	sld [smem:$0x7F8]  }
0xab: {  	[sflag:s16] =	ssyncset.done $0x0  }
0xac: {  	s28 =	simm.s32 $0xEA80;
	[sflag:s16] =	ssyncadd.s32 $0xFFFFFEC0  }
0xad: {  	[hbm4b:s26+s2] =	stream.linear.scatter [tilespmem:s28], [sflag:$0x2], $0x140, $0x38;
	[tilespmem:$0x12B80] =	vst v63  }
0xae: {  	_ =	swait.ge [sflag:s16], $0x140  }
0xaf: {  	s26 =	sld [smem:$0x7F9]  }
0xb0: {  	[sflag:s16] =	ssyncset.done $0x0  }
0xb1: {  	s28 =	simm.s32 $0xEBC0;
	[sflag:s16] =	ssyncadd.s32 $0xFFFFFEC0  }
0xb2: {  	[hbm4b:s26+s2] =	stream.linear.scatter [tilespmem:s28], [sflag:$0x2], $0x140, $0x38;
	[tilespmem:$0x12B80] =	vst v63  }
0xb3: {  	_ =	swait.ge [sflag:s16], $0x140  }
0xb4: {  	s26 =	sld [smem:$0x7FA]  }
0xb5: {  	[sflag:s16] =	ssyncset.done $0x0  }
0xb6: {  	s28 =	simm.s32 $0xED00;
	[sflag:s16] =	ssyncadd.s32 $0xFFFFFEC0  }
0xb7: {  	[hbm4b:s26+s2] =	stream.linear.scatter [tilespmem:s28], [sflag:$0x2], $0x140, $0x38;
	[tilespmem:$0x12B80] =	vst v63  }
0xb8: {  	_ =	swait.ge [sflag:s16], $0x140  }
0xb9: {  	s26 =	sld [smem:$0x7FB]  }
0xba: {  	[sflag:s16] =	ssyncset.done $0x0  }
0xbb: {  	s28 =	simm.s32 $0xEE40;
	[sflag:s16] =	ssyncadd.s32 $0xFFFFFEC0  }
0xbc: {  	[hbm4b:s26+s2] =	stream.linear.scatter [tilespmem:s28], [sflag:$0x2], $0x140, $0x38;
	[tilespmem:$0x12B80] =	vst v63  }
0xbd: {  	_ =	swait.ge [sflag:s16], $0x140  }
0xbe: {  	s26 =	sld [smem:$0x7FC]  }
0xbf: {  	[sflag:s16] =	ssyncset.done $0x0  }
0xc0: {  	s28 =	simm.s32 $0xEF80;
	[sflag:s16] =	ssyncadd.s32 $0xFFFFFEC0  }
0xc1: {  	[hbm4b:s26+s2] =	stream.linear.scatter [tilespmem:s28], [sflag:$0x2], $0x140, $0x38;
	[tilespmem:$0x12B80] =	vst v63  }
0xc2: {  	_ =	swait.ge [sflag:s16], $0x140  }
0xc3: {  	s26 =	sld [smem:$0x7FD]  }
0xc4: {  	[sflag:s16] =	ssyncset.done $0x0  }
0xc5: {  	s28 =	simm.s32 $0xF0C0;
	[sflag:s16] =	ssyncadd.s32 $0xFFFFFEC0  }
0xc6: {  	[hbm4b:s26+s2] =	stream.linear.scatter [tilespmem:s28], [sflag:$0x2], $0x140, $0x38;
	[tilespmem:$0x12B80] =	vst v63  }
0xc7: {  	_ =	swait.ge [sflag:s16], $0x140  }
0xc8: {  	[sflag:s16] =	ssyncset.done $0x0  }
0xc9: {  	s26 =	simm.s32 $0xF200;
	[sflag:s16] =	ssyncadd.s32 $0xFFFFFEC0  }
0xca: {  	[hbm4b:s29+s2] =	stream.linear.scatter [tilespmem:s26], [sflag:$0x2], $0x140, $0x38;
	[tilespmem:$0x12B80] =	vst v63  }
0xcb: {  	_ =	swait.ge [sflag:s16], $0x140  }
0xcc: {  	[sflag:s16] =	ssyncset.done $0x0  }
0xcd: {  	s28 =	simm.s32 $0xF340;
	[sflag:s16] =	ssyncadd.s32 $0xFFFFFEC0  }
0xce: {  	[hbm4b:s30+s2] =	stream.linear.scatter [tilespmem:s28], [sflag:$0x2], $0x140, $0x38;
	[tilespmem:$0x12B80] =	vst v63  }
0xcf: {  	_ =	swait.ge [sflag:s16], $0x140  }
0xd0: {  	[sflag:s16] =	ssyncset.done $0x0  }
0xd1: {  	s26 =	simm.s32 $0xF480;
	[sflag:s16] =	ssyncadd.s32 $0xFFFFFEC0  }
0xd2: {  	[hbm4b:s31+s2] =	stream.linear.scatter [tilespmem:s26], [sflag:$0x2], $0x140, $0x38;
	[tilespmem:$0x12B80] =	vst v63  }
0xd3: {  	_ =	swait.ge [sflag:s16], $0x140  }
0xd4: {  	[sflag:s16] =	ssyncset.done $0x0  }
0xd5: {  	s28 =	simm.s32 $0xF5C0;
	[sflag:s16] =	ssyncadd.s32 $0xFFFFFEC0  }
0xd6: {  	[hbm4b:s1+s2] =	stream.linear.scatter [tilespmem:s28], [sflag:$0x2], $0x140, $0x38;
	[tilespmem:$0x12B80] =	vst v63  }
0xd7: {  	_ =	swait.ge [sflag:s16], $0x140  }
0xd8: {  	[sflag:s16] =	ssyncset.done $0x0  }
0xd9: {  	s26 =	simm.s32 $0xF700;
	[sflag:s16] =	ssyncadd.s32 $0xFFFFFEC0  }
0xda: {  	[hbm4b:s0+s2] =	stream.linear.scatter [tilespmem:s26], [sflag:$0x2], $0x140, $0x38;
	[tilespmem:$0x12B80] =	vst v63  }
0xdb: {  	_ =	swait.ge [sflag:s16], $0x140  }
0xdc: {  	[sflag:s16] =	ssyncset.done $0x0  }
0xdd: {  	s28 =	simm.s32 $0xF840;
	[sflag:s16] =	ssyncadd.s32 $0xFFFFFEC0  }
0xde: {  	[hbm4b:s4+s2] =	stream.linear.scatter [tilespmem:s28], [sflag:$0x2], $0x140, $0x38;
	[tilespmem:$0x12B80] =	vst v63  }
0xdf: {  	_ =	swait.ge [sflag:s16], $0x140  }
0xe0: {  	[sflag:s16] =	ssyncset.done $0x0  }
0xe1: {  	s26 =	simm.s32 $0xF980;
	[sflag:s16] =	ssyncadd.s32 $0xFFFFFEC0  }
0xe2: {  	[hbm4b:s5+s2] =	stream.linear.scatter [tilespmem:s26], [sflag:$0x2], $0x140, $0x38;
	[tilespmem:$0x12B80] =	vst v63  }
0xe3: {  	_ =	swait.ge [sflag:s16], $0x140  }
0xe4: {  	[sflag:s16] =	ssyncset.done $0x0  }
0xe5: {  	s28 =	simm.s32 $0xFAC0;
	[sflag:s16] =	ssyncadd.s32 $0xFFFFFEC0  }
0xe6: {  	[hbm4b:s6+s2] =	stream.linear.scatter [tilespmem:s28], [sflag:$0x2], $0x140, $0x38;
	[tilespmem:$0x12B80] =	vst v63  }
0xe7: {  	_ =	swait.ge [sflag:s16], $0x140  }
0xe8: {  	[sflag:s16] =	ssyncset.done $0x0  }
0xe9: {  	s26 =	simm.s32 $0xFC00;
	[sflag:s16] =	ssyncadd.s32 $0xFFFFFEC0  }
0xea: {  	[hbm4b:s8+s2] =	stream.linear.scatter [tilespmem:s26], [sflag:$0x2], $0x140, $0x38;
	[tilespmem:$0x12B80] =	vst v63  }
0xeb: {  	_ =	swait.ge [sflag:s16], $0x140  }
0xec: {  	[sflag:s16] =	ssyncset.done $0x0  }
0xed: {  	s28 =	simm.s32 $0xFD40;
	[sflag:s16] =	ssyncadd.s32 $0xFFFFFEC0  }
0xee: {  	[hbm4b:s9+s2] =	stream.linear.scatter [tilespmem:s28], [sflag:$0x2], $0x140, $0x38;
	[tilespmem:$0x12B80] =	vst v63  }
0xef: {  	_ =	swait.ge [sflag:s16], $0x140  }
0xf0: {  	[sflag:s16] =	ssyncset.done $0x0  }
0xf1: {  	s26 =	simm.s32 $0xFE80;
	[sflag:s16] =	ssyncadd.s32 $0xFFFFFEC0  }
0xf2: {  	[hbm4b:s10+s2] =	stream.linear.scatter [tilespmem:s26], [sflag:$0x2], $0x140, $0x38;
	[tilespmem:$0x12B80] =	vst v63  }
0xf3: {  	_ =	swait.ge [sflag:s16], $0x140  }
0xf4: {  	[sflag:s16] =	ssyncset.done $0x0  }
0xf5: {  	s28 =	simm.s32 $0xFFC0;
	[sflag:s16] =	ssyncadd.s32 $0xFFFFFEC0  }
0xf6: {  	[hbm4b:s11+s2] =	stream.linear.scatter [tilespmem:s28], [sflag:$0x2], $0x140, $0x38;
	[tilespmem:$0x12B80] =	vst v63  }
0xf7: {  	_ =	swait.ge [sflag:s16], $0x140  }
0xf8: {  	[sflag:s16] =	ssyncset.done $0x0  }
0xf9: {  	s26 =	simm.s32 $0x10100;
	[sflag:s16] =	ssyncadd.s32 $0xFFFFFEC0  }
0xfa: {  	[hbm4b:s12+s2] =	stream.linear.scatter [tilespmem:s26], [sflag:$0x2], $0x140, $0x38;
	[tilespmem:$0x12B80] =	vst v63  }
0xfb: {  	_ =	swait.ge [sflag:s16], $0x140  }
0xfc: {  	[sflag:s16] =	ssyncset.done $0x0  }
0xfd: {  	s28 =	simm.s32 $0x10240;
	[sflag:s16] =	ssyncadd.s32 $0xFFFFFEC0  }
0xfe: {  	[hbm4b:s13+s2] =	stream.linear.scatter [tilespmem:s28], [sflag:$0x2], $0x140, $0x38;
	[tilespmem:$0x12B80] =	vst v63  }
0xff: {  	_ =	swait.ge [sflag:s16], $0x140  }
0x100: {  	[sflag:s16] =	ssyncset.done $0x0  }
0x101: {  	[sflag:s16] =	ssyncadd.s32 $0xFFFFFEC0  }
0x102: {  	[tilespmem:s19], [sflag:$0x1] =	stream.indirect.gather [hbm4b:s3+s18], $0x40, s2, s18, $0xb8;
	[tilespmem:$0x12B80] =	vst v63  }
0x103: {  	_ =	swait.ge [sflag:s20], $0xC300  }
0x104: {  	[sflag:s20] =	ssyncset.done $0x0  }
0x105: {  	[sflag:s20] =	ssyncadd.s32 $0xFFFF3D00  }
0x106: {  	[hbm4b:s14+s2] =	stream.linear.scatter [tilespmem:s19], [sflag:$0x2], $0x30C0, $0x38;
	[tilespmem:$0x12B80] =	vst v63  }
0x107: {  	_ =	swait.ge [sflag:s16], $0x30C0  }
0x108: {  	[sflag:s16] =	ssyncset.done $0x0  }
0x109: {  	[sflag:s16] =	ssyncadd.s32 $0xFFFFCF40  }
0x10a: {  	[hbm4b:s15+s2] =	stream.linear.scatter [tilespmem:s21], [sflag:$0x2], $0x30C0, $0x38;
	[tilespmem:$0x12B80] =	vst v63  }
0x10b: {  	_ =	swait.ge [sflag:s16], $0x30C0  }
0x10c: {  	[sflag:s16] =	ssyncset.done $0x0  }
0x10d: {  	s26 =	rddreg [dreg:$0x6];
	[sflag:s16] =	ssyncadd.s32 $0xFFFFCF40  }
0x10e: {  	[hbm4b:s26+s2] =	stream.linear.scatter [tilespmem:s22], [sflag:$0x2], $0x30C0, $0x38;
	[tilespmem:$0x12B80] =	vst v63  }
0x10f: {  	_ =	swait.ge [sflag:s16], $0x30C0  }
0x110: {  	[sflag:s16] =	ssyncset.done $0x0  }
0x111: {  	s28 =	rddreg [dreg:$0x7];
	[sflag:s16] =	ssyncadd.s32 $0xFFFFCF40  }
0x112: {  	[hbm4b:s28+s2] =	stream.linear.scatter [tilespmem:s23], [sflag:$0x2], $0x30C0, $0x38;
	[tilespmem:$0x12B80] =	vst v63  }
0x113: {  	_ =	swait.ge [sflag:s16], $0x30C0  }
0x114: {  	[sflag:s16] =	ssyncset.done $0x0  }
0x115: {  	s26 =	simm.s32 $0x310;
	[sflag:s16] =	ssyncadd.s32 $0xFFFFCF40  }
0x116: {  	[tilespmem:s19], [sflag:$0x1] =	stream.indirect.gather [hbm4b:s3+s18], $0x40, s26, s18, $0xb8;
	[tilespmem:$0x12B80] =	vst v63  }
0x117: {  	_ =	swait.ge [sflag:s20], $0xC300  }
0x118: {  	[sflag:s20] =	ssyncset.done $0x0  }
0x119: {  	s28 =	rddreg [dreg:$0x8];
	[sflag:s20] =	ssyncadd.s32 $0xFFFF3D00  }
0x11a: {  	[hbm4b:s28+s2] =	stream.linear.scatter [tilespmem:s19], [sflag:$0x2], $0x30C0, $0x38;
	[tilespmem:$0x12B80] =	vst v63  }
0x11b: {  	_ =	swait.ge [sflag:s16], $0x30C0  }
0x11c: {  	[sflag:s16] =	ssyncset.done $0x0  }
0x11d: {  	s26 =	rddreg [dreg:$0x9];
	[sflag:s16] =	ssyncadd.s32 $0xFFFFCF40  }
0x11e: {  	[hbm4b:s26+s2] =	stream.linear.scatter [tilespmem:s21], [sflag:$0x2], $0x30C0, $0x38;
	[tilespmem:$0x12B80] =	vst v63  }
0x11f: {  	_ =	swait.ge [sflag:s16], $0x30C0  }
0x120: {  	[sflag:s16] =	ssyncset.done $0x0  }
0x121: {  	s28 =	rddreg [dreg:$0xa];
	[sflag:s16] =	ssyncadd.s32 $0xFFFFCF40  }
0x122: {  	[hbm4b:s28+s2] =	stream.linear.scatter [tilespmem:s22], [sflag:$0x2], $0x30C0, $0x38;
	[tilespmem:$0x12B80] =	vst v63  }
0x123: {  	_ =	swait.ge [sflag:s16], $0x30C0  }
0x124: {  	[sflag:s16] =	ssyncset.done $0x0  }
0x125: {  	s26 =	rddreg [dreg:$0xb];
	[sflag:s16] =	ssyncadd.s32 $0xFFFFCF40  }
0x126: {  	[hbm4b:s26+s2] =	stream.linear.scatter [tilespmem:s23], [sflag:$0x2], $0x30C0, $0x38;
	[tilespmem:$0x12B80] =	vst v63  }
0x127: {  	_ =	swait.ge [sflag:s16], $0x30C0  }
0x128: {  	[sflag:s16] =	ssyncset.done $0x0  }
0x129: {  	s28 =	simm.s32 $0x620;
	[sflag:s16] =	ssyncadd.s32 $0xFFFFCF40  }
0x12a: {  	[tilespmem:s19], [sflag:$0x1] =	stream.indirect.gather [hbm4b:s3+s18], $0x40, s28, s18, $0xb8;
	[tilespmem:$0x12B80] =	vst v63  }
0x12b: {  	_ =	swait.ge [sflag:s20], $0xC300  }
0x12c: {  	[sflag:s20] =	ssyncset.done $0x0  }
0x12d: {  	s26 =	rddreg [dreg:$0xc];
	[sflag:s20] =	ssyncadd.s32 $0xFFFF3D00  }
0x12e: {  	[hbm4b:s26+s2] =	stream.linear.scatter [tilespmem:s19], [sflag:$0x2], $0x30C0, $0x38;
	[tilespmem:$0x12B80] =	vst v63  }
0x12f: {  	_ =	swait.ge [sflag:s16], $0x30C0  }
0x130: {  	[sflag:s16] =	ssyncset.done $0x0  }
0x131: {  	s28 =	rddreg [dreg:$0xd];
	[sflag:s16] =	ssyncadd.s32 $0xFFFFCF40  }
0x132: {  	[hbm4b:s28+s2] =	stream.linear.scatter [tilespmem:s21], [sflag:$0x2], $0x30C0, $0x38;
	[tilespmem:$0x12B80] =	vst v63  }
0x133: {  	_ =	swait.ge [sflag:s16], $0x30C0  }
0x134: {  	[sflag:s16] =	ssyncset.done $0x0  }
0x135: {  	s26 =	rddreg [dreg:$0xe];
	[sflag:s16] =	ssyncadd.s32 $0xFFFFCF40  }
0x136: {  	[hbm4b:s26+s2] =	stream.linear.scatter [tilespmem:s22], [sflag:$0x2], $0x30C0, $0x38;
	[tilespmem:$0x12B80] =	vst v63  }
0x137: {  	_ =	swait.ge [sflag:s16], $0x30C0  }
0x138: {  	[sflag:s16] =	ssyncset.done $0x0  }
0x139: {  	s28 =	rddreg [dreg:$0xf];
	[sflag:s16] =	ssyncadd.s32 $0xFFFFCF40  }
0x13a: {  	[hbm4b:s28+s2] =	stream.linear.scatter [tilespmem:s23], [sflag:$0x2], $0x30C0, $0x38;
	[tilespmem:$0x12B80] =	vst v63  }
0x13b: {  	_ =	swait.ge [sflag:s16], $0x30C0  }
0x13c: {  	[sflag:s16] =	ssyncset.done $0x0  }
0x13d: {  	s26 =	simm.s32 $0x930;
	[sflag:s16] =	ssyncadd.s32 $0xFFFFCF40  }
0x13e: {  	[tilespmem:s19], [sflag:$0x1] =	stream.indirect.gather [hbm4b:s3+s18], $0x40, s26, s18, $0xb8;
	[tilespmem:$0x12B80] =	vst v63  }
0x13f: {  	_ =	swait.ge [sflag:s20], $0xC300  }
0x140: {  	[sflag:s20] =	ssyncset.done $0x0  }
0x141: {  	s28 =	rddreg [dreg:$0x10];
	[sflag:s20] =	ssyncadd.s32 $0xFFFF3D00  }
0x142: {  	[hbm4b:s28+s2] =	stream.linear.scatter [tilespmem:s19], [sflag:$0x2], $0x30C0, $0x38;
	[tilespmem:$0x12B80] =	vst v63  }
0x143: {  	_ =	swait.ge [sflag:s16], $0x30C0  }
0x144: {  	[sflag:s16] =	ssyncset.done $0x0  }
0x145: {  	s26 =	rddreg [dreg:$0x11];
	[sflag:s16] =	ssyncadd.s32 $0xFFFFCF40  }
0x146: {  	[hbm4b:s26+s2] =	stream.linear.scatter [tilespmem:s21], [sflag:$0x2], $0x30C0, $0x38;
	[tilespmem:$0x12B80] =	vst v63  }
0x147: {  	_ =	swait.ge [sflag:s16], $0x30C0  }
0x148: {  	[sflag:s16] =	ssyncset.done $0x0  }
0x149: {  	s28 =	rddreg [dreg:$0x12];
	[sflag:s16] =	ssyncadd.s32 $0xFFFFCF40  }
0x14a: {  	[hbm4b:s28+s2] =	stream.linear.scatter [tilespmem:s22], [sflag:$0x2], $0x30C0, $0x38;
	[tilespmem:$0x12B80] =	vst v63  }
0x14b: {  	_ =	swait.ge [sflag:s16], $0x30C0  }
0x14c: {  	[sflag:s16] =	ssyncset.done $0x0  }
0x14d: {  	s26 =	rddreg [dreg:$0x13];
	[sflag:s16] =	ssyncadd.s32 $0xFFFFCF40  }
0x14e: {  	[hbm4b:s26+s2] =	stream.linear.scatter [tilespmem:s23], [sflag:$0x2], $0x30C0, $0x38;
	[tilespmem:$0x12B80] =	vst v63  }
0x14f: {  	_ =	swait.ge [sflag:s16], $0x30C0  }
0x150: {  	[sflag:s16] =	ssyncset.done $0x0  }
0x151: {  	s28 =	simm.s32 $0xC40;
	[sflag:s16] =	ssyncadd.s32 $0xFFFFCF40  }
0x152: {  	[tilespmem:s19], [sflag:$0x1] =	stream.indirect.gather [hbm4b:s3+s18], $0x40, s28, s18, $0xb8;
	[tilespmem:$0x12B80] =	vst v63  }
0x153: {  	_ =	swait.ge [sflag:s20], $0xC300  }
0x154: {  	[sflag:s20] =	ssyncset.done $0x0  }
0x155: {  	s26 =	rddreg [dreg:$0x14];
	[sflag:s20] =	ssyncadd.s32 $0xFFFF3D00  }
0x156: {  	[hbm4b:s26+s2] =	stream.linear.scatter [tilespmem:s19], [sflag:$0x2], $0x30C0, $0x38;
	[tilespmem:$0x12B80] =	vst v63  }
0x157: {  	_ =	swait.ge [sflag:s16], $0x30C0  }
0x158: {  	[sflag:s16] =	ssyncset.done $0x0  }
0x159: {  	s28 =	rddreg [dreg:$0x15];
	[sflag:s16] =	ssyncadd.s32 $0xFFFFCF40  }
0x15a: {  	[hbm4b:s28+s2] =	stream.linear.scatter [tilespmem:s21], [sflag:$0x2], $0x30C0, $0x38;
	[tilespmem:$0x12B80] =	vst v63  }
0x15b: {  	_ =	swait.ge [sflag:s16], $0x30C0  }
0x15c: {  	[sflag:s16] =	ssyncset.done $0x0  }
0x15d: {  	s26 =	rddreg [dreg:$0x16];
	[sflag:s16] =	ssyncadd.s32 $0xFFFFCF40  }
0x15e: {  	[hbm4b:s26+s2] =	stream.linear.scatter [tilespmem:s22], [sflag:$0x2], $0x30C0, $0x38;
	[tilespmem:$0x12B80] =	vst v63  }
0x15f: {  	_ =	swait.ge [sflag:s16], $0x30C0  }
0x160: {  	[sflag:s16] =	ssyncset.done $0x0  }
0x161: {  	s28 =	rddreg [dreg:$0x17];
	[sflag:s16] =	ssyncadd.s32 $0xFFFFCF40  }
0x162: {  	[hbm4b:s28+s2] =	stream.linear.scatter [tilespmem:s23], [sflag:$0x2], $0x30C0, $0x38;
	[tilespmem:$0x12B80] =	vst v63  }
0x163: {  	_ =	swait.ge [sflag:s16], $0x30C0  }
0x164: {  	[sflag:s16] =	ssyncset.done $0x0  }
0x165: {  	s26 =	simm.s32 $0xF50;
	[sflag:s16] =	ssyncadd.s32 $0xFFFFCF40  }
0x166: {  	[tilespmem:s19], [sflag:$0x1] =	stream.indirect.gather [hbm4b:s3+s18], $0x40, s26, s18, $0xb8;
	[tilespmem:$0x12B80] =	vst v63  }
0x167: {  	_ =	swait.ge [sflag:s20], $0xC300  }
0x168: {  	[sflag:s20] =	ssyncset.done $0x0  }
0x169: {  	s28 =	rddreg [dreg:$0x18];
	[sflag:s20] =	ssyncadd.s32 $0xFFFF3D00  }
0x16a: {  	[hbm4b:s28+s2] =	stream.linear.scatter [tilespmem:s19], [sflag:$0x2], $0x30C0, $0x38;
	[tilespmem:$0x12B80] =	vst v63  }
0x16b: {  	_ =	swait.ge [sflag:s16], $0x30C0  }
0x16c: {  	[sflag:s16] =	ssyncset.done $0x0  }
0x16d: {  	s26 =	rddreg [dreg:$0x19];
	[sflag:s16] =	ssyncadd.s32 $0xFFFFCF40  }
0x16e: {  	[hbm4b:s26+s2] =	stream.linear.scatter [tilespmem:s21], [sflag:$0x2], $0x30C0, $0x38;
	[tilespmem:$0x12B80] =	vst v63  }
0x16f: {  	_ =	swait.ge [sflag:s16], $0x30C0  }
0x170: {  	[sflag:s16] =	ssyncset.done $0x0  }
0x171: {  	s28 =	rddreg [dreg:$0x1a];
	[sflag:s16] =	ssyncadd.s32 $0xFFFFCF40  }
0x172: {  	[hbm4b:s28+s2] =	stream.linear.scatter [tilespmem:s22], [sflag:$0x2], $0x30C0, $0x38;
	[tilespmem:$0x12B80] =	vst v63  }
0x173: {  	_ =	swait.ge [sflag:s16], $0x30C0  }
0x174: {  	[sflag:s16] =	ssyncset.done $0x0  }
0x175: {  	s26 =	rddreg [dreg:$0x1b];
	[sflag:s16] =	ssyncadd.s32 $0xFFFFCF40  }
0x176: {  	[hbm4b:s26+s2] =	stream.linear.scatter [tilespmem:s23], [sflag:$0x2], $0x30C0, $0x38;
	[tilespmem:$0x12B80] =	vst v63  }
0x177: {  	_ =	swait.ge [sflag:s16], $0x30C0  }
0x178: {  	[sflag:s16] =	ssyncset.done $0x0  }
0x179: {  	s28 =	simm.s32 $0x1260;
	[sflag:s16] =	ssyncadd.s32 $0xFFFFCF40  }
0x17a: {  	[tilespmem:s19], [sflag:$0x1] =	stream.indirect.gather [hbm4b:s3+s18], $0x40, s28, s18, $0xb8;
	[tilespmem:$0x12B80] =	vst v63  }
0x17b: {  	_ =	swait.ge [sflag:s20], $0xC300  }
0x17c: {  	[sflag:s20] =	ssyncset.done $0x0  }
0x17d: {  	s26 =	rddreg [dreg:$0x1c];
	[sflag:s20] =	ssyncadd.s32 $0xFFFF3D00  }
0x17e: {  	[hbm4b:s26+s2] =	stream.linear.scatter [tilespmem:s19], [sflag:$0x2], $0x30C0, $0x38;
	[tilespmem:$0x12B80] =	vst v63  }
0x17f: {  	_ =	swait.ge [sflag:s16], $0x30C0  }
0x180: {  	[sflag:s16] =	ssyncset.done $0x0  }
0x181: {  	s28 =	rddreg [dreg:$0x1d];
	[sflag:s16] =	ssyncadd.s32 $0xFFFFCF40  }
0x182: {  	[hbm4b:s28+s2] =	stream.linear.scatter [tilespmem:s21], [sflag:$0x2], $0x30C0, $0x38;
	[tilespmem:$0x12B80] =	vst v63  }
0x183: {  	_ =	swait.ge [sflag:s16], $0x30C0  }
0x184: {  	[sflag:s16] =	ssyncset.done $0x0  }
0x185: {  	s26 =	rddreg [dreg:$0x1e];
	[sflag:s16] =	ssyncadd.s32 $0xFFFFCF40  }
0x186: {  	[hbm4b:s26+s2] =	stream.linear.scatter [tilespmem:s22], [sflag:$0x2], $0x30C0, $0x38;
	[tilespmem:$0x12B80] =	vst v63  }
0x187: {  	_ =	swait.ge [sflag:s16], $0x30C0  }
0x188: {  	[sflag:s16] =	ssyncset.done $0x0  }
0x189: {  	s28 =	rddreg [dreg:$0x1f];
	[sflag:s16] =	ssyncadd.s32 $0xFFFFCF40  }
0x18a: {  	[hbm4b:s28+s2] =	stream.linear.scatter [tilespmem:s23], [sflag:$0x2], $0x30C0, $0x38;
	[tilespmem:$0x12B80] =	vst v63  }
0x18b: {  	_ =	swait.ge [sflag:s16], $0x30C0  }
0x18c: {  	[sflag:s16] =	ssyncset.done $0x0  }
0x18d: {  	s26 =	simm.s32 $0x1570;
	[sflag:s16] =	ssyncadd.s32 $0xFFFFCF40  }
0x18e: {  	[tilespmem:s19], [sflag:$0x1] =	stream.indirect.gather [hbm4b:s3+s18], $0x40, s26, s18, $0xb8;
	[tilespmem:$0x12B80] =	vst v63  }
0x18f: {  	_ =	swait.ge [sflag:s20], $0xC300  }
0x190: {  	s28 =	sld [smem:$0x7E8]  }
0x191: {  	[sflag:s20] =	ssyncset.done $0x0  }
0x192: {  	[sflag:s20] =	ssyncadd.s32 $0xFFFF3D00  }
0x193: {  	[hbm4b:s28+s2] =	stream.linear.scatter [tilespmem:s19], [sflag:$0x2], $0x30C0, $0x38;
	[tilespmem:$0x12B80] =	vst v63  }
0x194: {  	_ =	swait.ge [sflag:s16], $0x30C0  }
0x195: {  	s26 =	sld [smem:$0x7E9]  }
0x196: {  	[sflag:s16] =	ssyncset.done $0x0  }
0x197: {  	[sflag:s16] =	ssyncadd.s32 $0xFFFFCF40  }
0x198: {  	[hbm4b:s26+s2] =	stream.linear.scatter [tilespmem:s21], [sflag:$0x2], $0x30C0, $0x38;
	[tilespmem:$0x12B80] =	vst v63  }
0x199: {  	_ =	swait.ge [sflag:s16], $0x30C0  }
0x19a: {  	s28 =	sld [smem:$0x7EA]  }
0x19b: {  	[sflag:s16] =	ssyncset.done $0x0  }
0x19c: {  	[sflag:s16] =	ssyncadd.s32 $0xFFFFCF40  }
0x19d: {  	[hbm4b:s28+s2] =	stream.linear.scatter [tilespmem:s22], [sflag:$0x2], $0x30C0, $0x38;
	[tilespmem:$0x12B80] =	vst v63  }
0x19e: {  	_ =	swait.ge [sflag:s16], $0x30C0  }
0x19f: {  	s26 =	sld [smem:$0x7EB]  }
0x1a0: {  	[sflag:s16] =	ssyncset.done $0x0  }
0x1a1: {  	[sflag:s16] =	ssyncadd.s32 $0xFFFFCF40  }
0x1a2: {  	[hbm4b:s26+s2] =	stream.linear.scatter [tilespmem:s23], [sflag:$0x2], $0x30C0, $0x38;
	[tilespmem:$0x12B80] =	vst v63  }
0x1a3: {  	_ =	swait.ge [sflag:s16], $0x30C0  }
0x1a4: {  	s28 =	sld [smem:$0x7EC];
	_ =	sdelay $0x1  }
0x1a5: {  	s24 =	sadd.s32 $0x1, s24  }
0x1a6: {  	p0 =	sne.s32 s24, s28  }
.Ltmp1:
0x1a7: {  	_ = 	snop;
	(pc) =	sbr.rel @p0 .LBB2_1-.Ltmp1, $3  }
0x1a8: {  	_ =	sdelay $0x1  }
0x1a9: {  	[sflag:s16] =	ssyncset.done $0x0  }
0x1aa: {  	[sflag:s16] =	ssyncadd.s32 $0xFFFFCF40  }
0x1ab: {  	_ =	sfence.sel $0x180000  }
0x1ac: {  	[bflag:$0x0] =	sbarrier.arrive $0xFFFF  }
0x1ad: {  	_ =	strace $0x90000047  }
0x1ae: {  	s0 =	stileid.u32;
	[bflag:$0x2] =	sbarrier.arrive $0xFFFF  }
0x1af: {  	p0 =	sne.s32 s0, $0x0;
	s0 =	rddreg [dreg:$0x2]  }
0x1b0: {  	s0 =	sadd.s32 @!p0 $0x100000, s0  }
0x1b1: {  	[sflag:s0] =	ssyncadd.tile.s32 @!p0 $0x1;
	_ =	shalt  }
.Lfunc_end2:
_tile_overlayer_lowered:
.L_overlay_start_2:
0x1b2: {  	(tag) =	ssettag $0x2  }
0x1b3: {  	s0 =	rddreg [dreg:$0x0];
	s2 =	stileid.u32  }
0x1b4: {  	s1 =	rddreg [dreg:$0x1];
	p0 =	sne.s32 s2, $0x0  }
0x1b5: {  	s3 =	rddreg [dreg:$0x2];
	[bflag:$0x3] =	sbarrier.arrive $0xFFFF;
	s2 =	simm.s32 @!p0 $0x1C02  }
0x1b6: {  	[timem:s3], [sflag:s2] =	dma.local @!p0 [hbm:s0], s1  }
0x1b7: {  	s0 =	simm.s32 @!p0 $0x2  }
0x1b8: {  	_ =	swait.ge @!p0 [sflag:s0], s1  }
0x1b9: {  	s1 =	ssub.s32 @!p0 $0x0, s1;
	[sflag:s0] =	ssyncset.done @!p0 $0x0  }
0x1ba: {  	[sflag:s0] =	ssyncadd.s32 @!p0 s1  }
0x1bb: {  	[bflag:$0x3] =	sbarrier.arrive $0xFFFF  }
0x1bc: {  	_ =	shalt  }

// kernel: sparse-core-data-format-call.cloned.1.call-start
scs
called_computation_lowered:
.L_overlay_start_0:
0x0: {  	s2 =	sld [smem:$0x3FD9]  }
0x1: {  	s3 =	sld [smem:$0x3FFE];
	_ =	sdelay $0x1  }
0x2: {  	s1 =	srdreg.scid  }
0x3: {  	s0 =	sand.u32 $0x1, s1  }
0x4: {  	s18 =	sshll.u32 s0, $0xA;
	s2 =	sadd.s32 s3, s2  }
0x5: {  	s2 =	sadd.s32 s2, s18  }
0x6: {  	[smem:$0x3FC4] =	sst s2  }
0x7: {  	_ = 	snop  }
0x8: {  	s2 =	sld [smem:$0x3FD0];
	(tm) =	ssettm $0x1  }
0x9: {  	s19 =	sld [smem:$0x3FFB];
	_ =	sdelay $0x3  }
0xa: {  	_ =	strace s19  }
0xb: {  	s3 =	sld [smem:$0x3FFC];
	_ =	sdelay $0x3  }
0xc: {  	_ =	strace s3  }
0xd: {  	s3 =	sld [smem:$0x3FFD];
	_ =	sdelay $0x3  }
0xe: {  	_ =	strace s3  }
0xf: {  	_ =	strace $0x8FFFFFFF  }
0x10: {  	s20 =	sld [smem:$0x3FDB];
	_ =	sdelay $0x1  }
0x11: {  	s4 =	simm.s32 $_scs_section_size  }
0x12: {  	s5 =	simm.s32 $_size__tile_overlayer_lowered;
	s6 =	simm.s32 $_tile_overlayer_lowered  }
0x13: {  	s23 =	simm.s32 $0x1BFF;
	s22 =	sshll.u32 s6, $0x1;
	s3 =	sadd.s32 s4, s20  }
0x14: {  	s7 =	simm.s32 $0x0;
	s21 =	sshll.u32 s5, $0x1;
	s5 =	sadd.s32 s22, s3  }
0x15: {  	[timem:s7], [sflag:s23] =	dma.local [hbm:s5], s21  }
0x16: {  	_ =	swait.ge [sflag:s23], s21  }
0x17: {  	s4 =	ssub.s32 $0x0, s21;
	[sflag:s23] =	ssyncset.done $0x0  }
0x18: {  	[sflag:s23] =	ssyncadd.s32 s4;
	_ =	sdelay $0x1  }
0x19: {  	s24 =	simm.s32 $0x1B8B  }
0x1a: {  	_ =	swait.ge [sflag:s24], $0x1  }
0x1b: {  	[sflag:s24] =	ssyncset.done $0x0  }
0x1c: {  	s26 =	simm.s32 $0x1B8E;
	s25 =	sld [smem:$0x3FFE];
	[sflag:s24] =	ssyncadd.s32 $0xFFFFFFFF  }
0x1d: {  	s27 =	simm.s32 $execute0_lowered;
	[smem:$0x3FD2] =	sst s26  }
0x1e: {  	s5 =	sshll.u32 s27, $0x1;
	_ =	strace $0x80000049;
	[dreg:$0x1] =	wrdreg $0xFFFFFFFF  }
0x1f: {  	s28 =	simm.s32 $_size_execute0_lowered;
	s3 =	sadd.s32 s3, s5;
	[dreg:$0x0] =	wrdreg $0x0  }
0x20: {  	s5 =	sshll.u32 s28, $0x1;
	[dreg:$0x2] =	wrdreg s3  }
0x21: {  	[dreg:$0x3] =	wrdreg s5  }
0x22: {  	[dreg:$0x4] =	wrdreg $0xC0  }
0x23: {  	_ =	task [dreg:s7], $0x5FFFF  }
0x24: {  	[dreg:$0x1] =	wrdreg $0xFFFFFFFF  }
0x25: {  	[dreg:$0x0] =	wrdreg $0x60  }
0x26: {  	[dreg:$0x2] =	wrdreg s25  }
0x27: {  	[dreg:$0x3] =	wrdreg s2  }
0x28: {  	[dreg:$0x4] =	wrdreg $0x9  }
0x29: {  	_ =	task.clear_ibuf [dreg:s7], $0x5FFFF;
	_ =	strace $0x90000049  }
0x2a: {  	s29 =	simm.s32 $0x9;
	_ =	strace $0x8000004B  }
0x2b: {  	_ =	swait.ge [sflag:s29], $0x1  }
0x2c: {  	[sflag:s29] =	ssyncadd.s32 $0xFFFFFFFF  }
0x2d: {  	_ =	strace $0x9000004B  }
0x2e: {  	_ =	sfence  }
0x2f: {  	s30 =	sld [smem:$0x0];
	_ =	sdelay $0x2  }
0x30: {  	s31 =	sshll.u32 s1, $0xD;
	s1 =	sshrl.u32 s1, $0x2  }
0x31: {  	s3 =	sand.u32 $0x4000, s31;
	s1 =	sadd.s32 s1, s30  }
0x32: {  	s0 =	sor.u32 s3, s0;
	s1 =	sshll.u32 s1, $0x11  }
0x33: {  	s0 =	sor.u32 s1, s0  }
0x34: {  	s0 =	sadd.s32 $0x8F2B, s0  }
0x35: {  	[sflag:s0] =	ssyncadd.remote.s32 $0x1  }
0x36: {  	_ =	sfence.sel $0xFFFF  }
0x37: {  	[dreg:$0x0] =	wrdreg $0xFFFFFFFF;
	(pc) =	sbr.abs _section_cstart, $3  }
0x38: {  	[dreg:$0x1] =	wrdreg $0xFFFFFFFF  }
0x39: {  	_ =	task.clear_ibuf [dreg:s7], $0x2FFFF;
	_ =	strace $0x9FFFFFFF  }
0x3a: {  	(tm) =	ssettm $0x7FFFFFFF  }
0x3b: {  	_ =	shalt  }
tec
execute0_lowered:
.L_overlay_start_1:
0x0: {  	(tag) =	ssettag $0x1  }
0x1: {  	s0 =	srdreg.scid  }
0x2: {  	s1 =	sshll.u32 s0, $0x4  }
0x3: {  	s4 =	rddreg [dreg:$0x0];
	s0 =	stileid.u32;
	s1 =	sand.u32 $0x10, s1  }
0x4: {  	s2 =	rddreg [dreg:$0x1];
	s7 =	simm.s32 $0x1;
	s1 =	sor.u32 s0, s1  }
0x5: {  	s8 =	simm.s32 $0x2;
	s11 =	simm.s32 $0x0;
	s3 =	sshll.u32 s1, $0x7  }
0x6: {  	s10 =	simm.s32 $0x0;
	s4 =	sadd.s32 $0xE00, s4;
	s6 =	ssub.s32 $0x32000, s3  }
.Ltmp0:
0x7: {  	s1 =	rddreg [dreg:$0x2];
	s5 =	sand.u32 $0xF80, s6;
	(pc) =	sbr.rel .LBB1_1-.Ltmp0, $4  }
0x8: {  	_ =	strace $0x8000004A;
	s9 =	smov.u32 s3;
	p0 =	sne.s32 s5, $0x0  }
0x9: {  	s6 =	sshrl.u32 s6, $0xC;
	s5 =	simm.s32 $0x1;
	s7 =	simm.s32 @!p0 $0x0  }
0xa: {  	[sflag:s5] =	ssyncpa.u1 $0x0;
	p0 =	por $0x0, $0x0;
	s6 =	sadd.s32 s7, s6  }
0xb: {  	[sflag:s8] =	ssyncpa.u1 $0x0;
	s8 =	simm.s32 $0x190000;
	s7 =	sadd.s32 $0x1, s6  }
.LBB1_4:
0xc: {  	s14 =	sshll.u32 s11, $0x3  }
0xd: {  	s30 =	sand.u32 $0x7F, s11;
	s15 =	sand.u32 $0xFFFFFC00, s14  }
0xe: {  	s11 =	sor.u32 s30, s15  }
0xf: {  	s15 =	smulhi.u32 $0x51EB851F, s11  }
0x10: {  	s14 =	smulhi.u32 $0x51EB851F, s14  }
0x11: {  	s15 =	sshrl.u32 s15, $0x10  }
0x12: {  	s14 =	sshrl.u32 s14, $0x10;
	s15 =	smul.u32 $0x32000, s15  }
0x13: {  	s14 =	sand.u32 $0x3F, s14  }
0x14: {  	s14 =	smul.u32 $0x6400, s14;
	s11 =	ssub.s32 s11, s15  }
0x15: {  	[tilespmem:s13+$0x810 ss:$0x81] =	vst.msk $0xffff, v2;
	s15 =	sand.u32 $0x7, s11  }
0x16: {  	[tilespmem:s13+$0x1020 ss:$0x81] =	vst.msk $0xffff, v0;
	s14 =	sadd.s32 s2, s14;
	s11 =	sshrl.u32 s11, $0x3;
	s15 =	sshll.u32 s15, $0x12  }
0x17: {  	[tilespmem:s13+$0x0 ss:$0x81] =	vst.msk $0xffff, v1;
	s11 =	sadd.s32 s11, s14;
	s31 =	sor.u32 $0x400, s15  }
0x18: {  	[hbm4b:s11+s31] =	stream.strided.scatter [tilespmem:s12], [sflag:$0x2], $0x2000, s8, s31, $0x20;
	[tilespmem:$0x8080] =	vst v63  }
.LBB1_5:
0x19: {  	s13 =	sadd.s32 $0x1000, s9  }
0x1a: {  	p2 =	sgt.s32 s13, $0x31FFF  }
0x1b: {  	s13 =	smov.u32 @p2 s3;
	p2 =	sne.s32 s10, s7  }
.Ltmp1:
0x1c: {  	p1 =	slt.u32 s10, $0x2;
	(pc) =	sbr.rel @!p2 .LBB1_6-.Ltmp1, $4  }
0x1d: {  	s12 =	simm.s32 @!p1 $0x2  }
0x1e: {  	s14 =	sadd.s32 $0x1, s10;
	_ =	swait.ge @!p1 [sflag:s12], $0x2000  }
0x1f: {  	s11 =	smov.u32 s9;
	p0 =	por !p0, !p0;
	[sflag:s12] =	ssyncset.done @!p1 $0x0  }
0x20: {  	s10 =	smov.u32 s14;
	s9 =	smov.u32 s13;
	[sflag:s12] =	ssyncadd.s32 @!p1 $0xFFFFE000  }
.LBB1_1:
0x21: {  	p1 =	sge.u32 s10, s6  }
0x22: {  	s12 =	sand.u32 @!p1 $0x1FFFFFF, s9  }
0x23: {  	s13 =	smulhi.u32 @!p1 $0x147AE15, s12;
	_ =	sdelay $0x1  }
0x24: {  	s13 =	sshrl.u32 @!p1 s13, $0xA  }
0x25: {  	s13 =	smul.u32 @!p1 $0x32000, s13;
	_ =	sdelay $0x1  }
0x26: {  	s31 =	sadd.s32 $0xFFFFFFFF, s10;
	s14 =	sxor.u32 @!p1 $0xFFFFFFFF, s10;
	s12 =	ssub.s32 @!p1 s12, s13  }
0x27: {  	s15 =	simm.s32 @!p1 $0x80;
	s14 =	sshll.u32 @!p1 s14, $0xD;
	s12 =	sshll.u32 @!p1 s12, $0x4  }
0x28: {  	s13 =	sand.u32 @!p1 $0x2000, s14;
	s14 =	simm.s32 @!p1 $0x40;
	s12 =	sadd.s32 @!p1 s4, s12  }
0x29: {  	[tilespmem:s13], [sflag:$0x1] =	stream.strided.gather @!p1 [hbm4b:s12+s14], $0x2000, s15, s14, $0x38;
	[tilespmem:$0x8080] =	vst v63  }
0x2a: {  	p1 =	sge.u32 s31, s6  }
.Ltmp2:
0x2b: {  	_ = 	snop;
	(pc) =	sbr.rel @p1 .LBB1_5-.Ltmp2, $1  }
0x2c: {  	_ =	sdelay $0x3  }
0x2d: {  	s12 =	simm.s32 $0x1  }
0x2e: {  	_ =	swait.ge [sflag:s5], $0x2000;
	s12 =	simm.s32 @!p0 $0x0  }
0x2f: {  	[sflag:s5] =	ssyncset.done $0x0;
	s13 =	sshll.u32 s12, $0xD  }
0x30: {  	[sflag:s5] =	ssyncadd.s32 $0xFFFFE000;
	s16 =	sor.u32 $0x20, s13  }
0x31: {  	s12 =	smul.u32 $0x8100, s12;
	v3 =	vld [tilespmem:s16+$0x10]  }
0x32: {  	s30 =	sand.u32 $0x1, s10;
	v2 =	vld [tilespmem:s16+$0xFFFFFFF0]  }
0x33: {  	s13 =	smul.u32 $0x8100, s30;
	s12 =	sshrl.u32 s12, $0x2;
	v0 =	vld [tilespmem:s16+$0x0]  }
0x34: {  	v1 =	vld [tilespmem:s16+$0xFFFFFFE0];
	s14 =	sor.u32 $0x4000, s12  }
0x35: {  	s31 =	sshrl.u32 s13, $0x2;
	s13 =	sadd.s32 $0x0, s14  }
0x36: {  	s15 =	simm.s32 $0x4;
	s16 =	sadd.s32 $0x40, s16;
	s12 =	sor.u32 $0x4000, s31;
	[tilespmem:s13+$0x1830 ss:$0x81] =	vst.msk $0xffff, v3  }
.LBB1_3:
0x37: {  	v3 =	vld [tilespmem:s16+$0x10];
	p1 =	sne.s32 s15, $0x1FC;
	[tilespmem:s13+$0x810 ss:$0x81] =	vst.msk $0xffff, v2;
	s17 =	smov.u32 s15;
	s15 =	sadd.s32 $0x4, s15  }
.Ltmp3:
0x38: {  	v2 =	vld [tilespmem:s16+$0xFFFFFFF0];
	[tilespmem:s13+$0x1020 ss:$0x81] =	vst.msk $0xffff, v0;
	(pc) =	sbr.rel @p1 .LBB1_3-.Ltmp3, $4  }
0x39: {  	v0 =	vld [tilespmem:s16+$0x0];
	[tilespmem:s13+$0x0 ss:$0x81] =	vst.msk $0xffff, v1  }
0x3a: {  	s13 =	sshra.s32 s17, $0x2;
	v1 =	vld [tilespmem:s16+$0xFFFFFFE0]  }
0x3b: {  	s13 =	sadd.s32 s13, s14  }
0x3c: {  	s16 =	sadd.s32 $0x40, s16;
	[tilespmem:s13+$0x1830 ss:$0x81] =	vst.msk $0xffff, v3  }
.Ltmp4:
0x3d: {  	_ = 	snop;
	(pc) =	sbr.rel .LBB1_4-.Ltmp4, $1  }
0x3e: {  	_ =	sdelay $0x3  }
.LBB1_6:
0x3f: {  	_ =	sfence.sel $0x180000  }
0x40: {  	s2 =	simm.s32 $0x1;
	[bflag:$0x0] =	sbarrier.arrive $0xFFFF  }
0x41: {  	s31 =	simm.s32 $0x2;
	[sflag:s2] =	ssyncpa.u1 $0x1  }
0x42: {  	[sflag:s31] =	ssyncpa.u1 $0x1  }
0x43: {  	p0 =	sne.s32 s0, $0x0;
	_ =	strace $0x9000004A  }
0x44: {  	s0 =	sadd.s32 @!p0 $0x100000, s1;
	[bflag:$0x2] =	sbarrier.arrive $0xFFFF  }
0x45: {  	[sflag:s0] =	ssyncadd.tile.s32 @!p0 $0x1;
	_ =	shalt  }
.Lfunc_end1:
_tile_overlayer_lowered:
.L_overlay_start_2:
0x46: {  	(tag) =	ssettag $0x2  }
0x47: {  	s0 =	rddreg [dreg:$0x0];
	s2 =	stileid.u32  }
0x48: {  	s1 =	rddreg [dreg:$0x1];
	p0 =	sne.s32 s2, $0x0  }
0x49: {  	s3 =	rddreg [dreg:$0x2];
	[bflag:$0x3] =	sbarrier.arrive $0xFFFF;
	s2 =	simm.s32 @!p0 $0x1C01  }
0x4a: {  	[timem:s3], [sflag:s2] =	dma.local @!p0 [hbm:s0], s1  }
0x4b: {  	s0 =	simm.s32 @!p0 $0x1  }
0x4c: {  	_ =	swait.ge @!p0 [sflag:s0], s1  }
0x4d: {  	s1 =	ssub.s32 @!p0 $0x0, s1;
	[sflag:s0] =	ssyncset.done @!p0 $0x0  }
0x4e: {  	[sflag:s0] =	ssyncadd.s32 @!p0 s1  }
0x4f: {  	[bflag:$0x3] =	sbarrier.arrive $0xFFFF  }
0x50: {  	_ =	shalt  }

</sc_bundles>
